<compile_context>
chip_gen: v7x
topology: tpu7x:2x2x1
jax: 0.10.2.dev20260603
libtpu: 0.0.44.dev20260713+nightly
codegen_flags: <defaults>
</compile_context>

<pallas_src>
import jax
import jax.numpy as jnp
from jax import lax
from jax.experimental import pallas as pl
from jax.experimental.pallas import tpu as pltpu
from jax.experimental.pallas import tpu_sc as plsc

N_ROWS = 320000
D = 128
NC = 2
NS = 16
NW = NC * NS
LANES = 16
G = D // LANES
ROWS_PER_W = N_ROWS // NW
CHUNK_ROWS = 250
CHUNK_WORDS = CHUNK_ROWS * D
NCHUNK = ROWS_PER_W // CHUNK_ROWS
WORDS_PER_W = ROWS_PER_W * D
U = 5

_MESH = plsc.VectorSubcoreMesh(core_axis_name="c", subcore_axis_name="s")



def _wid():
    return lax.axis_index("c") * NS + lax.axis_index("s")


def _minmax_body(x_hbm, pmin_hbm, pmax_hbm, big_hbm,
                 buf0, buf1, stage, zbuf, sem0, sem1, zsem):
    wid = _wid()
    base = wid * WORDS_PER_W
    zbase = (wid * (ROWS_PER_W // 2) + 1) * D

    def dma(c, buf, sem):
        return pltpu.make_async_copy(
            x_hbm.at[pl.ds(base + c * CHUNK_WORDS, CHUNK_WORDS)], buf, sem)

    def zdma(c):
        return pltpu.make_async_copy(
            zbuf, big_hbm.at[pl.ds(zbase + c * CHUNK_WORDS, CHUNK_WORDS)],
            zsem)

    dma(0, buf0, sem0).start()
    dma(1, buf1, sem1).start()

    zero = jnp.zeros((LANES,), jnp.float32)

    def zinit(i, _):
        for u in range(8):
            zbuf[pl.ds((i * 8 + u) * LANES, LANES)] = zero
        return 0

    lax.fori_loop(0, CHUNK_WORDS // (8 * LANES), zinit, 0)

    inf = jnp.full((LANES,), jnp.inf, jnp.float32)
    ninf = jnp.full((LANES,), -jnp.inf, jnp.float32)
    acc0 = tuple([inf] * G) + tuple([ninf] * G)

    def chunk_compute(buf, acc):
        def row_body(i, a):
            mins = list(a[:G])
            maxs = list(a[G:])
            for u in range(U):
                roff = (i * U + u) * D
                for g in range(G):
                    v = buf[pl.ds(roff + g * LANES, LANES)]
                    mins[g] = jnp.minimum(mins[g], v)
                    maxs[g] = jnp.maximum(maxs[g], v)
            return tuple(mins) + tuple(maxs)
        return lax.fori_loop(0, CHUNK_ROWS // U, row_body, acc)

    def pair_body(p, acc):
        c = p * 2
        dma(c, buf0, sem0).wait()
        acc = chunk_compute(buf0, acc)

        @pl.when(c + 2 < NCHUNK)
        def _():
            dma(c + 2, buf0, sem0).start()

        @pl.when(p > 0)
        def _():
            zdma(p - 1).wait()

        zdma(p).start()

        dma(c + 1, buf1, sem1).wait()
        acc = chunk_compute(buf1, acc)

        @pl.when(c + 3 < NCHUNK)
        def _():
            dma(c + 3, buf1, sem1).start()

        return acc

    acc = lax.fori_loop(0, NCHUNK // 2, pair_body, acc0)
    zdma(NCHUNK // 2 - 1).wait()

    for g in range(G):
        stage[pl.ds(g * LANES, LANES)] = acc[g]
    pltpu.sync_copy(stage, pmin_hbm.at[pl.ds(wid * D, D)])
    for g in range(G):
        stage[pl.ds(g * LANES, LANES)] = acc[G + g]
    pltpu.sync_copy(stage, pmax_hbm.at[pl.ds(wid * D, D)])


def _relu_body(x_hbm, pmin_hbm, pmax_hbm, t_hbm, sc_hbm, big_hbm,
               out2_hbm,
               buf0, buf1, pm_v, px_v, t_v, stage, zbuf, pr_v, sc_v, shared,
               sem0, sem1, zsem):
    wid = _wid()
    base = wid * WORDS_PER_W
    zbase = ((N_ROWS // 2) + wid * (ROWS_PER_W // 2) + 1) * D

    def dma(c, buf, sem):
        return pltpu.make_async_copy(
            x_hbm.at[pl.ds(base + c * CHUNK_WORDS, CHUNK_WORDS)], buf, sem)

    def zdma(c):
        return pltpu.make_async_copy(
            zbuf, big_hbm.at[pl.ds(zbase + c * CHUNK_WORDS, CHUNK_WORDS)],
            zsem)

    dma(0, buf0, sem0).start()
    dma(1, buf1, sem1).start()

    zero = jnp.zeros((LANES,), jnp.float32)

    def zinit(i, _):
        for u in range(8):
            zbuf[pl.ds((i * 8 + u) * LANES, LANES)] = zero
        return 0

    lax.fori_loop(0, CHUNK_WORDS // (8 * LANES), zinit, 0)

    pltpu.sync_copy(pmin_hbm, pm_v)
    pltpu.sync_copy(pmax_hbm, px_v)
    pltpu.sync_copy(t_hbm, t_v)

    inf = jnp.full((LANES,), jnp.inf, jnp.float32)
    ninf = jnp.full((LANES,), -jnp.inf, jnp.float32)

    def red_body(w, a):
        mins = list(a[:G])
        maxs = list(a[G:])
        for g in range(G):
            mins[g] = jnp.minimum(mins[g], pm_v[pl.ds(w * D + g * LANES, LANES)])
            maxs[g] = jnp.maximum(maxs[g], px_v[pl.ds(w * D + g * LANES, LANES)])
        return tuple(mins) + tuple(maxs)

    red = lax.fori_loop(0, NW, red_body, tuple([inf] * G) + tuple([ninf] * G))
    bias = []
    for g in range(G):
        tg = t_v[pl.ds(g * LANES, LANES)]
        bias.append(tg * red[G + g] + (1.0 - tg) * red[g])
    bias = tuple(bias)

    acc0 = tuple([zero] * G)

    cbias = tuple(jnp.float32(CHUNK_ROWS) * bias[g] for g in range(G))

    def chunk_compute(buf, acc):
        def row_body(i, a):
            sums = list(a)
            for u in range(U):
                roff = (i * U + u) * D
                for g in range(G):
                    v = buf[pl.ds(roff + g * LANES, LANES)]
                    sums[g] = sums[g] + jnp.maximum(v, bias[g])
            return tuple(sums)
        csum = lax.fori_loop(0, CHUNK_ROWS // U, row_body, tuple([zero] * G))
        return tuple(acc[g] + (csum[g] - cbias[g]) for g in range(G))

    def pair_body(p, acc):
        c = p * 2
        dma(c, buf0, sem0).wait()
        acc = chunk_compute(buf0, acc)

        @pl.when(c + 2 < NCHUNK)
        def _():
            dma(c + 2, buf0, sem0).start()

        @pl.when(p > 0)
        def _():
            zdma(p - 1).wait()

        zdma(p).start()

        dma(c + 1, buf1, sem1).wait()
        acc = chunk_compute(buf1, acc)

        @pl.when(c + 3 < NCHUNK)
        def _():
            dma(c + 3, buf1, sem1).start()

        return acc

    acc = lax.fori_loop(0, NCHUNK // 2, pair_body, acc0)
    zdma(NCHUNK // 2 - 1).wait()

    sid = lax.axis_index("s")
    for g in range(G):
        stage[pl.ds(g * LANES, LANES)] = acc[g]
    pltpu.sync_copy(stage, shared.at[pl.ds(sid * D, D)])

    plsc.subcore_barrier()

    cid = lax.axis_index("c")

    @pl.when(sid == 0)
    def _():
        pltpu.sync_copy(shared, pr_v)
        pltpu.sync_copy(sc_hbm, sc_v)

        def sum_body(w, a):
            return tuple(a[g] + pr_v[pl.ds(w * D + g * LANES, LANES)]
                         for g in range(G))

        ssum = lax.fori_loop(0, NS, sum_body, tuple([zero] * G))
        cnt = jnp.float32(N_ROWS)
        on_core0 = (cid == 0).astype(jnp.float32)
        for g in range(G):
            s0 = sc_v[pl.ds(0 * D + g * LANES, LANES)]
            s1 = sc_v[pl.ds(1 * D + g * LANES, LANES)]
            s2 = sc_v[pl.ds(2 * D + g * LANES, LANES)]
            s3 = sc_v[pl.ds(3 * D + g * LANES, LANES)]
            row = (s3 * ssum[g]
                   + on_core0 * (s0 * cnt + s1 * red[g] + s2 * red[G + g]))
            stage[pl.ds(g * LANES, LANES)] = row
        pltpu.sync_copy(stage, out2_hbm.at[pl.ds(cid * D, D)])


_minmax_call = pl.kernel(
    _minmax_body,
    out_type=(jax.ShapeDtypeStruct((NW * D,), jnp.float32),
              jax.ShapeDtypeStruct((NW * D,), jnp.float32),
              jax.ShapeDtypeStruct(((N_ROWS + 1) * D,), jnp.float32)),
    mesh=_MESH,
    scratch_types=[
        pltpu.VMEM((CHUNK_WORDS,), jnp.float32),
        pltpu.VMEM((CHUNK_WORDS,), jnp.float32),
        pltpu.VMEM((D,), jnp.float32),
        pltpu.VMEM((CHUNK_WORDS,), jnp.float32),
        pltpu.SemaphoreType.DMA,
        pltpu.SemaphoreType.DMA,
        pltpu.SemaphoreType.DMA,
    ],
)

_relu_call = pl.kernel(
    _relu_body,
    out_type=jax.ShapeDtypeStruct((NC * D,), jnp.float32),
    mesh=_MESH,
    scratch_types=[
        pltpu.VMEM((CHUNK_WORDS,), jnp.float32),
        pltpu.VMEM((CHUNK_WORDS,), jnp.float32),
        pltpu.VMEM((NW * D,), jnp.float32),
        pltpu.VMEM((NW * D,), jnp.float32),
        pltpu.VMEM((D,), jnp.float32),
        pltpu.VMEM((D,), jnp.float32),
        pltpu.VMEM((CHUNK_WORDS,), jnp.float32),
        pltpu.VMEM((NS * D,), jnp.float32),
        pltpu.VMEM((4 * D,), jnp.float32),
        pltpu.VMEM_SHARED((NS * D,), jnp.float32),
        pltpu.SemaphoreType.DMA,
        pltpu.SemaphoreType.DMA,
        pltpu.SemaphoreType.DMA,
    ],
)


@jax.jit
def kernel(x, scalars, t):
    x1 = x.reshape(-1)
    pmin, pmax, big = _minmax_call(x1)
    out2 = _relu_call(x1, pmin, pmax, t, scalars.reshape(-1), big)
    row0 = out2[:D] + out2[D:]
    return lax.dynamic_update_slice(
        big.reshape(N_ROWS + 1, D), row0.reshape(1, D), (0, 0))

# --- scband reference (transcript-rebuilt; emitter-appended) ---
"""Pipeline reference for scband-adaptive-re-lu-85624468013533 (READ-ONLY COPY).

The authoritative reference and input builder live on the scoring server;
editing this copy changes nothing except your own understanding.
"""

import jax, jax.numpy as jnp
import numpy as np


def setup_inputs(seed: int = 0) -> dict:
    key = jax.random.key(seed)
    k1, k2, k3 = jax.random.split(key, 3)
    x = jax.random.normal(k1, (320000, 128), dtype=jnp.float32)
    scalars = jax.random.normal(k2, (4, 128), dtype=jnp.float32)
    t = jax.random.uniform(k3, (128,), dtype=jnp.float32)
    return {"x": x, "scalars": scalars, "t": t}


def reference(x, scalars, t):
    N = x.shape[0]
    d = x.shape[1]
    num_nodes = N + 1
    # torch code: batch_idx = zeros(N) -> all rows in segment 0
    seg = jnp.zeros((N,), dtype=jnp.int32)
    # bincount of segment ids over num_nodes slots
    counts = jax.ops.segment_sum(jnp.ones((N,), dtype=jnp.float32), seg, num_segments=num_nodes)
    # scatter-min / scatter-max per segment; torch_scatter leaves untouched
    # (empty) segments at the zero-initialized fill value, so mask them to 0.
    min_vals = jax.ops.segment_min(x, seg, num_segments=num_nodes)
    max_vals = jax.ops.segment_max(x, seg, num_segments=num_nodes)
    nonempty = (counts > 0)[:, None]
    min_vals = jnp.where(nonempty, min_vals, 0.0)
    max_vals = jnp.where(nonempty, max_vals, 0.0)
    # gather per-segment min/max back to each instance
    rep_min = jnp.take(min_vals, seg, axis=0)
    rep_max = jnp.take(max_vals, seg, axis=0)
    bias = t * rep_max + (1.0 - t) * rep_min
    translated = x - bias
    post_relu = jax.nn.relu(translated)
    relu_sum = jax.ops.segment_sum(post_relu, seg, num_segments=num_nodes)
    num_elements = jnp.broadcast_to(counts[:, None], (num_nodes, d))
    out = (scalars[0] * num_elements + scalars[1] * min_vals
           + scalars[2] * max_vals + scalars[3] * relu_sum)
    # torch .squeeze(-1) is a no-op since feature_dim != 1
    return out

if __name__ == "__main__":
    import jax
    _d = setup_inputs()
    print(jax.jit(kernel)(*tuple(_d.values())))

</pallas_src>

<mosaic_0001>
#map = affine_map<(d0, d1) -> (0)>
module attributes {stable_mosaic.version = 14 : i64} {
  func.func @_minmax_body(%arg0: i32, %arg1: i32, %arg2: memref<40960000xf32, #tpu.memory_space<hbm>>, %arg3: memref<4096xf32, #tpu.memory_space<hbm>>, %arg4: memref<4096xf32, #tpu.memory_space<hbm>>, %arg5: memref<40960128xf32, #tpu.memory_space<hbm>>, %arg6: memref<32000xf32, #tpu.memory_space<vmem>>, %arg7: memref<32000xf32, #tpu.memory_space<vmem>>, %arg8: memref<128xf32, #tpu.memory_space<vmem>>, %arg9: memref<32000xf32, #tpu.memory_space<vmem>>, %arg10: memref<!tpu.dma_semaphore, #tpu.memory_space<semaphore_mem>>, %arg11: memref<!tpu.dma_semaphore, #tpu.memory_space<semaphore_mem>>, %arg12: memref<!tpu.dma_semaphore, #tpu.memory_space<semaphore_mem>>) attributes {dimension_semantics = [#tpu.dimension_semantics<core_parallel>, #tpu.dimension_semantics<subcore_parallel>], iteration_bounds = array<i64: 2, 16>, scalar_prefetch = 0 : i64, scratch_operands = 7 : i64, tpu.core_type = #tpu.core_type<sc_vector_subcore>, window_params = [{transform_indices = #map}, {transform_indices = #map}, {transform_indices = #map}, {transform_indices = #map}]} {
    %mul3A = arith.constant 16 : i32
    %mul3A_0 = arith.muli %arg0, %mul3A : i32
    %add3A = arith.addi %mul3A_0, %arg1 : i32
    %mul3A_1 = arith.constant 1280000 : i32
    %mul3A_2 = arith.muli %add3A, %mul3A_1 : i32
    %mul3A_3 = arith.constant 5000 : i32
    %mul3A_4 = arith.muli %add3A, %mul3A_3 : i32
    %add3A_5 = arith.constant 1 : i32
    %add3A_6 = arith.addi %mul3A_4, %add3A_5 : i32
    %mul3A_7 = arith.constant 128 : i32
    %mul3A_8 = arith.muli %add3A_6, %mul3A_7 : i32
    %add3A_9 = arith.constant 0 : i32
    %add3A_10 = arith.addi %mul3A_2, %add3A_9 : i32
    %dma_start3A = tpu.memref_slice %arg2[%add3A_10] : memref<40960000xf32, #tpu.memory_space<hbm>> -> memref<32000xf32, #tpu.memory_space<hbm>>
    %dma_start3A_11 = tpu.memref_slice %arg2[%add3A_10] : memref<40960000xf32, #tpu.memory_space<hbm>> -> memref<32000xf32, #tpu.memory_space<hbm>>
    tpu.enqueue_dma source(%dma_start3A_11 : memref<32000xf32, #tpu.memory_space<hbm>>) target(%arg6 : memref<32000xf32, #tpu.memory_space<vmem>>) target_semaphore(%arg10 : memref<!tpu.dma_semaphore, #tpu.memory_space<semaphore_mem>>)
    %add3A_12 = arith.constant 32000 : i32
    %add3A_13 = arith.addi %mul3A_2, %add3A_12 : i32
    %dma_start3A_14 = tpu.memref_slice %arg2[%add3A_13] : memref<40960000xf32, #tpu.memory_space<hbm>> -> memref<32000xf32, #tpu.memory_space<hbm>>
    %dma_start3A_15 = tpu.memref_slice %arg2[%add3A_13] : memref<40960000xf32, #tpu.memory_space<hbm>> -> memref<32000xf32, #tpu.memory_space<hbm>>
    tpu.enqueue_dma source(%dma_start3A_15 : memref<32000xf32, #tpu.memory_space<hbm>>) target(%arg7 : memref<32000xf32, #tpu.memory_space<vmem>>) target_semaphore(%arg11 : memref<!tpu.dma_semaphore, #tpu.memory_space<semaphore_mem>>)
    %broadcast_in_dim3A = arith.constant 0.000000e+00 : f32
    %broadcast_in_dim3A_16 = vector.broadcast %broadcast_in_dim3A : f32 to vector<16xf32>
    %scan3A = arith.constant 0 : i32
    %scan3A_17 = arith.constant 0 : i32
    %scan3A_18 = arith.constant 250 : i32
    %scan3A_19 = arith.addi %scan3A_17, %scan3A_18 : i32
    %scan3A_20 = arith.constant 1 : i32
    %scan3A_21 = scf.for %scan3A_103 = %scan3A_17 to %scan3A_19 step %scan3A_20 iter_args(%scan3A_104 = %scan3A) -> (i32)  : i32 {
      %mul3A_105 = arith.constant 8 : i32
      %mul3A_106 = arith.muli %scan3A_103, %mul3A_105 : i32
      %add3A_107 = arith.constant 0 : i32
      %add3A_108 = arith.addi %mul3A_106, %add3A_107 : i32
      %mul3A_109 = arith.constant 16 : i32
      %mul3A_110 = arith.muli %add3A_108, %mul3A_109 : i32
      %swap3A_111 = arith.index_cast %mul3A_110 : i32 to index
      %swap3A_112 = tpu.vector_load %arg9[%swap3A_111] {strides = array<i32>} : memref<32000xf32, #tpu.memory_space<vmem>>, vector<16xf32>,
      %swap3A_113 = vector.shape_cast %swap3A_112 : vector<16xf32> to vector<16xf32>
      %swap3A_114 = vector.shape_cast %broadcast_in_dim3A_16 : vector<16xf32> to vector<16xf32>
      tpu.vector_store %arg9[%swap3A_111], %swap3A_114 {strides = array<i32>} : memref<32000xf32, #tpu.memory_space<vmem>>, vector<16xf32>,
      %mul3A_115 = arith.constant 8 : i32
      %mul3A_116 = arith.muli %scan3A_103, %mul3A_115 : i32
      %add3A_117 = arith.constant 1 : i32
      %add3A_118 = arith.addi %mul3A_116, %add3A_117 : i32
      %mul3A_119 = arith.constant 16 : i32
      %mul3A_120 = arith.muli %add3A_118, %mul3A_119 : i32
      %swap3A_121 = arith.index_cast %mul3A_120 : i32 to index
      %swap3A_122 = tpu.vector_load %arg9[%swap3A_121] {strides = array<i32>} : memref<32000xf32, #tpu.memory_space<vmem>>, vector<16xf32>,
      %swap3A_123 = vector.shape_cast %swap3A_122 : vector<16xf32> to vector<16xf32>
      %swap3A_124 = vector.shape_cast %broadcast_in_dim3A_16 : vector<16xf32> to vector<16xf32>
      tpu.vector_store %arg9[%swap3A_121], %swap3A_124 {strides = array<i32>} : memref<32000xf32, #tpu.memory_space<vmem>>, vector<16xf32>,
      %mul3A_125 = arith.constant 8 : i32
      %mul3A_126 = arith.muli %scan3A_103, %mul3A_125 : i32
      %add3A_127 = arith.constant 2 : i32
      %add3A_128 = arith.addi %mul3A_126, %add3A_127 : i32
      %mul3A_129 = arith.constant 16 : i32
      %mul3A_130 = arith.muli %add3A_128, %mul3A_129 : i32
      %swap3A_131 = arith.index_cast %mul3A_130 : i32 to index
      %swap3A_132 = tpu.vector_load %arg9[%swap3A_131] {strides = array<i32>} : memref<32000xf32, #tpu.memory_space<vmem>>, vector<16xf32>,
      %swap3A_133 = vector.shape_cast %swap3A_132 : vector<16xf32> to vector<16xf32>
      %swap3A_134 = vector.shape_cast %broadcast_in_dim3A_16 : vector<16xf32> to vector<16xf32>
      tpu.vector_store %arg9[%swap3A_131], %swap3A_134 {strides = array<i32>} : memref<32000xf32, #tpu.memory_space<vmem>>, vector<16xf32>,
      %mul3A_135 = arith.constant 8 : i32
      %mul3A_136 = arith.muli %scan3A_103, %mul3A_135 : i32
      %add3A_137 = arith.constant 3 : i32
      %add3A_138 = arith.addi %mul3A_136, %add3A_137 : i32
      %mul3A_139 = arith.constant 16 : i32
      %mul3A_140 = arith.muli %add3A_138, %mul3A_139 : i32
      %swap3A_141 = arith.index_cast %mul3A_140 : i32 to index
      %swap3A_142 = tpu.vector_load %arg9[%swap3A_141] {strides = array<i32>} : memref<32000xf32, #tpu.memory_space<vmem>>, vector<16xf32>,
      %swap3A_143 = vector.shape_cast %swap3A_142 : vector<16xf32> to vector<16xf32>
      %swap3A_144 = vector.shape_cast %broadcast_in_dim3A_16 : vector<16xf32> to vector<16xf32>
      tpu.vector_store %arg9[%swap3A_141], %swap3A_144 {strides = array<i32>} : memref<32000xf32, #tpu.memory_space<vmem>>, vector<16xf32>,
      %mul3A_145 = arith.constant 8 : i32
      %mul3A_146 = arith.muli %scan3A_103, %mul3A_145 : i32
      %add3A_147 = arith.constant 4 : i32
      %add3A_148 = arith.addi %mul3A_146, %add3A_147 : i32
      %mul3A_149 = arith.constant 16 : i32
      %mul3A_150 = arith.muli %add3A_148, %mul3A_149 : i32
      %swap3A_151 = arith.index_cast %mul3A_150 : i32 to index
      %swap3A_152 = tpu.vector_load %arg9[%swap3A_151] {strides = array<i32>} : memref<32000xf32, #tpu.memory_space<vmem>>, vector<16xf32>,
      %swap3A_153 = vector.shape_cast %swap3A_152 : vector<16xf32> to vector<16xf32>
      %swap3A_154 = vector.shape_cast %broadcast_in_dim3A_16 : vector<16xf32> to vector<16xf32>
      tpu.vector_store %arg9[%swap3A_151], %swap3A_154 {strides = array<i32>} : memref<32000xf32, #tpu.memory_space<vmem>>, vector<16xf32>,
      %mul3A_155 = arith.constant 8 : i32
      %mul3A_156 = arith.muli %scan3A_103, %mul3A_155 : i32
      %add3A_157 = arith.constant 5 : i32
      %add3A_158 = arith.addi %mul3A_156, %add3A_157 : i32
      %mul3A_159 = arith.constant 16 : i32
      %mul3A_160 = arith.muli %add3A_158, %mul3A_159 : i32
      %swap3A_161 = arith.index_cast %mul3A_160 : i32 to index
      %swap3A_162 = tpu.vector_load %arg9[%swap3A_161] {strides = array<i32>} : memref<32000xf32, #tpu.memory_space<vmem>>, vector<16xf32>,
      %swap3A_163 = vector.shape_cast %swap3A_162 : vector<16xf32> to vector<16xf32>
      %swap3A_164 = vector.shape_cast %broadcast_in_dim3A_16 : vector<16xf32> to vector<16xf32>
      tpu.vector_store %arg9[%swap3A_161], %swap3A_164 {strides = array<i32>} : memref<32000xf32, #tpu.memory_space<vmem>>, vector<16xf32>,
      %mul3A_165 = arith.constant 8 : i32
      %mul3A_166 = arith.muli %scan3A_103, %mul3A_165 : i32
      %add3A_167 = arith.constant 6 : i32
      %add3A_168 = arith.addi %mul3A_166, %add3A_167 : i32
      %mul3A_169 = arith.constant 16 : i32
      %mul3A_170 = arith.muli %add3A_168, %mul3A_169 : i32
      %swap3A_171 = arith.index_cast %mul3A_170 : i32 to index
      %swap3A_172 = tpu.vector_load %arg9[%swap3A_171] {strides = array<i32>} : memref<32000xf32, #tpu.memory_space<vmem>>, vector<16xf32>,
      %swap3A_173 = vector.shape_cast %swap3A_172 : vector<16xf32> to vector<16xf32>
      %swap3A_174 = vector.shape_cast %broadcast_in_dim3A_16 : vector<16xf32> to vector<16xf32>
      tpu.vector_store %arg9[%swap3A_171], %swap3A_174 {strides = array<i32>} : memref<32000xf32, #tpu.memory_space<vmem>>, vector<16xf32>,
      %mul3A_175 = arith.constant 8 : i32
      %mul3A_176 = arith.muli %scan3A_103, %mul3A_175 : i32
      %add3A_177 = arith.constant 7 : i32
      %add3A_178 = arith.addi %mul3A_176, %add3A_177 : i32
      %mul3A_179 = arith.constant 16 : i32
      %mul3A_180 = arith.muli %add3A_178, %mul3A_179 : i32
      %swap3A_181 = arith.index_cast %mul3A_180 : i32 to index
      %swap3A_182 = tpu.vector_load %arg9[%swap3A_181] {strides = array<i32>} : memref<32000xf32, #tpu.memory_space<vmem>>, vector<16xf32>,
      %swap3A_183 = vector.shape_cast %swap3A_182 : vector<16xf32> to vector<16xf32>
      %swap3A_184 = vector.shape_cast %broadcast_in_dim3A_16 : vector<16xf32> to vector<16xf32>
      tpu.vector_store %arg9[%swap3A_181], %swap3A_184 {strides = array<i32>} : memref<32000xf32, #tpu.memory_space<vmem>>, vector<16xf32>,
      %scan3A_185 = arith.constant 0 : i32
      scf.yield %scan3A_185 : i32
    }
    %scan3A_22 = arith.constant 250 : i32
    %broadcast_in_dim3A_23 = arith.constant 0x7F800000 : f32
    %broadcast_in_dim3A_24 = vector.broadcast %broadcast_in_dim3A_23 : f32 to vector<16xf32>
    %broadcast_in_dim3A_25 = arith.constant 0xFF800000 : f32
    %broadcast_in_dim3A_26 = vector.broadcast %broadcast_in_dim3A_25 : f32 to vector<16xf32>
    %scan3A_27 = arith.constant 0 : i32
    %scan3A_28 = arith.constant 20 : i32
    %scan3A_29 = arith.addi %scan3A_27, %scan3A_28 : i32
    %scan3A_30 = arith.constant 1 : i32
    %scan3A_31:16 = scf.for %scan3A_103 = %scan3A_27 to %scan3A_29 step %scan3A_30 iter_args(%scan3A_104 = %broadcast_in_dim3A_24, %scan3A_105 = %broadcast_in_dim3A_24, %scan3A_106 = %broadcast_in_dim3A_24, %scan3A_107 = %broadcast_in_dim3A_24, %scan3A_108 = %broadcast_in_dim3A_24, %scan3A_109 = %broadcast_in_dim3A_24, %scan3A_110 = %broadcast_in_dim3A_24, %scan3A_111 = %broadcast_in_dim3A_24, %scan3A_112 = %broadcast_in_dim3A_26, %scan3A_113 = %broadcast_in_dim3A_26, %scan3A_114 = %broadcast_in_dim3A_26, %scan3A_115 = %broadcast_in_dim3A_26, %scan3A_116 = %broadcast_in_dim3A_26, %scan3A_117 = %broadcast_in_dim3A_26, %scan3A_118 = %broadcast_in_dim3A_26, %scan3A_119 = %broadcast_in_dim3A_26) -> (vector<16xf32>, vector<16xf32>, vector<16xf32>, vector<16xf32>, vector<16xf32>, vector<16xf32>, vector<16xf32>, vector<16xf32>, vector<16xf32>, vector<16xf32>, vector<16xf32>, vector<16xf32>, vector<16xf32>, vector<16xf32>, vector<16xf32>, vector<16xf32>)  : i32 {
      %mul3A_120 = arith.constant 2 : i32
      %mul3A_121 = arith.muli %scan3A_103, %mul3A_120 : i32
      %mul3A_122 = arith.constant 32000 : i32
      %mul3A_123 = arith.muli %mul3A_121, %mul3A_122 : i32
      %add3A_124 = arith.addi %mul3A_2, %mul3A_123 : i32
      %dma_wait3A_125 = tpu.memref_slice %arg2[%add3A_124] : memref<40960000xf32, #tpu.memory_space<hbm>> -> memref<32000xf32, #tpu.memory_space<hbm>>
      %dma_wait3A_126 = tpu.memref_slice %arg2[%add3A_124] : memref<40960000xf32, #tpu.memory_space<hbm>> -> memref<32000xf32, #tpu.memory_space<hbm>>
      tpu.wait_dma2 semaphore(%arg10 : memref<!tpu.dma_semaphore, #tpu.memory_space<semaphore_mem>>) src(%dma_wait3A_126 : memref<32000xf32, #tpu.memory_space<hbm>>) dst(%arg6 : memref<32000xf32, #tpu.memory_space<vmem>>)
      %scan3A_127 = arith.constant 0 : i32
      %scan3A_128 = arith.constant 50 : i32
      %scan3A_129 = arith.addi %scan3A_127, %scan3A_128 : i32
      %scan3A_130 = arith.constant 1 : i32
      %scan3A_131:16 = scf.for %scan3A_166 = %scan3A_127 to %scan3A_129 step %scan3A_130 iter_args(%scan3A_167 = %scan3A_104, %scan3A_168 = %scan3A_105, %scan3A_169 = %scan3A_106, %scan3A_170 = %scan3A_107, %scan3A_171 = %scan3A_108, %scan3A_172 = %scan3A_109, %scan3A_173 = %scan3A_110, %scan3A_174 = %scan3A_111, %scan3A_175 = %scan3A_112, %scan3A_176 = %scan3A_113, %scan3A_177 = %scan3A_114, %scan3A_178 = %scan3A_115, %scan3A_179 = %scan3A_116, %scan3A_180 = %scan3A_117, %scan3A_181 = %scan3A_118, %scan3A_182 = %scan3A_119) -> (vector<16xf32>, vector<16xf32>, vector<16xf32>, vector<16xf32>, vector<16xf32>, vector<16xf32>, vector<16xf32>, vector<16xf32>, vector<16xf32>, vector<16xf32>, vector<16xf32>, vector<16xf32>, vector<16xf32>, vector<16xf32>, vector<16xf32>, vector<16xf32>)  : i32 {
        %mul3A_183 = arith.constant 5 : i32
        %mul3A_184 = arith.muli %scan3A_166, %mul3A_183 : i32
        %add3A_185 = arith.constant 0 : i32
        %add3A_186 = arith.addi %mul3A_184, %add3A_185 : i32
        %mul3A_187 = arith.constant 128 : i32
        %mul3A_188 = arith.muli %add3A_186, %mul3A_187 : i32
        %add3A_189 = arith.constant 0 : i32
        %add3A_190 = arith.addi %mul3A_188, %add3A_189 : i32
        %get3A = arith.index_cast %add3A_190 : i32 to index
        %get3A_191 = tpu.vector_load %arg6[%get3A] {strides = array<i32>} : memref<32000xf32, #tpu.memory_space<vmem>>, vector<16xf32>,
        %get3A_192 = vector.shape_cast %get3A_191 : vector<16xf32> to vector<16xf32>
        %min3A = arith.minimumf %scan3A_167, %get3A_192 : vector<16xf32>
        %max3A = arith.maximumf %scan3A_175, %get3A_192 : vector<16xf32>
        %add3A_193 = arith.constant 16 : i32
        %add3A_194 = arith.addi %mul3A_188, %add3A_193 : i32
        %get3A_195 = arith.index_cast %add3A_194 : i32 to index
        %get3A_196 = tpu.vector_load %arg6[%get3A_195] {strides = array<i32>} : memref<32000xf32, #tpu.memory_space<vmem>>, vector<16xf32>,
        %get3A_197 = vector.shape_cast %get3A_196 : vector<16xf32> to vector<16xf32>
        %min3A_198 = arith.minimumf %scan3A_168, %get3A_197 : vector<16xf32>
        %max3A_199 = arith.maximumf %scan3A_176, %get3A_197 : vector<16xf32>
        %add3A_200 = arith.constant 32 : i32
        %add3A_201 = arith.addi %mul3A_188, %add3A_200 : i32
        %get3A_202 = arith.index_cast %add3A_201 : i32 to index
        %get3A_203 = tpu.vector_load %arg6[%get3A_202] {strides = array<i32>} : memref<32000xf32, #tpu.memory_space<vmem>>, vector<16xf32>,
        %get3A_204 = vector.shape_cast %get3A_203 : vector<16xf32> to vector<16xf32>
        %min3A_205 = arith.minimumf %scan3A_169, %get3A_204 : vector<16xf32>
        %max3A_206 = arith.maximumf %scan3A_177, %get3A_204 : vector<16xf32>
        %add3A_207 = arith.constant 48 : i32
        %add3A_208 = arith.addi %mul3A_188, %add3A_207 : i32
        %get3A_209 = arith.index_cast %add3A_208 : i32 to index
        %get3A_210 = tpu.vector_load %arg6[%get3A_209] {strides = array<i32>} : memref<32000xf32, #tpu.memory_space<vmem>>, vector<16xf32>,
        %get3A_211 = vector.shape_cast %get3A_210 : vector<16xf32> to vector<16xf32>
        %min3A_212 = arith.minimumf %scan3A_170, %get3A_211 : vector<16xf32>
        %max3A_213 = arith.maximumf %scan3A_178, %get3A_211 : vector<16xf32>
        %add3A_214 = arith.constant 64 : i32
        %add3A_215 = arith.addi %mul3A_188, %add3A_214 : i32
        %get3A_216 = arith.index_cast %add3A_215 : i32 to index
        %get3A_217 = tpu.vector_load %arg6[%get3A_216] {strides = array<i32>} : memref<32000xf32, #tpu.memory_space<vmem>>, vector<16xf32>,
        %get3A_218 = vector.shape_cast %get3A_217 : vector<16xf32> to vector<16xf32>
        %min3A_219 = arith.minimumf %scan3A_171, %get3A_218 : vector<16xf32>
        %max3A_220 = arith.maximumf %scan3A_179, %get3A_218 : vector<16xf32>
        %add3A_221 = arith.constant 80 : i32
        %add3A_222 = arith.addi %mul3A_188, %add3A_221 : i32
        %get3A_223 = arith.index_cast %add3A_222 : i32 to index
        %get3A_224 = tpu.vector_load %arg6[%get3A_223] {strides = array<i32>} : memref<32000xf32, #tpu.memory_space<vmem>>, vector<16xf32>,
        %get3A_225 = vector.shape_cast %get3A_224 : vector<16xf32> to vector<16xf32>
        %min3A_226 = arith.minimumf %scan3A_172, %get3A_225 : vector<16xf32>
        %max3A_227 = arith.maximumf %scan3A_180, %get3A_225 : vector<16xf32>
        %add3A_228 = arith.constant 96 : i32
        %add3A_229 = arith.addi %mul3A_188, %add3A_228 : i32
        %get3A_230 = arith.index_cast %add3A_229 : i32 to index
        %get3A_231 = tpu.vector_load %arg6[%get3A_230] {strides = array<i32>} : memref<32000xf32, #tpu.memory_space<vmem>>, vector<16xf32>,
        %get3A_232 = vector.shape_cast %get3A_231 : vector<16xf32> to vector<16xf32>
        %min3A_233 = arith.minimumf %scan3A_173, %get3A_232 : vector<16xf32>
        %max3A_234 = arith.maximumf %scan3A_181, %get3A_232 : vector<16xf32>
        %add3A_235 = arith.constant 112 : i32
        %add3A_236 = arith.addi %mul3A_188, %add3A_235 : i32
        %get3A_237 = arith.index_cast %add3A_236 : i32 to index
        %get3A_238 = tpu.vector_load %arg6[%get3A_237] {strides = array<i32>} : memref<32000xf32, #tpu.memory_space<vmem>>, vector<16xf32>,
        %get3A_239 = vector.shape_cast %get3A_238 : vector<16xf32> to vector<16xf32>
        %min3A_240 = arith.minimumf %scan3A_174, %get3A_239 : vector<16xf32>
        %max3A_241 = arith.maximumf %scan3A_182, %get3A_239 : vector<16xf32>
        %mul3A_242 = arith.constant 5 : i32
        %mul3A_243 = arith.muli %scan3A_166, %mul3A_242 : i32
        %add3A_244 = arith.constant 1 : i32
        %add3A_245 = arith.addi %mul3A_243, %add3A_244 : i32
        %mul3A_246 = arith.constant 128 : i32
        %mul3A_247 = arith.muli %add3A_245, %mul3A_246 : i32
        %add3A_248 = arith.constant 0 : i32
        %add3A_249 = arith.addi %mul3A_247, %add3A_248 : i32
        %get3A_250 = arith.index_cast %add3A_249 : i32 to index
        %get3A_251 = tpu.vector_load %arg6[%get3A_250] {strides = array<i32>} : memref<32000xf32, #tpu.memory_space<vmem>>, vector<16xf32>,
        %get3A_252 = vector.shape_cast %get3A_251 : vector<16xf32> to vector<16xf32>
        %min3A_253 = arith.minimumf %min3A, %get3A_252 : vector<16xf32>
        %max3A_254 = arith.maximumf %max3A, %get3A_252 : vector<16xf32>
        %add3A_255 = arith.constant 16 : i32
        %add3A_256 = arith.addi %mul3A_247, %add3A_255 : i32
        %get3A_257 = arith.index_cast %add3A_256 : i32 to index
        %get3A_258 = tpu.vector_load %arg6[%get3A_257] {strides = array<i32>} : memref<32000xf32, #tpu.memory_space<vmem>>, vector<16xf32>,
        %get3A_259 = vector.shape_cast %get3A_258 : vector<16xf32> to vector<16xf32>
        %min3A_260 = arith.minimumf %min3A_198, %get3A_259 : vector<16xf32>
        %max3A_261 = arith.maximumf %max3A_199, %get3A_259 : vector<16xf32>
        %add3A_262 = arith.constant 32 : i32
        %add3A_263 = arith.addi %mul3A_247, %add3A_262 : i32
        %get3A_264 = arith.index_cast %add3A_263 : i32 to index
        %get3A_265 = tpu.vector_load %arg6[%get3A_264] {strides = array<i32>} : memref<32000xf32, #tpu.memory_space<vmem>>, vector<16xf32>,
        %get3A_266 = vector.shape_cast %get3A_265 : vector<16xf32> to vector<16xf32>
        %min3A_267 = arith.minimumf %min3A_205, %get3A_266 : vector<16xf32>
        %max3A_268 = arith.maximumf %max3A_206, %get3A_266 : vector<16xf32>
        %add3A_269 = arith.constant 48 : i32
        %add3A_270 = arith.addi %mul3A_247, %add3A_269 : i32
        %get3A_271 = arith.index_cast %add3A_270 : i32 to index
        %get3A_272 = tpu.vector_load %arg6[%get3A_271] {strides = array<i32>} : memref<32000xf32, #tpu.memory_space<vmem>>, vector<16xf32>,
        %get3A_273 = vector.shape_cast %get3A_272 : vector<16xf32> to vector<16xf32>
        %min3A_274 = arith.minimumf %min3A_212, %get3A_273 : vector<16xf32>
        %max3A_275 = arith.maximumf %max3A_213, %get3A_273 : vector<16xf32>
        %add3A_276 = arith.constant 64 : i32
        %add3A_277 = arith.addi %mul3A_247, %add3A_276 : i32
        %get3A_278 = arith.index_cast %add3A_277 : i32 to index
        %get3A_279 = tpu.vector_load %arg6[%get3A_278] {strides = array<i32>} : memref<32000xf32, #tpu.memory_space<vmem>>, vector<16xf32>,
        %get3A_280 = vector.shape_cast %get3A_279 : vector<16xf32> to vector<16xf32>
        %min3A_281 = arith.minimumf %min3A_219, %get3A_280 : vector<16xf32>
        %max3A_282 = arith.maximumf %max3A_220, %get3A_280 : vector<16xf32>
        %add3A_283 = arith.constant 80 : i32
        %add3A_284 = arith.addi %mul3A_247, %add3A_283 : i32
        %get3A_285 = arith.index_cast %add3A_284 : i32 to index
        %get3A_286 = tpu.vector_load %arg6[%get3A_285] {strides = array<i32>} : memref<32000xf32, #tpu.memory_space<vmem>>, vector<16xf32>,
        %get3A_287 = vector.shape_cast %get3A_286 : vector<16xf32> to vector<16xf32>
        %min3A_288 = arith.minimumf %min3A_226, %get3A_287 : vector<16xf32>
        %max3A_289 = arith.maximumf %max3A_227, %get3A_287 : vector<16xf32>
        %add3A_290 = arith.constant 96 : i32
        %add3A_291 = arith.addi %mul3A_247, %add3A_290 : i32
        %get3A_292 = arith.index_cast %add3A_291 : i32 to index
        %get3A_293 = tpu.vector_load %arg6[%get3A_292] {strides = array<i32>} : memref<32000xf32, #tpu.memory_space<vmem>>, vector<16xf32>,
        %get3A_294 = vector.shape_cast %get3A_293 : vector<16xf32> to vector<16xf32>
        %min3A_295 = arith.minimumf %min3A_233, %get3A_294 : vector<16xf32>
        %max3A_296 = arith.maximumf %max3A_234, %get3A_294 : vector<16xf32>
        %add3A_297 = arith.constant 112 : i32
        %add3A_298 = arith.addi %mul3A_247, %add3A_297 : i32
        %get3A_299 = arith.index_cast %add3A_298 : i32 to index
        %get3A_300 = tpu.vector_load %arg6[%get3A_299] {strides = array<i32>} : memref<32000xf32, #tpu.memory_space<vmem>>, vector<16xf32>,
        %get3A_301 = vector.shape_cast %get3A_300 : vector<16xf32> to vector<16xf32>
        %min3A_302 = arith.minimumf %min3A_240, %get3A_301 : vector<16xf32>
        %max3A_303 = arith.maximumf %max3A_241, %get3A_301 : vector<16xf32>
        %mul3A_304 = arith.constant 5 : i32
        %mul3A_305 = arith.muli %scan3A_166, %mul3A_304 : i32
        %add3A_306 = arith.constant 2 : i32
        %add3A_307 = arith.addi %mul3A_305, %add3A_306 : i32
        %mul3A_308 = arith.constant 128 : i32
        %mul3A_309 = arith.muli %add3A_307, %mul3A_308 : i32
        %add3A_310 = arith.constant 0 : i32
        %add3A_311 = arith.addi %mul3A_309, %add3A_310 : i32
        %get3A_312 = arith.index_cast %add3A_311 : i32 to index
        %get3A_313 = tpu.vector_load %arg6[%get3A_312] {strides = array<i32>} : memref<32000xf32, #tpu.memory_space<vmem>>, vector<16xf32>,
        %get3A_314 = vector.shape_cast %get3A_313 : vector<16xf32> to vector<16xf32>
        %min3A_315 = arith.minimumf %min3A_253, %get3A_314 : vector<16xf32>
        %max3A_316 = arith.maximumf %max3A_254, %get3A_314 : vector<16xf32>
        %add3A_317 = arith.constant 16 : i32
        %add3A_318 = arith.addi %mul3A_309, %add3A_317 : i32
        %get3A_319 = arith.index_cast %add3A_318 : i32 to index
        %get3A_320 = tpu.vector_load %arg6[%get3A_319] {strides = array<i32>} : memref<32000xf32, #tpu.memory_space<vmem>>, vector<16xf32>,
        %get3A_321 = vector.shape_cast %get3A_320 : vector<16xf32> to vector<16xf32>
        %min3A_322 = arith.minimumf %min3A_260, %get3A_321 : vector<16xf32>
        %max3A_323 = arith.maximumf %max3A_261, %get3A_321 : vector<16xf32>
        %add3A_324 = arith.constant 32 : i32
        %add3A_325 = arith.addi %mul3A_309, %add3A_324 : i32
        %get3A_326 = arith.index_cast %add3A_325 : i32 to index
        %get3A_327 = tpu.vector_load %arg6[%get3A_326] {strides = array<i32>} : memref<32000xf32, #tpu.memory_space<vmem>>, vector<16xf32>,
        %get3A_328 = vector.shape_cast %get3A_327 : vector<16xf32> to vector<16xf32>
        %min3A_329 = arith.minimumf %min3A_267, %get3A_328 : vector<16xf32>
        %max3A_330 = arith.maximumf %max3A_268, %get3A_328 : vector<16xf32>
        %add3A_331 = arith.constant 48 : i32
        %add3A_332 = arith.addi %mul3A_309, %add3A_331 : i32
        %get3A_333 = arith.index_cast %add3A_332 : i32 to index
        %get3A_334 = tpu.vector_load %arg6[%get3A_333] {strides = array<i32>} : memref<32000xf32, #tpu.memory_space<vmem>>, vector<16xf32>,
        %get3A_335 = vector.shape_cast %get3A_334 : vector<16xf32> to vector<16xf32>
        %min3A_336 = arith.minimumf %min3A_274, %get3A_335 : vector<16xf32>
        %max3A_337 = arith.maximumf %max3A_275, %get3A_335 : vector<16xf32>
        %add3A_338 = arith.constant 64 : i32
        %add3A_339 = arith.addi %mul3A_309, %add3A_338 : i32
        %get3A_340 = arith.index_cast %add3A_339 : i32 to index
        %get3A_341 = tpu.vector_load %arg6[%get3A_340] {strides = array<i32>} : memref<32000xf32, #tpu.memory_space<vmem>>, vector<16xf32>,
        %get3A_342 = vector.shape_cast %get3A_341 : vector<16xf32> to vector<16xf32>
        %min3A_343 = arith.minimumf %min3A_281, %get3A_342 : vector<16xf32>
        %max3A_344 = arith.maximumf %max3A_282, %get3A_342 : vector<16xf32>
        %add3A_345 = arith.constant 80 : i32
        %add3A_346 = arith.addi %mul3A_309, %add3A_345 : i32
        %get3A_347 = arith.index_cast %add3A_346 : i32 to index
        %get3A_348 = tpu.vector_load %arg6[%get3A_347] {strides = array<i32>} : memref<32000xf32, #tpu.memory_space<vmem>>, vector<16xf32>,
        %get3A_349 = vector.shape_cast %get3A_348 : vector<16xf32> to vector<16xf32>
        %min3A_350 = arith.minimumf %min3A_288, %get3A_349 : vector<16xf32>
        %max3A_351 = arith.maximumf %max3A_289, %get3A_349 : vector<16xf32>
        %add3A_352 = arith.constant 96 : i32
        %add3A_353 = arith.addi %mul3A_309, %add3A_352 : i32
        %get3A_354 = arith.index_cast %add3A_353 : i32 to index
        %get3A_355 = tpu.vector_load %arg6[%get3A_354] {strides = array<i32>} : memref<32000xf32, #tpu.memory_space<vmem>>, vector<16xf32>,
        %get3A_356 = vector.shape_cast %get3A_355 : vector<16xf32> to vector<16xf32>
        %min3A_357 = arith.minimumf %min3A_295, %get3A_356 : vector<16xf32>
        %max3A_358 = arith.maximumf %max3A_296, %get3A_356 : vector<16xf32>
        %add3A_359 = arith.constant 112 : i32
        %add3A_360 = arith.addi %mul3A_309, %add3A_359 : i32
        %get3A_361 = arith.index_cast %add3A_360 : i32 to index
        %get3A_362 = tpu.vector_load %arg6[%get3A_361] {strides = array<i32>} : memref<32000xf32, #tpu.memory_space<vmem>>, vector<16xf32>,
        %get3A_363 = vector.shape_cast %get3A_362 : vector<16xf32> to vector<16xf32>
        %min3A_364 = arith.minimumf %min3A_302, %get3A_363 : vector<16xf32>
        %max3A_365 = arith.maximumf %max3A_303, %get3A_363 : vector<16xf32>
        %mul3A_366 = arith.constant 5 : i32
        %mul3A_367 = arith.muli %scan3A_166, %mul3A_366 : i32
        %add3A_368 = arith.constant 3 : i32
        %add3A_369 = arith.addi %mul3A_367, %add3A_368 : i32
        %mul3A_370 = arith.constant 128 : i32
        %mul3A_371 = arith.muli %add3A_369, %mul3A_370 : i32
        %add3A_372 = arith.constant 0 : i32
        %add3A_373 = arith.addi %mul3A_371, %add3A_372 : i32
        %get3A_374 = arith.index_cast %add3A_373 : i32 to index
        %get3A_375 = tpu.vector_load %arg6[%get3A_374] {strides = array<i32>} : memref<32000xf32, #tpu.memory_space<vmem>>, vector<16xf32>,
        %get3A_376 = vector.shape_cast %get3A_375 : vector<16xf32> to vector<16xf32>
        %min3A_377 = arith.minimumf %min3A_315, %get3A_376 : vector<16xf32>
        %max3A_378 = arith.maximumf %max3A_316, %get3A_376 : vector<16xf32>
        %add3A_379 = arith.constant 16 : i32
        %add3A_380 = arith.addi %mul3A_371, %add3A_379 : i32
        %get3A_381 = arith.index_cast %add3A_380 : i32 to index
        %get3A_382 = tpu.vector_load %arg6[%get3A_381] {strides = array<i32>} : memref<32000xf32, #tpu.memory_space<vmem>>, vector<16xf32>,
        %get3A_383 = vector.shape_cast %get3A_382 : vector<16xf32> to vector<16xf32>
        %min3A_384 = arith.minimumf %min3A_322, %get3A_383 : vector<16xf32>
        %max3A_385 = arith.maximumf %max3A_323, %get3A_383 : vector<16xf32>
        %add3A_386 = arith.constant 32 : i32
        %add3A_387 = arith.addi %mul3A_371, %add3A_386 : i32
        %get3A_388 = arith.index_cast %add3A_387 : i32 to index
        %get3A_389 = tpu.vector_load %arg6[%get3A_388] {strides = array<i32>} : memref<32000xf32, #tpu.memory_space<vmem>>, vector<16xf32>,
        %get3A_390 = vector.shape_cast %get3A_389 : vector<16xf32> to vector<16xf32>
        %min3A_391 = arith.minimumf %min3A_329, %get3A_390 : vector<16xf32>
        %max3A_392 = arith.maximumf %max3A_330, %get3A_390 : vector<16xf32>
        %add3A_393 = arith.constant 48 : i32
        %add3A_394 = arith.addi %mul3A_371, %add3A_393 : i32
        %get3A_395 = arith.index_cast %add3A_394 : i32 to index
        %get3A_396 = tpu.vector_load %arg6[%get3A_395] {strides = array<i32>} : memref<32000xf32, #tpu.memory_space<vmem>>, vector<16xf32>,
        %get3A_397 = vector.shape_cast %get3A_396 : vector<16xf32> to vector<16xf32>
        %min3A_398 = arith.minimumf %min3A_336, %get3A_397 : vector<16xf32>
        %max3A_399 = arith.maximumf %max3A_337, %get3A_397 : vector<16xf32>
        %add3A_400 = arith.constant 64 : i32
        %add3A_401 = arith.addi %mul3A_371, %add3A_400 : i32
        %get3A_402 = arith.index_cast %add3A_401 : i32 to index
        %get3A_403 = tpu.vector_load %arg6[%get3A_402] {strides = array<i32>} : memref<32000xf32, #tpu.memory_space<vmem>>, vector<16xf32>,
        %get3A_404 = vector.shape_cast %get3A_403 : vector<16xf32> to vector<16xf32>
        %min3A_405 = arith.minimumf %min3A_343, %get3A_404 : vector<16xf32>
        %max3A_406 = arith.maximumf %max3A_344, %get3A_404 : vector<16xf32>
        %add3A_407 = arith.constant 80 : i32
        %add3A_408 = arith.addi %mul3A_371, %add3A_407 : i32
        %get3A_409 = arith.index_cast %add3A_408 : i32 to index
        %get3A_410 = tpu.vector_load %arg6[%get3A_409] {strides = array<i32>} : memref<32000xf32, #tpu.memory_space<vmem>>, vector<16xf32>,
        %get3A_411 = vector.shape_cast %get3A_410 : vector<16xf32> to vector<16xf32>
        %min3A_412 = arith.minimumf %min3A_350, %get3A_411 : vector<16xf32>
        %max3A_413 = arith.maximumf %max3A_351, %get3A_411 : vector<16xf32>
        %add3A_414 = arith.constant 96 : i32
        %add3A_415 = arith.addi %mul3A_371, %add3A_414 : i32
        %get3A_416 = arith.index_cast %add3A_415 : i32 to index
        %get3A_417 = tpu.vector_load %arg6[%get3A_416] {strides = array<i32>} : memref<32000xf32, #tpu.memory_space<vmem>>, vector<16xf32>,
        %get3A_418 = vector.shape_cast %get3A_417 : vector<16xf32> to vector<16xf32>
        %min3A_419 = arith.minimumf %min3A_357, %get3A_418 : vector<16xf32>
        %max3A_420 = arith.maximumf %max3A_358, %get3A_418 : vector<16xf32>
        %add3A_421 = arith.constant 112 : i32
        %add3A_422 = arith.addi %mul3A_371, %add3A_421 : i32
        %get3A_423 = arith.index_cast %add3A_422 : i32 to index
        %get3A_424 = tpu.vector_load %arg6[%get3A_423] {strides = array<i32>} : memref<32000xf32, #tpu.memory_space<vmem>>, vector<16xf32>,
        %get3A_425 = vector.shape_cast %get3A_424 : vector<16xf32> to vector<16xf32>
        %min3A_426 = arith.minimumf %min3A_364, %get3A_425 : vector<16xf32>
        %max3A_427 = arith.maximumf %max3A_365, %get3A_425 : vector<16xf32>
        %mul3A_428 = arith.constant 5 : i32
        %mul3A_429 = arith.muli %scan3A_166, %mul3A_428 : i32
        %add3A_430 = arith.constant 4 : i32
        %add3A_431 = arith.addi %mul3A_429, %add3A_430 : i32
        %mul3A_432 = arith.constant 128 : i32
        %mul3A_433 = arith.muli %add3A_431, %mul3A_432 : i32
        %add3A_434 = arith.constant 0 : i32
        %add3A_435 = arith.addi %mul3A_433, %add3A_434 : i32
        %get3A_436 = arith.index_cast %add3A_435 : i32 to index
        %get3A_437 = tpu.vector_load %arg6[%get3A_436] {strides = array<i32>} : memref<32000xf32, #tpu.memory_space<vmem>>, vector<16xf32>,
        %get3A_438 = vector.shape_cast %get3A_437 : vector<16xf32> to vector<16xf32>
        %min3A_439 = arith.minimumf %min3A_377, %get3A_438 : vector<16xf32>
        %max3A_440 = arith.maximumf %max3A_378, %get3A_438 : vector<16xf32>
        %add3A_441 = arith.constant 16 : i32
        %add3A_442 = arith.addi %mul3A_433, %add3A_441 : i32
        %get3A_443 = arith.index_cast %add3A_442 : i32 to index
        %get3A_444 = tpu.vector_load %arg6[%get3A_443] {strides = array<i32>} : memref<32000xf32, #tpu.memory_space<vmem>>, vector<16xf32>,
        %get3A_445 = vector.shape_cast %get3A_444 : vector<16xf32> to vector<16xf32>
        %min3A_446 = arith.minimumf %min3A_384, %get3A_445 : vector<16xf32>
        %max3A_447 = arith.maximumf %max3A_385, %get3A_445 : vector<16xf32>
        %add3A_448 = arith.constant 32 : i32
        %add3A_449 = arith.addi %mul3A_433, %add3A_448 : i32
        %get3A_450 = arith.index_cast %add3A_449 : i32 to index
        %get3A_451 = tpu.vector_load %arg6[%get3A_450] {strides = array<i32>} : memref<32000xf32, #tpu.memory_space<vmem>>, vector<16xf32>,
        %get3A_452 = vector.shape_cast %get3A_451 : vector<16xf32> to vector<16xf32>
        %min3A_453 = arith.minimumf %min3A_391, %get3A_452 : vector<16xf32>
        %max3A_454 = arith.maximumf %max3A_392, %get3A_452 : vector<16xf32>
        %add3A_455 = arith.constant 48 : i32
        %add3A_456 = arith.addi %mul3A_433, %add3A_455 : i32
        %get3A_457 = arith.index_cast %add3A_456 : i32 to index
        %get3A_458 = tpu.vector_load %arg6[%get3A_457] {strides = array<i32>} : memref<32000xf32, #tpu.memory_space<vmem>>, vector<16xf32>,
        %get3A_459 = vector.shape_cast %get3A_458 : vector<16xf32> to vector<16xf32>
        %min3A_460 = arith.minimumf %min3A_398, %get3A_459 : vector<16xf32>
        %max3A_461 = arith.maximumf %max3A_399, %get3A_459 : vector<16xf32>
        %add3A_462 = arith.constant 64 : i32
        %add3A_463 = arith.addi %mul3A_433, %add3A_462 : i32
        %get3A_464 = arith.index_cast %add3A_463 : i32 to index
        %get3A_465 = tpu.vector_load %arg6[%get3A_464] {strides = array<i32>} : memref<32000xf32, #tpu.memory_space<vmem>>, vector<16xf32>,
        %get3A_466 = vector.shape_cast %get3A_465 : vector<16xf32> to vector<16xf32>
        %min3A_467 = arith.minimumf %min3A_405, %get3A_466 : vector<16xf32>
        %max3A_468 = arith.maximumf %max3A_406, %get3A_466 : vector<16xf32>
        %add3A_469 = arith.constant 80 : i32
        %add3A_470 = arith.addi %mul3A_433, %add3A_469 : i32
        %get3A_471 = arith.index_cast %add3A_470 : i32 to index
        %get3A_472 = tpu.vector_load %arg6[%get3A_471] {strides = array<i32>} : memref<32000xf32, #tpu.memory_space<vmem>>, vector<16xf32>,
        %get3A_473 = vector.shape_cast %get3A_472 : vector<16xf32> to vector<16xf32>
        %min3A_474 = arith.minimumf %min3A_412, %get3A_473 : vector<16xf32>
        %max3A_475 = arith.maximumf %max3A_413, %get3A_473 : vector<16xf32>
        %add3A_476 = arith.constant 96 : i32
        %add3A_477 = arith.addi %mul3A_433, %add3A_476 : i32
        %get3A_478 = arith.index_cast %add3A_477 : i32 to index
        %get3A_479 = tpu.vector_load %arg6[%get3A_478] {strides = array<i32>} : memref<32000xf32, #tpu.memory_space<vmem>>, vector<16xf32>,
        %get3A_480 = vector.shape_cast %get3A_479 : vector<16xf32> to vector<16xf32>
        %min3A_481 = arith.minimumf %min3A_419, %get3A_480 : vector<16xf32>
        %max3A_482 = arith.maximumf %max3A_420, %get3A_480 : vector<16xf32>
        %add3A_483 = arith.constant 112 : i32
        %add3A_484 = arith.addi %mul3A_433, %add3A_483 : i32
        %get3A_485 = arith.index_cast %add3A_484 : i32 to index
        %get3A_486 = tpu.vector_load %arg6[%get3A_485] {strides = array<i32>} : memref<32000xf32, #tpu.memory_space<vmem>>, vector<16xf32>,
        %get3A_487 = vector.shape_cast %get3A_486 : vector<16xf32> to vector<16xf32>
        %min3A_488 = arith.minimumf %min3A_426, %get3A_487 : vector<16xf32>
        %max3A_489 = arith.maximumf %max3A_427, %get3A_487 : vector<16xf32>
        scf.yield %min3A_439, %min3A_446, %min3A_453, %min3A_460, %min3A_467, %min3A_474, %min3A_481, %min3A_488, %max3A_440, %max3A_447, %max3A_454, %max3A_461, %max3A_468, %max3A_475, %max3A_482, %max3A_489 : vector<16xf32>, vector<16xf32>, vector<16xf32>, vector<16xf32>, vector<16xf32>, vector<16xf32>, vector<16xf32>, vector<16xf32>, vector<16xf32>, vector<16xf32>, vector<16xf32>, vector<16xf32>, vector<16xf32>, vector<16xf32>, vector<16xf32>, vector<16xf32>
      }
      %scan3A_132 = arith.constant 50 : i32
      %add3A_133 = arith.constant 2 : i32
      %add3A_134 = arith.addi %mul3A_121, %add3A_133 : i32
      %lt3A = arith.constant 40 : i32
      %lt3A_135 = arith.cmpi slt, %add3A_134, %lt3A : i32
      %convert_element_type3A = arith.extui %lt3A_135 : i1 to i32
      %cond3A = arith.constant 0 : i32
      %cond3A_136 = arith.cmpi ne, %convert_element_type3A, %cond3A : i32
      scf.if %cond3A_136 {
        %add3A_166 = arith.constant 2 : i32
        %add3A_167 = arith.addi %mul3A_121, %add3A_166 : i32
        %mul3A_168 = arith.constant 32000 : i32
        %mul3A_169 = arith.muli %add3A_167, %mul3A_168 : i32
        %add3A_170 = arith.addi %mul3A_2, %mul3A_169 : i32
        %dma_start3A_171 = tpu.memref_slice %arg2[%add3A_170] : memref<40960000xf32, #tpu.memory_space<hbm>> -> memref<32000xf32, #tpu.memory_space<hbm>>
        %dma_start3A_172 = tpu.memref_slice %arg2[%add3A_170] : memref<40960000xf32, #tpu.memory_space<hbm>> -> memref<32000xf32, #tpu.memory_space<hbm>>
        tpu.enqueue_dma source(%dma_start3A_172 : memref<32000xf32, #tpu.memory_space<hbm>>) target(%arg6 : memref<32000xf32, #tpu.memory_space<vmem>>) target_semaphore(%arg10 : memref<!tpu.dma_semaphore, #tpu.memory_space<semaphore_mem>>)
      } else {
      }
      %gt3A = arith.constant 0 : i32
      %gt3A_137 = arith.cmpi sgt, %scan3A_103, %gt3A : i32
      %convert_element_type3A_138 = arith.extui %gt3A_137 : i1 to i32
      %cond3A_139 = arith.constant 0 : i32
      %cond3A_140 = arith.cmpi ne, %convert_element_type3A_138, %cond3A_139 : i32
      scf.if %cond3A_140 {
        %sub3A = arith.constant 1 : i32
        %sub3A_166 = arith.subi %scan3A_103, %sub3A : i32
        %mul3A_167 = arith.constant 32000 : i32
        %mul3A_168 = arith.muli %sub3A_166, %mul3A_167 : i32
        %add3A_169 = arith.addi %mul3A_8, %mul3A_168 : i32
        %dma_wait3A_170 = tpu.memref_slice %arg5[%add3A_169] : memref<40960128xf32, #tpu.memory_space<hbm>> -> memref<32000xf32, #tpu.memory_space<hbm>>
        %dma_wait3A_171 = tpu.memref_slice %arg5[%add3A_169] : memref<40960128xf32, #tpu.memory_space<hbm>> -> memref<32000xf32, #tpu.memory_space<hbm>>
        tpu.wait_dma2 semaphore(%arg12 : memref<!tpu.dma_semaphore, #tpu.memory_space<semaphore_mem>>) src(%arg9 : memref<32000xf32, #tpu.memory_space<vmem>>) dst(%dma_wait3A_171 : memref<32000xf32, #tpu.memory_space<hbm>>)
      } else {
      }
      %mul3A_141 = arith.constant 32000 : i32
      %mul3A_142 = arith.muli %scan3A_103, %mul3A_141 : i32
      %add3A_143 = arith.addi %mul3A_8, %mul3A_142 : i32
      %dma_start3A_144 = tpu.memref_slice %arg5[%add3A_143] : memref<40960128xf32, #tpu.memory_space<hbm>> -> memref<32000xf32, #tpu.memory_space<hbm>>
      %dma_start3A_145 = tpu.memref_slice %arg5[%add3A_143] : memref<40960128xf32, #tpu.memory_space<hbm>> -> memref<32000xf32, #tpu.memory_space<hbm>>
      tpu.enqueue_dma source(%arg9 : memref<32000xf32, #tpu.memory_space<vmem>>) target(%dma_start3A_145 : memref<32000xf32, #tpu.memory_space<hbm>>) target_semaphore(%arg12 : memref<!tpu.dma_semaphore, #tpu.memory_space<semaphore_mem>>)
      %add3A_146 = arith.constant 1 : i32
      %add3A_147 = arith.addi %mul3A_121, %add3A_146 : i32
      %mul3A_148 = arith.constant 32000 : i32
      %mul3A_149 = arith.muli %add3A_147, %mul3A_148 : i32
      %add3A_150 = arith.addi %mul3A_2, %mul3A_149 : i32
      %dma_wait3A_151 = tpu.memref_slice %arg2[%add3A_150] : memref<40960000xf32, #tpu.memory_space<hbm>> -> memref<32000xf32, #tpu.memory_space<hbm>>
      %dma_wait3A_152 = tpu.memref_slice %arg2[%add3A_150] : memref<40960000xf32, #tpu.memory_space<hbm>> -> memref<32000xf32, #tpu.memory_space<hbm>>
      tpu.wait_dma2 semaphore(%arg11 : memref<!tpu.dma_semaphore, #tpu.memory_space<semaphore_mem>>) src(%dma_wait3A_152 : memref<32000xf32, #tpu.memory_space<hbm>>) dst(%arg7 : memref<32000xf32, #tpu.memory_space<vmem>>)
      %scan3A_153 = arith.constant 0 : i32
      %scan3A_154 = arith.constant 50 : i32
      %scan3A_155 = arith.addi %scan3A_153, %scan3A_154 : i32
      %scan3A_156 = arith.constant 1 : i32
      %scan3A_157:16 = scf.for %scan3A_166 = %scan3A_153 to %scan3A_155 step %scan3A_156 iter_args(%scan3A_167 = %scan3A_131#0, %scan3A_168 = %scan3A_131#1, %scan3A_169 = %scan3A_131#2, %scan3A_170 = %scan3A_131#3, %scan3A_171 = %scan3A_131#4, %scan3A_172 = %scan3A_131#5, %scan3A_173 = %scan3A_131#6, %scan3A_174 = %scan3A_131#7, %scan3A_175 = %scan3A_131#8, %scan3A_176 = %scan3A_131#9, %scan3A_177 = %scan3A_131#10, %scan3A_178 = %scan3A_131#11, %scan3A_179 = %scan3A_131#12, %scan3A_180 = %scan3A_131#13, %scan3A_181 = %scan3A_131#14, %scan3A_182 = %scan3A_131#15) -> (vector<16xf32>, vector<16xf32>, vector<16xf32>, vector<16xf32>, vector<16xf32>, vector<16xf32>, vector<16xf32>, vector<16xf32>, vector<16xf32>, vector<16xf32>, vector<16xf32>, vector<16xf32>, vector<16xf32>, vector<16xf32>, vector<16xf32>, vector<16xf32>)  : i32 {
        %mul3A_183 = arith.constant 5 : i32
        %mul3A_184 = arith.muli %scan3A_166, %mul3A_183 : i32
        %add3A_185 = arith.constant 0 : i32
        %add3A_186 = arith.addi %mul3A_184, %add3A_185 : i32
        %mul3A_187 = arith.constant 128 : i32
        %mul3A_188 = arith.muli %add3A_186, %mul3A_187 : i32
        %add3A_189 = arith.constant 0 : i32
        %add3A_190 = arith.addi %mul3A_188, %add3A_189 : i32
        %get3A = arith.index_cast %add3A_190 : i32 to index
        %get3A_191 = tpu.vector_load %arg7[%get3A] {strides = array<i32>} : memref<32000xf32, #tpu.memory_space<vmem>>, vector<16xf32>,
        %get3A_192 = vector.shape_cast %get3A_191 : vector<16xf32> to vector<16xf32>
        %min3A = arith.minimumf %scan3A_167, %get3A_192 : vector<16xf32>
        %max3A = arith.maximumf %scan3A_175, %get3A_192 : vector<16xf32>
        %add3A_193 = arith.constant 16 : i32
        %add3A_194 = arith.addi %mul3A_188, %add3A_193 : i32
        %get3A_195 = arith.index_cast %add3A_194 : i32 to index
        %get3A_196 = tpu.vector_load %arg7[%get3A_195] {strides = array<i32>} : memref<32000xf32, #tpu.memory_space<vmem>>, vector<16xf32>,
        %get3A_197 = vector.shape_cast %get3A_196 : vector<16xf32> to vector<16xf32>
        %min3A_198 = arith.minimumf %scan3A_168, %get3A_197 : vector<16xf32>
        %max3A_199 = arith.maximumf %scan3A_176, %get3A_197 : vector<16xf32>
        %add3A_200 = arith.constant 32 : i32
        %add3A_201 = arith.addi %mul3A_188, %add3A_200 : i32
        %get3A_202 = arith.index_cast %add3A_201 : i32 to index
        %get3A_203 = tpu.vector_load %arg7[%get3A_202] {strides = array<i32>} : memref<32000xf32, #tpu.memory_space<vmem>>, vector<16xf32>,
        %get3A_204 = vector.shape_cast %get3A_203 : vector<16xf32> to vector<16xf32>
        %min3A_205 = arith.minimumf %scan3A_169, %get3A_204 : vector<16xf32>
        %max3A_206 = arith.maximumf %scan3A_177, %get3A_204 : vector<16xf32>
        %add3A_207 = arith.constant 48 : i32
        %add3A_208 = arith.addi %mul3A_188, %add3A_207 : i32
        %get3A_209 = arith.index_cast %add3A_208 : i32 to index
        %get3A_210 = tpu.vector_load %arg7[%get3A_209] {strides = array<i32>} : memref<32000xf32, #tpu.memory_space<vmem>>, vector<16xf32>,
        %get3A_211 = vector.shape_cast %get3A_210 : vector<16xf32> to vector<16xf32>
        %min3A_212 = arith.minimumf %scan3A_170, %get3A_211 : vector<16xf32>
        %max3A_213 = arith.maximumf %scan3A_178, %get3A_211 : vector<16xf32>
        %add3A_214 = arith.constant 64 : i32
        %add3A_215 = arith.addi %mul3A_188, %add3A_214 : i32
        %get3A_216 = arith.index_cast %add3A_215 : i32 to index
        %get3A_217 = tpu.vector_load %arg7[%get3A_216] {strides = array<i32>} : memref<32000xf32, #tpu.memory_space<vmem>>, vector<16xf32>,
        %get3A_218 = vector.shape_cast %get3A_217 : vector<16xf32> to vector<16xf32>
        %min3A_219 = arith.minimumf %scan3A_171, %get3A_218 : vector<16xf32>
        %max3A_220 = arith.maximumf %scan3A_179, %get3A_218 : vector<16xf32>
        %add3A_221 = arith.constant 80 : i32
        %add3A_222 = arith.addi %mul3A_188, %add3A_221 : i32
        %get3A_223 = arith.index_cast %add3A_222 : i32 to index
        %get3A_224 = tpu.vector_load %arg7[%get3A_223] {strides = array<i32>} : memref<32000xf32, #tpu.memory_space<vmem>>, vector<16xf32>,
        %get3A_225 = vector.shape_cast %get3A_224 : vector<16xf32> to vector<16xf32>
        %min3A_226 = arith.minimumf %scan3A_172, %get3A_225 : vector<16xf32>
        %max3A_227 = arith.maximumf %scan3A_180, %get3A_225 : vector<16xf32>
        %add3A_228 = arith.constant 96 : i32
        %add3A_229 = arith.addi %mul3A_188, %add3A_228 : i32
        %get3A_230 = arith.index_cast %add3A_229 : i32 to index
        %get3A_231 = tpu.vector_load %arg7[%get3A_230] {strides = array<i32>} : memref<32000xf32, #tpu.memory_space<vmem>>, vector<16xf32>,
        %get3A_232 = vector.shape_cast %get3A_231 : vector<16xf32> to vector<16xf32>
        %min3A_233 = arith.minimumf %scan3A_173, %get3A_232 : vector<16xf32>
        %max3A_234 = arith.maximumf %scan3A_181, %get3A_232 : vector<16xf32>
        %add3A_235 = arith.constant 112 : i32
        %add3A_236 = arith.addi %mul3A_188, %add3A_235 : i32
        %get3A_237 = arith.index_cast %add3A_236 : i32 to index
        %get3A_238 = tpu.vector_load %arg7[%get3A_237] {strides = array<i32>} : memref<32000xf32, #tpu.memory_space<vmem>>, vector<16xf32>,
        %get3A_239 = vector.shape_cast %get3A_238 : vector<16xf32> to vector<16xf32>
        %min3A_240 = arith.minimumf %scan3A_174, %get3A_239 : vector<16xf32>
        %max3A_241 = arith.maximumf %scan3A_182, %get3A_239 : vector<16xf32>
        %mul3A_242 = arith.constant 5 : i32
        %mul3A_243 = arith.muli %scan3A_166, %mul3A_242 : i32
        %add3A_244 = arith.constant 1 : i32
        %add3A_245 = arith.addi %mul3A_243, %add3A_244 : i32
        %mul3A_246 = arith.constant 128 : i32
        %mul3A_247 = arith.muli %add3A_245, %mul3A_246 : i32
        %add3A_248 = arith.constant 0 : i32
        %add3A_249 = arith.addi %mul3A_247, %add3A_248 : i32
        %get3A_250 = arith.index_cast %add3A_249 : i32 to index
        %get3A_251 = tpu.vector_load %arg7[%get3A_250] {strides = array<i32>} : memref<32000xf32, #tpu.memory_space<vmem>>, vector<16xf32>,
        %get3A_252 = vector.shape_cast %get3A_251 : vector<16xf32> to vector<16xf32>
        %min3A_253 = arith.minimumf %min3A, %get3A_252 : vector<16xf32>
        %max3A_254 = arith.maximumf %max3A, %get3A_252 : vector<16xf32>
        %add3A_255 = arith.constant 16 : i32
        %add3A_256 = arith.addi %mul3A_247, %add3A_255 : i32
        %get3A_257 = arith.index_cast %add3A_256 : i32 to index
        %get3A_258 = tpu.vector_load %arg7[%get3A_257] {strides = array<i32>} : memref<32000xf32, #tpu.memory_space<vmem>>, vector<16xf32>,
        %get3A_259 = vector.shape_cast %get3A_258 : vector<16xf32> to vector<16xf32>
        %min3A_260 = arith.minimumf %min3A_198, %get3A_259 : vector<16xf32>
        %max3A_261 = arith.maximumf %max3A_199, %get3A_259 : vector<16xf32>
        %add3A_262 = arith.constant 32 : i32
        %add3A_263 = arith.addi %mul3A_247, %add3A_262 : i32
        %get3A_264 = arith.index_cast %add3A_263 : i32 to index
        %get3A_265 = tpu.vector_load %arg7[%get3A_264] {strides = array<i32>} : memref<32000xf32, #tpu.memory_space<vmem>>, vector<16xf32>,
        %get3A_266 = vector.shape_cast %get3A_265 : vector<16xf32> to vector<16xf32>
        %min3A_267 = arith.minimumf %min3A_205, %get3A_266 : vector<16xf32>
        %max3A_268 = arith.maximumf %max3A_206, %get3A_266 : vector<16xf32>
        %add3A_269 = arith.constant 48 : i32
        %add3A_270 = arith.addi %mul3A_247, %add3A_269 : i32
        %get3A_271 = arith.index_cast %add3A_270 : i32 to index
        %get3A_272 = tpu.vector_load %arg7[%get3A_271] {strides = array<i32>} : memref<32000xf32, #tpu.memory_space<vmem>>, vector<16xf32>,
        %get3A_273 = vector.shape_cast %get3A_272 : vector<16xf32> to vector<16xf32>
        %min3A_274 = arith.minimumf %min3A_212, %get3A_273 : vector<16xf32>
        %max3A_275 = arith.maximumf %max3A_213, %get3A_273 : vector<16xf32>
        %add3A_276 = arith.constant 64 : i32
        %add3A_277 = arith.addi %mul3A_247, %add3A_276 : i32
        %get3A_278 = arith.index_cast %add3A_277 : i32 to index
        %get3A_279 = tpu.vector_load %arg7[%get3A_278] {strides = array<i32>} : memref<32000xf32, #tpu.memory_space<vmem>>, vector<16xf32>,
        %get3A_280 = vector.shape_cast %get3A_279 : vector<16xf32> to vector<16xf32>
        %min3A_281 = arith.minimumf %min3A_219, %get3A_280 : vector<16xf32>
        %max3A_282 = arith.maximumf %max3A_220, %get3A_280 : vector<16xf32>
        %add3A_283 = arith.constant 80 : i32
        %add3A_284 = arith.addi %mul3A_247, %add3A_283 : i32
        %get3A_285 = arith.index_cast %add3A_284 : i32 to index
        %get3A_286 = tpu.vector_load %arg7[%get3A_285] {strides = array<i32>} : memref<32000xf32, #tpu.memory_space<vmem>>, vector<16xf32>,
        %get3A_287 = vector.shape_cast %get3A_286 : vector<16xf32> to vector<16xf32>
        %min3A_288 = arith.minimumf %min3A_226, %get3A_287 : vector<16xf32>
        %max3A_289 = arith.maximumf %max3A_227, %get3A_287 : vector<16xf32>
        %add3A_290 = arith.constant 96 : i32
        %add3A_291 = arith.addi %mul3A_247, %add3A_290 : i32
        %get3A_292 = arith.index_cast %add3A_291 : i32 to index
        %get3A_293 = tpu.vector_load %arg7[%get3A_292] {strides = array<i32>} : memref<32000xf32, #tpu.memory_space<vmem>>, vector<16xf32>,
        %get3A_294 = vector.shape_cast %get3A_293 : vector<16xf32> to vector<16xf32>
        %min3A_295 = arith.minimumf %min3A_233, %get3A_294 : vector<16xf32>
        %max3A_296 = arith.maximumf %max3A_234, %get3A_294 : vector<16xf32>
        %add3A_297 = arith.constant 112 : i32
        %add3A_298 = arith.addi %mul3A_247, %add3A_297 : i32
        %get3A_299 = arith.index_cast %add3A_298 : i32 to index
        %get3A_300 = tpu.vector_load %arg7[%get3A_299] {strides = array<i32>} : memref<32000xf32, #tpu.memory_space<vmem>>, vector<16xf32>,
        %get3A_301 = vector.shape_cast %get3A_300 : vector<16xf32> to vector<16xf32>
        %min3A_302 = arith.minimumf %min3A_240, %get3A_301 : vector<16xf32>
        %max3A_303 = arith.maximumf %max3A_241, %get3A_301 : vector<16xf32>
        %mul3A_304 = arith.constant 5 : i32
        %mul3A_305 = arith.muli %scan3A_166, %mul3A_304 : i32
        %add3A_306 = arith.constant 2 : i32
        %add3A_307 = arith.addi %mul3A_305, %add3A_306 : i32
        %mul3A_308 = arith.constant 128 : i32
        %mul3A_309 = arith.muli %add3A_307, %mul3A_308 : i32
        %add3A_310 = arith.constant 0 : i32
        %add3A_311 = arith.addi %mul3A_309, %add3A_310 : i32
        %get3A_312 = arith.index_cast %add3A_311 : i32 to index
        %get3A_313 = tpu.vector_load %arg7[%get3A_312] {strides = array<i32>} : memref<32000xf32, #tpu.memory_space<vmem>>, vector<16xf32>,
        %get3A_314 = vector.shape_cast %get3A_313 : vector<16xf32> to vector<16xf32>
        %min3A_315 = arith.minimumf %min3A_253, %get3A_314 : vector<16xf32>
        %max3A_316 = arith.maximumf %max3A_254, %get3A_314 : vector<16xf32>
        %add3A_317 = arith.constant 16 : i32
        %add3A_318 = arith.addi %mul3A_309, %add3A_317 : i32
        %get3A_319 = arith.index_cast %add3A_318 : i32 to index
        %get3A_320 = tpu.vector_load %arg7[%get3A_319] {strides = array<i32>} : memref<32000xf32, #tpu.memory_space<vmem>>, vector<16xf32>,
        %get3A_321 = vector.shape_cast %get3A_320 : vector<16xf32> to vector<16xf32>
        %min3A_322 = arith.minimumf %min3A_260, %get3A_321 : vector<16xf32>
        %max3A_323 = arith.maximumf %max3A_261, %get3A_321 : vector<16xf32>
        %add3A_324 = arith.constant 32 : i32
        %add3A_325 = arith.addi %mul3A_309, %add3A_324 : i32
        %get3A_326 = arith.index_cast %add3A_325 : i32 to index
        %get3A_327 = tpu.vector_load %arg7[%get3A_326] {strides = array<i32>} : memref<32000xf32, #tpu.memory_space<vmem>>, vector<16xf32>,
        %get3A_328 = vector.shape_cast %get3A_327 : vector<16xf32> to vector<16xf32>
        %min3A_329 = arith.minimumf %min3A_267, %get3A_328 : vector<16xf32>
        %max3A_330 = arith.maximumf %max3A_268, %get3A_328 : vector<16xf32>
        %add3A_331 = arith.constant 48 : i32
        %add3A_332 = arith.addi %mul3A_309, %add3A_331 : i32
        %get3A_333 = arith.index_cast %add3A_332 : i32 to index
        %get3A_334 = tpu.vector_load %arg7[%get3A_333] {strides = array<i32>} : memref<32000xf32, #tpu.memory_space<vmem>>, vector<16xf32>,
        %get3A_335 = vector.shape_cast %get3A_334 : vector<16xf32> to vector<16xf32>
        %min3A_336 = arith.minimumf %min3A_274, %get3A_335 : vector<16xf32>
        %max3A_337 = arith.maximumf %max3A_275, %get3A_335 : vector<16xf32>
        %add3A_338 = arith.constant 64 : i32
        %add3A_339 = arith.addi %mul3A_309, %add3A_338 : i32
        %get3A_340 = arith.index_cast %add3A_339 : i32 to index
        %get3A_341 = tpu.vector_load %arg7[%get3A_340] {strides = array<i32>} : memref<32000xf32, #tpu.memory_space<vmem>>, vector<16xf32>,
        %get3A_342 = vector.shape_cast %get3A_341 : vector<16xf32> to vector<16xf32>
        %min3A_343 = arith.minimumf %min3A_281, %get3A_342 : vector<16xf32>
        %max3A_344 = arith.maximumf %max3A_282, %get3A_342 : vector<16xf32>
        %add3A_345 = arith.constant 80 : i32
        %add3A_346 = arith.addi %mul3A_309, %add3A_345 : i32
        %get3A_347 = arith.index_cast %add3A_346 : i32 to index
        %get3A_348 = tpu.vector_load %arg7[%get3A_347] {strides = array<i32>} : memref<32000xf32, #tpu.memory_space<vmem>>, vector<16xf32>,
        %get3A_349 = vector.shape_cast %get3A_348 : vector<16xf32> to vector<16xf32>
        %min3A_350 = arith.minimumf %min3A_288, %get3A_349 : vector<16xf32>
        %max3A_351 = arith.maximumf %max3A_289, %get3A_349 : vector<16xf32>
        %add3A_352 = arith.constant 96 : i32
        %add3A_353 = arith.addi %mul3A_309, %add3A_352 : i32
        %get3A_354 = arith.index_cast %add3A_353 : i32 to index
        %get3A_355 = tpu.vector_load %arg7[%get3A_354] {strides = array<i32>} : memref<32000xf32, #tpu.memory_space<vmem>>, vector<16xf32>,
        %get3A_356 = vector.shape_cast %get3A_355 : vector<16xf32> to vector<16xf32>
        %min3A_357 = arith.minimumf %min3A_295, %get3A_356 : vector<16xf32>
        %max3A_358 = arith.maximumf %max3A_296, %get3A_356 : vector<16xf32>
        %add3A_359 = arith.constant 112 : i32
        %add3A_360 = arith.addi %mul3A_309, %add3A_359 : i32
        %get3A_361 = arith.index_cast %add3A_360 : i32 to index
        %get3A_362 = tpu.vector_load %arg7[%get3A_361] {strides = array<i32>} : memref<32000xf32, #tpu.memory_space<vmem>>, vector<16xf32>,
        %get3A_363 = vector.shape_cast %get3A_362 : vector<16xf32> to vector<16xf32>
        %min3A_364 = arith.minimumf %min3A_302, %get3A_363 : vector<16xf32>
        %max3A_365 = arith.maximumf %max3A_303, %get3A_363 : vector<16xf32>
        %mul3A_366 = arith.constant 5 : i32
        %mul3A_367 = arith.muli %scan3A_166, %mul3A_366 : i32
        %add3A_368 = arith.constant 3 : i32
        %add3A_369 = arith.addi %mul3A_367, %add3A_368 : i32
        %mul3A_370 = arith.constant 128 : i32
        %mul3A_371 = arith.muli %add3A_369, %mul3A_370 : i32
        %add3A_372 = arith.constant 0 : i32
        %add3A_373 = arith.addi %mul3A_371, %add3A_372 : i32
        %get3A_374 = arith.index_cast %add3A_373 : i32 to index
        %get3A_375 = tpu.vector_load %arg7[%get3A_374] {strides = array<i32>} : memref<32000xf32, #tpu.memory_space<vmem>>, vector<16xf32>,
        %get3A_376 = vector.shape_cast %get3A_375 : vector<16xf32> to vector<16xf32>
        %min3A_377 = arith.minimumf %min3A_315, %get3A_376 : vector<16xf32>
        %max3A_378 = arith.maximumf %max3A_316, %get3A_376 : vector<16xf32>
        %add3A_379 = arith.constant 16 : i32
        %add3A_380 = arith.addi %mul3A_371, %add3A_379 : i32
        %get3A_381 = arith.index_cast %add3A_380 : i32 to index
        %get3A_382 = tpu.vector_load %arg7[%get3A_381] {strides = array<i32>} : memref<32000xf32, #tpu.memory_space<vmem>>, vector<16xf32>,
        %get3A_383 = vector.shape_cast %get3A_382 : vector<16xf32> to vector<16xf32>
        %min3A_384 = arith.minimumf %min3A_322, %get3A_383 : vector<16xf32>
        %max3A_385 = arith.maximumf %max3A_323, %get3A_383 : vector<16xf32>
        %add3A_386 = arith.constant 32 : i32
        %add3A_387 = arith.addi %mul3A_371, %add3A_386 : i32
        %get3A_388 = arith.index_cast %add3A_387 : i32 to index
        %get3A_389 = tpu.vector_load %arg7[%get3A_388] {strides = array<i32>} : memref<32000xf32, #tpu.memory_space<vmem>>, vector<16xf32>,
        %get3A_390 = vector.shape_cast %get3A_389 : vector<16xf32> to vector<16xf32>
        %min3A_391 = arith.minimumf %min3A_329, %get3A_390 : vector<16xf32>
        %max3A_392 = arith.maximumf %max3A_330, %get3A_390 : vector<16xf32>
        %add3A_393 = arith.constant 48 : i32
        %add3A_394 = arith.addi %mul3A_371, %add3A_393 : i32
        %get3A_395 = arith.index_cast %add3A_394 : i32 to index
        %get3A_396 = tpu.vector_load %arg7[%get3A_395] {strides = array<i32>} : memref<32000xf32, #tpu.memory_space<vmem>>, vector<16xf32>,
        %get3A_397 = vector.shape_cast %get3A_396 : vector<16xf32> to vector<16xf32>
        %min3A_398 = arith.minimumf %min3A_336, %get3A_397 : vector<16xf32>
        %max3A_399 = arith.maximumf %max3A_337, %get3A_397 : vector<16xf32>
        %add3A_400 = arith.constant 64 : i32
        %add3A_401 = arith.addi %mul3A_371, %add3A_400 : i32
        %get3A_402 = arith.index_cast %add3A_401 : i32 to index
        %get3A_403 = tpu.vector_load %arg7[%get3A_402] {strides = array<i32>} : memref<32000xf32, #tpu.memory_space<vmem>>, vector<16xf32>,
        %get3A_404 = vector.shape_cast %get3A_403 : vector<16xf32> to vector<16xf32>
        %min3A_405 = arith.minimumf %min3A_343, %get3A_404 : vector<16xf32>
        %max3A_406 = arith.maximumf %max3A_344, %get3A_404 : vector<16xf32>
        %add3A_407 = arith.constant 80 : i32
        %add3A_408 = arith.addi %mul3A_371, %add3A_407 : i32
        %get3A_409 = arith.index_cast %add3A_408 : i32 to index
        %get3A_410 = tpu.vector_load %arg7[%get3A_409] {strides = array<i32>} : memref<32000xf32, #tpu.memory_space<vmem>>, vector<16xf32>,
        %get3A_411 = vector.shape_cast %get3A_410 : vector<16xf32> to vector<16xf32>
        %min3A_412 = arith.minimumf %min3A_350, %get3A_411 : vector<16xf32>
        %max3A_413 = arith.maximumf %max3A_351, %get3A_411 : vector<16xf32>
        %add3A_414 = arith.constant 96 : i32
        %add3A_415 = arith.addi %mul3A_371, %add3A_414 : i32
        %get3A_416 = arith.index_cast %add3A_415 : i32 to index
        %get3A_417 = tpu.vector_load %arg7[%get3A_416] {strides = array<i32>} : memref<32000xf32, #tpu.memory_space<vmem>>, vector<16xf32>,
        %get3A_418 = vector.shape_cast %get3A_417 : vector<16xf32> to vector<16xf32>
        %min3A_419 = arith.minimumf %min3A_357, %get3A_418 : vector<16xf32>
        %max3A_420 = arith.maximumf %max3A_358, %get3A_418 : vector<16xf32>
        %add3A_421 = arith.constant 112 : i32
        %add3A_422 = arith.addi %mul3A_371, %add3A_421 : i32
        %get3A_423 = arith.index_cast %add3A_422 : i32 to index
        %get3A_424 = tpu.vector_load %arg7[%get3A_423] {strides = array<i32>} : memref<32000xf32, #tpu.memory_space<vmem>>, vector<16xf32>,
        %get3A_425 = vector.shape_cast %get3A_424 : vector<16xf32> to vector<16xf32>
        %min3A_426 = arith.minimumf %min3A_364, %get3A_425 : vector<16xf32>
        %max3A_427 = arith.maximumf %max3A_365, %get3A_425 : vector<16xf32>
        %mul3A_428 = arith.constant 5 : i32
        %mul3A_429 = arith.muli %scan3A_166, %mul3A_428 : i32
        %add3A_430 = arith.constant 4 : i32
        %add3A_431 = arith.addi %mul3A_429, %add3A_430 : i32
        %mul3A_432 = arith.constant 128 : i32
        %mul3A_433 = arith.muli %add3A_431, %mul3A_432 : i32
        %add3A_434 = arith.constant 0 : i32
        %add3A_435 = arith.addi %mul3A_433, %add3A_434 : i32
        %get3A_436 = arith.index_cast %add3A_435 : i32 to index
        %get3A_437 = tpu.vector_load %arg7[%get3A_436] {strides = array<i32>} : memref<32000xf32, #tpu.memory_space<vmem>>, vector<16xf32>,
        %get3A_438 = vector.shape_cast %get3A_437 : vector<16xf32> to vector<16xf32>
        %min3A_439 = arith.minimumf %min3A_377, %get3A_438 : vector<16xf32>
        %max3A_440 = arith.maximumf %max3A_378, %get3A_438 : vector<16xf32>
        %add3A_441 = arith.constant 16 : i32
        %add3A_442 = arith.addi %mul3A_433, %add3A_441 : i32
        %get3A_443 = arith.index_cast %add3A_442 : i32 to index
        %get3A_444 = tpu.vector_load %arg7[%get3A_443] {strides = array<i32>} : memref<32000xf32, #tpu.memory_space<vmem>>, vector<16xf32>,
        %get3A_445 = vector.shape_cast %get3A_444 : vector<16xf32> to vector<16xf32>
        %min3A_446 = arith.minimumf %min3A_384, %get3A_445 : vector<16xf32>
        %max3A_447 = arith.maximumf %max3A_385, %get3A_445 : vector<16xf32>
        %add3A_448 = arith.constant 32 : i32
        %add3A_449 = arith.addi %mul3A_433, %add3A_448 : i32
        %get3A_450 = arith.index_cast %add3A_449 : i32 to index
        %get3A_451 = tpu.vector_load %arg7[%get3A_450] {strides = array<i32>} : memref<32000xf32, #tpu.memory_space<vmem>>, vector<16xf32>,
        %get3A_452 = vector.shape_cast %get3A_451 : vector<16xf32> to vector<16xf32>
        %min3A_453 = arith.minimumf %min3A_391, %get3A_452 : vector<16xf32>
        %max3A_454 = arith.maximumf %max3A_392, %get3A_452 : vector<16xf32>
        %add3A_455 = arith.constant 48 : i32
        %add3A_456 = arith.addi %mul3A_433, %add3A_455 : i32
        %get3A_457 = arith.index_cast %add3A_456 : i32 to index
        %get3A_458 = tpu.vector_load %arg7[%get3A_457] {strides = array<i32>} : memref<32000xf32, #tpu.memory_space<vmem>>, vector<16xf32>,
        %get3A_459 = vector.shape_cast %get3A_458 : vector<16xf32> to vector<16xf32>
        %min3A_460 = arith.minimumf %min3A_398, %get3A_459 : vector<16xf32>
        %max3A_461 = arith.maximumf %max3A_399, %get3A_459 : vector<16xf32>
        %add3A_462 = arith.constant 64 : i32
        %add3A_463 = arith.addi %mul3A_433, %add3A_462 : i32
        %get3A_464 = arith.index_cast %add3A_463 : i32 to index
        %get3A_465 = tpu.vector_load %arg7[%get3A_464] {strides = array<i32>} : memref<32000xf32, #tpu.memory_space<vmem>>, vector<16xf32>,
        %get3A_466 = vector.shape_cast %get3A_465 : vector<16xf32> to vector<16xf32>
        %min3A_467 = arith.minimumf %min3A_405, %get3A_466 : vector<16xf32>
        %max3A_468 = arith.maximumf %max3A_406, %get3A_466 : vector<16xf32>
        %add3A_469 = arith.constant 80 : i32
        %add3A_470 = arith.addi %mul3A_433, %add3A_469 : i32
        %get3A_471 = arith.index_cast %add3A_470 : i32 to index
        %get3A_472 = tpu.vector_load %arg7[%get3A_471] {strides = array<i32>} : memref<32000xf32, #tpu.memory_space<vmem>>, vector<16xf32>,
        %get3A_473 = vector.shape_cast %get3A_472 : vector<16xf32> to vector<16xf32>
        %min3A_474 = arith.minimumf %min3A_412, %get3A_473 : vector<16xf32>
        %max3A_475 = arith.maximumf %max3A_413, %get3A_473 : vector<16xf32>
        %add3A_476 = arith.constant 96 : i32
        %add3A_477 = arith.addi %mul3A_433, %add3A_476 : i32
        %get3A_478 = arith.index_cast %add3A_477 : i32 to index
        %get3A_479 = tpu.vector_load %arg7[%get3A_478] {strides = array<i32>} : memref<32000xf32, #tpu.memory_space<vmem>>, vector<16xf32>,
        %get3A_480 = vector.shape_cast %get3A_479 : vector<16xf32> to vector<16xf32>
        %min3A_481 = arith.minimumf %min3A_419, %get3A_480 : vector<16xf32>
        %max3A_482 = arith.maximumf %max3A_420, %get3A_480 : vector<16xf32>
        %add3A_483 = arith.constant 112 : i32
        %add3A_484 = arith.addi %mul3A_433, %add3A_483 : i32
        %get3A_485 = arith.index_cast %add3A_484 : i32 to index
        %get3A_486 = tpu.vector_load %arg7[%get3A_485] {strides = array<i32>} : memref<32000xf32, #tpu.memory_space<vmem>>, vector<16xf32>,
        %get3A_487 = vector.shape_cast %get3A_486 : vector<16xf32> to vector<16xf32>
        %min3A_488 = arith.minimumf %min3A_426, %get3A_487 : vector<16xf32>
        %max3A_489 = arith.maximumf %max3A_427, %get3A_487 : vector<16xf32>
        scf.yield %min3A_439, %min3A_446, %min3A_453, %min3A_460, %min3A_467, %min3A_474, %min3A_481, %min3A_488, %max3A_440, %max3A_447, %max3A_454, %max3A_461, %max3A_468, %max3A_475, %max3A_482, %max3A_489 : vector<16xf32>, vector<16xf32>, vector<16xf32>, vector<16xf32>, vector<16xf32>, vector<16xf32>, vector<16xf32>, vector<16xf32>, vector<16xf32>, vector<16xf32>, vector<16xf32>, vector<16xf32>, vector<16xf32>, vector<16xf32>, vector<16xf32>, vector<16xf32>
      }
      %scan3A_158 = arith.constant 50 : i32
      %add3A_159 = arith.constant 3 : i32
      %add3A_160 = arith.addi %mul3A_121, %add3A_159 : i32
      %lt3A_161 = arith.constant 40 : i32
      %lt3A_162 = arith.cmpi slt, %add3A_160, %lt3A_161 : i32
      %convert_element_type3A_163 = arith.extui %lt3A_162 : i1 to i32
      %cond3A_164 = arith.constant 0 : i32
      %cond3A_165 = arith.cmpi ne, %convert_element_type3A_163, %cond3A_164 : i32
      scf.if %cond3A_165 {
        %add3A_166 = arith.constant 3 : i32
        %add3A_167 = arith.addi %mul3A_121, %add3A_166 : i32
        %mul3A_168 = arith.constant 32000 : i32
        %mul3A_169 = arith.muli %add3A_167, %mul3A_168 : i32
        %add3A_170 = arith.addi %mul3A_2, %mul3A_169 : i32
        %dma_start3A_171 = tpu.memref_slice %arg2[%add3A_170] : memref<40960000xf32, #tpu.memory_space<hbm>> -> memref<32000xf32, #tpu.memory_space<hbm>>
        %dma_start3A_172 = tpu.memref_slice %arg2[%add3A_170] : memref<40960000xf32, #tpu.memory_space<hbm>> -> memref<32000xf32, #tpu.memory_space<hbm>>
        tpu.enqueue_dma source(%dma_start3A_172 : memref<32000xf32, #tpu.memory_space<hbm>>) target(%arg7 : memref<32000xf32, #tpu.memory_space<vmem>>) target_semaphore(%arg11 : memref<!tpu.dma_semaphore, #tpu.memory_space<semaphore_mem>>)
      } else {
      }
      scf.yield %scan3A_157#0, %scan3A_157#1, %scan3A_157#2, %scan3A_157#3, %scan3A_157#4, %scan3A_157#5, %scan3A_157#6, %scan3A_157#7, %scan3A_157#8, %scan3A_157#9, %scan3A_157#10, %scan3A_157#11, %scan3A_157#12, %scan3A_157#13, %scan3A_157#14, %scan3A_157#15 : vector<16xf32>, vector<16xf32>, vector<16xf32>, vector<16xf32>, vector<16xf32>, vector<16xf32>, vector<16xf32>, vector<16xf32>, vector<16xf32>, vector<16xf32>, vector<16xf32>, vector<16xf32>, vector<16xf32>, vector<16xf32>, vector<16xf32>, vector<16xf32>
    }
    %scan3A_32 = arith.constant 20 : i32
    %add3A_33 = arith.constant 608000 : i32
    %add3A_34 = arith.addi %mul3A_8, %add3A_33 : i32
    %dma_wait3A = tpu.memref_slice %arg5[%add3A_34] : memref<40960128xf32, #tpu.memory_space<hbm>> -> memref<32000xf32, #tpu.memory_space<hbm>>
    %dma_wait3A_35 = tpu.memref_slice %arg5[%add3A_34] : memref<40960128xf32, #tpu.memory_space<hbm>> -> memref<32000xf32, #tpu.memory_space<hbm>>
    tpu.wait_dma2 semaphore(%arg12 : memref<!tpu.dma_semaphore, #tpu.memory_space<semaphore_mem>>) src(%arg9 : memref<32000xf32, #tpu.memory_space<vmem>>) dst(%dma_wait3A_35 : memref<32000xf32, #tpu.memory_space<hbm>>)
    %swap3A = arith.constant 0 : index
    %swap3A_36 = tpu.vector_load %arg8[%swap3A] {strides = array<i32>} : memref<128xf32, #tpu.memory_space<vmem>>, vector<16xf32>,
    %swap3A_37 = vector.shape_cast %swap3A_36 : vector<16xf32> to vector<16xf32>
    %swap3A_38 = vector.shape_cast %scan3A_31#0 : vector<16xf32> to vector<16xf32>
    tpu.vector_store %arg8[%swap3A], %swap3A_38 {strides = array<i32>} : memref<128xf32, #tpu.memory_space<vmem>>, vector<16xf32>,
    %swap3A_39 = arith.constant 16 : index
    %swap3A_40 = tpu.vector_load %arg8[%swap3A_39] {strides = array<i32>} : memref<128xf32, #tpu.memory_space<vmem>>, vector<16xf32>,
    %swap3A_41 = vector.shape_cast %swap3A_40 : vector<16xf32> to vector<16xf32>
    %swap3A_42 = vector.shape_cast %scan3A_31#1 : vector<16xf32> to vector<16xf32>
    tpu.vector_store %arg8[%swap3A_39], %swap3A_42 {strides = array<i32>} : memref<128xf32, #tpu.memory_space<vmem>>, vector<16xf32>,
    %swap3A_43 = arith.constant 32 : index
    %swap3A_44 = tpu.vector_load %arg8[%swap3A_43] {strides = array<i32>} : memref<128xf32, #tpu.memory_space<vmem>>, vector<16xf32>,
    %swap3A_45 = vector.shape_cast %swap3A_44 : vector<16xf32> to vector<16xf32>
    %swap3A_46 = vector.shape_cast %scan3A_31#2 : vector<16xf32> to vector<16xf32>
    tpu.vector_store %arg8[%swap3A_43], %swap3A_46 {strides = array<i32>} : memref<128xf32, #tpu.memory_space<vmem>>, vector<16xf32>,
    %swap3A_47 = arith.constant 48 : index
    %swap3A_48 = tpu.vector_load %arg8[%swap3A_47] {strides = array<i32>} : memref<128xf32, #tpu.memory_space<vmem>>, vector<16xf32>,
    %swap3A_49 = vector.shape_cast %swap3A_48 : vector<16xf32> to vector<16xf32>
    %swap3A_50 = vector.shape_cast %scan3A_31#3 : vector<16xf32> to vector<16xf32>
    tpu.vector_store %arg8[%swap3A_47], %swap3A_50 {strides = array<i32>} : memref<128xf32, #tpu.memory_space<vmem>>, vector<16xf32>,
    %swap3A_51 = arith.constant 64 : index
    %swap3A_52 = tpu.vector_load %arg8[%swap3A_51] {strides = array<i32>} : memref<128xf32, #tpu.memory_space<vmem>>, vector<16xf32>,
    %swap3A_53 = vector.shape_cast %swap3A_52 : vector<16xf32> to vector<16xf32>
    %swap3A_54 = vector.shape_cast %scan3A_31#4 : vector<16xf32> to vector<16xf32>
    tpu.vector_store %arg8[%swap3A_51], %swap3A_54 {strides = array<i32>} : memref<128xf32, #tpu.memory_space<vmem>>, vector<16xf32>,
    %swap3A_55 = arith.constant 80 : index
    %swap3A_56 = tpu.vector_load %arg8[%swap3A_55] {strides = array<i32>} : memref<128xf32, #tpu.memory_space<vmem>>, vector<16xf32>,
    %swap3A_57 = vector.shape_cast %swap3A_56 : vector<16xf32> to vector<16xf32>
    %swap3A_58 = vector.shape_cast %scan3A_31#5 : vector<16xf32> to vector<16xf32>
    tpu.vector_store %arg8[%swap3A_55], %swap3A_58 {strides = array<i32>} : memref<128xf32, #tpu.memory_space<vmem>>, vector<16xf32>,
    %swap3A_59 = arith.constant 96 : index
    %swap3A_60 = tpu.vector_load %arg8[%swap3A_59] {strides = array<i32>} : memref<128xf32, #tpu.memory_space<vmem>>, vector<16xf32>,
    %swap3A_61 = vector.shape_cast %swap3A_60 : vector<16xf32> to vector<16xf32>
    %swap3A_62 = vector.shape_cast %scan3A_31#6 : vector<16xf32> to vector<16xf32>
    tpu.vector_store %arg8[%swap3A_59], %swap3A_62 {strides = array<i32>} : memref<128xf32, #tpu.memory_space<vmem>>, vector<16xf32>,
    %swap3A_63 = arith.constant 112 : index
    %swap3A_64 = tpu.vector_load %arg8[%swap3A_63] {strides = array<i32>} : memref<128xf32, #tpu.memory_space<vmem>>, vector<16xf32>,
    %swap3A_65 = vector.shape_cast %swap3A_64 : vector<16xf32> to vector<16xf32>
    %swap3A_66 = vector.shape_cast %scan3A_31#7 : vector<16xf32> to vector<16xf32>
    tpu.vector_store %arg8[%swap3A_63], %swap3A_66 {strides = array<i32>} : memref<128xf32, #tpu.memory_space<vmem>>, vector<16xf32>,
    %mul3A_67 = arith.constant 128 : i32
    %mul3A_68 = arith.muli %add3A, %mul3A_67 : i32
    "tpu.region"() ({
      %run_scoped3A = tpu.sem_alloc : memref<!tpu.dma_semaphore, #tpu.memory_space<semaphore_mem>>
      %dma_start3A_103 = tpu.memref_slice %arg3[%mul3A_68] : memref<4096xf32, #tpu.memory_space<hbm>> -> memref<128xf32, #tpu.memory_space<hbm>>
      %dma_start3A_104 = tpu.memref_slice %arg3[%mul3A_68] : memref<4096xf32, #tpu.memory_space<hbm>> -> memref<128xf32, #tpu.memory_space<hbm>>
      tpu.enqueue_dma source(%arg8 : memref<128xf32, #tpu.memory_space<vmem>>) target(%dma_start3A_104 : memref<128xf32, #tpu.memory_space<hbm>>) target_semaphore(%run_scoped3A : memref<!tpu.dma_semaphore, #tpu.memory_space<semaphore_mem>>)
      %dma_wait3A_105 = tpu.memref_slice %arg3[%mul3A_68] : memref<4096xf32, #tpu.memory_space<hbm>> -> memref<128xf32, #tpu.memory_space<hbm>>
      %dma_wait3A_106 = tpu.memref_slice %arg3[%mul3A_68] : memref<4096xf32, #tpu.memory_space<hbm>> -> memref<128xf32, #tpu.memory_space<hbm>>
      tpu.wait_dma2 semaphore(%run_scoped3A : memref<!tpu.dma_semaphore, #tpu.memory_space<semaphore_mem>>) src(%arg8 : memref<128xf32, #tpu.memory_space<vmem>>) dst(%dma_wait3A_106 : memref<128xf32, #tpu.memory_space<hbm>>)
      tpu.yield
    }) : () -> ()
    %swap3A_69 = arith.constant 0 : index
    %swap3A_70 = tpu.vector_load %arg8[%swap3A_69] {strides = array<i32>} : memref<128xf32, #tpu.memory_space<vmem>>, vector<16xf32>,
    %swap3A_71 = vector.shape_cast %swap3A_70 : vector<16xf32> to vector<16xf32>
    %swap3A_72 = vector.shape_cast %scan3A_31#8 : vector<16xf32> to vector<16xf32>
    tpu.vector_store %arg8[%swap3A_69], %swap3A_72 {strides = array<i32>} : memref<128xf32, #tpu.memory_space<vmem>>, vector<16xf32>,
    %swap3A_73 = arith.constant 16 : index
    %swap3A_74 = tpu.vector_load %arg8[%swap3A_73] {strides = array<i32>} : memref<128xf32, #tpu.memory_space<vmem>>, vector<16xf32>,
    %swap3A_75 = vector.shape_cast %swap3A_74 : vector<16xf32> to vector<16xf32>
    %swap3A_76 = vector.shape_cast %scan3A_31#9 : vector<16xf32> to vector<16xf32>
    tpu.vector_store %arg8[%swap3A_73], %swap3A_76 {strides = array<i32>} : memref<128xf32, #tpu.memory_space<vmem>>, vector<16xf32>,
    %swap3A_77 = arith.constant 32 : index
    %swap3A_78 = tpu.vector_load %arg8[%swap3A_77] {strides = array<i32>} : memref<128xf32, #tpu.memory_space<vmem>>, vector<16xf32>,
    %swap3A_79 = vector.shape_cast %swap3A_78 : vector<16xf32> to vector<16xf32>
    %swap3A_80 = vector.shape_cast %scan3A_31#10 : vector<16xf32> to vector<16xf32>
    tpu.vector_store %arg8[%swap3A_77], %swap3A_80 {strides = array<i32>} : memref<128xf32, #tpu.memory_space<vmem>>, vector<16xf32>,
    %swap3A_81 = arith.constant 48 : index
    %swap3A_82 = tpu.vector_load %arg8[%swap3A_81] {strides = array<i32>} : memref<128xf32, #tpu.memory_space<vmem>>, vector<16xf32>,
    %swap3A_83 = vector.shape_cast %swap3A_82 : vector<16xf32> to vector<16xf32>
    %swap3A_84 = vector.shape_cast %scan3A_31#11 : vector<16xf32> to vector<16xf32>
    tpu.vector_store %arg8[%swap3A_81], %swap3A_84 {strides = array<i32>} : memref<128xf32, #tpu.memory_space<vmem>>, vector<16xf32>,
    %swap3A_85 = arith.constant 64 : index
    %swap3A_86 = tpu.vector_load %arg8[%swap3A_85] {strides = array<i32>} : memref<128xf32, #tpu.memory_space<vmem>>, vector<16xf32>,
    %swap3A_87 = vector.shape_cast %swap3A_86 : vector<16xf32> to vector<16xf32>
    %swap3A_88 = vector.shape_cast %scan3A_31#12 : vector<16xf32> to vector<16xf32>
    tpu.vector_store %arg8[%swap3A_85], %swap3A_88 {strides = array<i32>} : memref<128xf32, #tpu.memory_space<vmem>>, vector<16xf32>,
    %swap3A_89 = arith.constant 80 : index
    %swap3A_90 = tpu.vector_load %arg8[%swap3A_89] {strides = array<i32>} : memref<128xf32, #tpu.memory_space<vmem>>, vector<16xf32>,
    %swap3A_91 = vector.shape_cast %swap3A_90 : vector<16xf32> to vector<16xf32>
    %swap3A_92 = vector.shape_cast %scan3A_31#13 : vector<16xf32> to vector<16xf32>
    tpu.vector_store %arg8[%swap3A_89], %swap3A_92 {strides = array<i32>} : memref<128xf32, #tpu.memory_space<vmem>>, vector<16xf32>,
    %swap3A_93 = arith.constant 96 : index
    %swap3A_94 = tpu.vector_load %arg8[%swap3A_93] {strides = array<i32>} : memref<128xf32, #tpu.memory_space<vmem>>, vector<16xf32>,
    %swap3A_95 = vector.shape_cast %swap3A_94 : vector<16xf32> to vector<16xf32>
    %swap3A_96 = vector.shape_cast %scan3A_31#14 : vector<16xf32> to vector<16xf32>
    tpu.vector_store %arg8[%swap3A_93], %swap3A_96 {strides = array<i32>} : memref<128xf32, #tpu.memory_space<vmem>>, vector<16xf32>,
    %swap3A_97 = arith.constant 112 : index
    %swap3A_98 = tpu.vector_load %arg8[%swap3A_97] {strides = array<i32>} : memref<128xf32, #tpu.memory_space<vmem>>, vector<16xf32>,
    %swap3A_99 = vector.shape_cast %swap3A_98 : vector<16xf32> to vector<16xf32>
    %swap3A_100 = vector.shape_cast %scan3A_31#15 : vector<16xf32> to vector<16xf32>
    tpu.vector_store %arg8[%swap3A_97], %swap3A_100 {strides = array<i32>} : memref<128xf32, #tpu.memory_space<vmem>>, vector<16xf32>,
    %mul3A_101 = arith.constant 128 : i32
    %mul3A_102 = arith.muli %add3A, %mul3A_101 : i32
    "tpu.region"() ({
      %run_scoped3A = tpu.sem_alloc : memref<!tpu.dma_semaphore, #tpu.memory_space<semaphore_mem>>
      %dma_start3A_103 = tpu.memref_slice %arg4[%mul3A_102] : memref<4096xf32, #tpu.memory_space<hbm>> -> memref<128xf32, #tpu.memory_space<hbm>>
      %dma_start3A_104 = tpu.memref_slice %arg4[%mul3A_102] : memref<4096xf32, #tpu.memory_space<hbm>> -> memref<128xf32, #tpu.memory_space<hbm>>
      tpu.enqueue_dma source(%arg8 : memref<128xf32, #tpu.memory_space<vmem>>) target(%dma_start3A_104 : memref<128xf32, #tpu.memory_space<hbm>>) target_semaphore(%run_scoped3A : memref<!tpu.dma_semaphore, #tpu.memory_space<semaphore_mem>>)
      %dma_wait3A_105 = tpu.memref_slice %arg4[%mul3A_102] : memref<4096xf32, #tpu.memory_space<hbm>> -> memref<128xf32, #tpu.memory_space<hbm>>
      %dma_wait3A_106 = tpu.memref_slice %arg4[%mul3A_102] : memref<4096xf32, #tpu.memory_space<hbm>> -> memref<128xf32, #tpu.memory_space<hbm>>
      tpu.wait_dma2 semaphore(%run_scoped3A : memref<!tpu.dma_semaphore, #tpu.memory_space<semaphore_mem>>) src(%arg8 : memref<128xf32, #tpu.memory_space<vmem>>) dst(%dma_wait3A_106 : memref<128xf32, #tpu.memory_space<hbm>>)
      tpu.yield
    }) : () -> ()
    return
  }
}

#map = affine_map<(d0, d1) -> (0)>
module attributes {stable_mosaic.version = 14 : i64} {
  func.func @_relu_body(%arg0: i32, %arg1: i32, %arg2: memref<40960000xf32, #tpu.memory_space<hbm>>, %arg3: memref<4096xf32, #tpu.memory_space<hbm>>, %arg4: memref<4096xf32, #tpu.memory_space<hbm>>, %arg5: memref<128xf32, #tpu.memory_space<hbm>>, %arg6: memref<512xf32, #tpu.memory_space<hbm>>, %arg7: memref<40960128xf32, #tpu.memory_space<hbm>>, %arg8: memref<256xf32, #tpu.memory_space<hbm>>, %arg9: memref<32000xf32, #tpu.memory_space<vmem>>, %arg10: memref<32000xf32, #tpu.memory_space<vmem>>, %arg11: memref<4096xf32, #tpu.memory_space<vmem>>, %arg12: memref<4096xf32, #tpu.memory_space<vmem>>, %arg13: memref<128xf32, #tpu.memory_space<vmem>>, %arg14: memref<128xf32, #tpu.memory_space<vmem>>, %arg15: memref<32000xf32, #tpu.memory_space<vmem>>, %arg16: memref<2048xf32, #tpu.memory_space<vmem>>, %arg17: memref<512xf32, #tpu.memory_space<vmem>>, %arg18: memref<2048xf32, #tpu.memory_space<vmem_shared>>, %arg19: memref<!tpu.dma_semaphore, #tpu.memory_space<semaphore_mem>>, %arg20: memref<!tpu.dma_semaphore, #tpu.memory_space<semaphore_mem>>, %arg21: memref<!tpu.dma_semaphore, #tpu.memory_space<semaphore_mem>>) attributes {dimension_semantics = [#tpu.dimension_semantics<core_parallel>, #tpu.dimension_semantics<subcore_parallel>], iteration_bounds = array<i64: 2, 16>, scalar_prefetch = 0 : i64, scratch_operands = 13 : i64, tpu.core_type = #tpu.core_type<sc_vector_subcore>, window_params = [{transform_indices = #map}, {transform_indices = #map}, {transform_indices = #map}, {transform_indices = #map}, {transform_indices = #map}, {transform_indices = #map}, {transform_indices = #map}]} {
    %mul3A = arith.constant 16 : i32
    %mul3A_0 = arith.muli %arg0, %mul3A : i32
    %add3A = arith.addi %mul3A_0, %arg1 : i32
    %mul3A_1 = arith.constant 1280000 : i32
    %mul3A_2 = arith.muli %add3A, %mul3A_1 : i32
    %mul3A_3 = arith.constant 5000 : i32
    %mul3A_4 = arith.muli %add3A, %mul3A_3 : i32
    %add3A_5 = arith.constant 160000 : i32
    %add3A_6 = arith.addi %add3A_5, %mul3A_4 : i32
    %add3A_7 = arith.constant 1 : i32
    %add3A_8 = arith.addi %add3A_6, %add3A_7 : i32
    %mul3A_9 = arith.constant 128 : i32
    %mul3A_10 = arith.muli %add3A_8, %mul3A_9 : i32
    %add3A_11 = arith.constant 0 : i32
    %add3A_12 = arith.addi %mul3A_2, %add3A_11 : i32
    %dma_start3A = tpu.memref_slice %arg2[%add3A_12] : memref<40960000xf32, #tpu.memory_space<hbm>> -> memref<32000xf32, #tpu.memory_space<hbm>>
    %dma_start3A_13 = tpu.memref_slice %arg2[%add3A_12] : memref<40960000xf32, #tpu.memory_space<hbm>> -> memref<32000xf32, #tpu.memory_space<hbm>>
    tpu.enqueue_dma source(%dma_start3A_13 : memref<32000xf32, #tpu.memory_space<hbm>>) target(%arg9 : memref<32000xf32, #tpu.memory_space<vmem>>) target_semaphore(%arg19 : memref<!tpu.dma_semaphore, #tpu.memory_space<semaphore_mem>>)
    %add3A_14 = arith.constant 32000 : i32
    %add3A_15 = arith.addi %mul3A_2, %add3A_14 : i32
    %dma_start3A_16 = tpu.memref_slice %arg2[%add3A_15] : memref<40960000xf32, #tpu.memory_space<hbm>> -> memref<32000xf32, #tpu.memory_space<hbm>>
    %dma_start3A_17 = tpu.memref_slice %arg2[%add3A_15] : memref<40960000xf32, #tpu.memory_space<hbm>> -> memref<32000xf32, #tpu.memory_space<hbm>>
    tpu.enqueue_dma source(%dma_start3A_17 : memref<32000xf32, #tpu.memory_space<hbm>>) target(%arg10 : memref<32000xf32, #tpu.memory_space<vmem>>) target_semaphore(%arg20 : memref<!tpu.dma_semaphore, #tpu.memory_space<semaphore_mem>>)
    %broadcast_in_dim3A = arith.constant 0.000000e+00 : f32
    %broadcast_in_dim3A_18 = vector.broadcast %broadcast_in_dim3A : f32 to vector<16xf32>
    %scan3A = arith.constant 0 : i32
    %scan3A_19 = arith.constant 0 : i32
    %scan3A_20 = arith.constant 250 : i32
    %scan3A_21 = arith.addi %scan3A_19, %scan3A_20 : i32
    %scan3A_22 = arith.constant 1 : i32
    %scan3A_23 = scf.for %scan3A_173 = %scan3A_19 to %scan3A_21 step %scan3A_22 iter_args(%scan3A_174 = %scan3A) -> (i32)  : i32 {
      %mul3A_175 = arith.constant 8 : i32
      %mul3A_176 = arith.muli %scan3A_173, %mul3A_175 : i32
      %add3A_177 = arith.constant 0 : i32
      %add3A_178 = arith.addi %mul3A_176, %add3A_177 : i32
      %mul3A_179 = arith.constant 16 : i32
      %mul3A_180 = arith.muli %add3A_178, %mul3A_179 : i32
      %swap3A_181 = arith.index_cast %mul3A_180 : i32 to index
      %swap3A_182 = tpu.vector_load %arg15[%swap3A_181] {strides = array<i32>} : memref<32000xf32, #tpu.memory_space<vmem>>, vector<16xf32>,
      %swap3A_183 = vector.shape_cast %swap3A_182 : vector<16xf32> to vector<16xf32>
      %swap3A_184 = vector.shape_cast %broadcast_in_dim3A_18 : vector<16xf32> to vector<16xf32>
      tpu.vector_store %arg15[%swap3A_181], %swap3A_184 {strides = array<i32>} : memref<32000xf32, #tpu.memory_space<vmem>>, vector<16xf32>,
      %mul3A_185 = arith.constant 8 : i32
      %mul3A_186 = arith.muli %scan3A_173, %mul3A_185 : i32
      %add3A_187 = arith.constant 1 : i32
      %add3A_188 = arith.addi %mul3A_186, %add3A_187 : i32
      %mul3A_189 = arith.constant 16 : i32
      %mul3A_190 = arith.muli %add3A_188, %mul3A_189 : i32
      %swap3A_191 = arith.index_cast %mul3A_190 : i32 to index
      %swap3A_192 = tpu.vector_load %arg15[%swap3A_191] {strides = array<i32>} : memref<32000xf32, #tpu.memory_space<vmem>>, vector<16xf32>,
      %swap3A_193 = vector.shape_cast %swap3A_192 : vector<16xf32> to vector<16xf32>
      %swap3A_194 = vector.shape_cast %broadcast_in_dim3A_18 : vector<16xf32> to vector<16xf32>
      tpu.vector_store %arg15[%swap3A_191], %swap3A_194 {strides = array<i32>} : memref<32000xf32, #tpu.memory_space<vmem>>, vector<16xf32>,
      %mul3A_195 = arith.constant 8 : i32
      %mul3A_196 = arith.muli %scan3A_173, %mul3A_195 : i32
      %add3A_197 = arith.constant 2 : i32
      %add3A_198 = arith.addi %mul3A_196, %add3A_197 : i32
      %mul3A_199 = arith.constant 16 : i32
      %mul3A_200 = arith.muli %add3A_198, %mul3A_199 : i32
      %swap3A_201 = arith.index_cast %mul3A_200 : i32 to index
      %swap3A_202 = tpu.vector_load %arg15[%swap3A_201] {strides = array<i32>} : memref<32000xf32, #tpu.memory_space<vmem>>, vector<16xf32>,
      %swap3A_203 = vector.shape_cast %swap3A_202 : vector<16xf32> to vector<16xf32>
      %swap3A_204 = vector.shape_cast %broadcast_in_dim3A_18 : vector<16xf32> to vector<16xf32>
      tpu.vector_store %arg15[%swap3A_201], %swap3A_204 {strides = array<i32>} : memref<32000xf32, #tpu.memory_space<vmem>>, vector<16xf32>,
      %mul3A_205 = arith.constant 8 : i32
      %mul3A_206 = arith.muli %scan3A_173, %mul3A_205 : i32
      %add3A_207 = arith.constant 3 : i32
      %add3A_208 = arith.addi %mul3A_206, %add3A_207 : i32
      %mul3A_209 = arith.constant 16 : i32
      %mul3A_210 = arith.muli %add3A_208, %mul3A_209 : i32
      %swap3A_211 = arith.index_cast %mul3A_210 : i32 to index
      %swap3A_212 = tpu.vector_load %arg15[%swap3A_211] {strides = array<i32>} : memref<32000xf32, #tpu.memory_space<vmem>>, vector<16xf32>,
      %swap3A_213 = vector.shape_cast %swap3A_212 : vector<16xf32> to vector<16xf32>
      %swap3A_214 = vector.shape_cast %broadcast_in_dim3A_18 : vector<16xf32> to vector<16xf32>
      tpu.vector_store %arg15[%swap3A_211], %swap3A_214 {strides = array<i32>} : memref<32000xf32, #tpu.memory_space<vmem>>, vector<16xf32>,
      %mul3A_215 = arith.constant 8 : i32
      %mul3A_216 = arith.muli %scan3A_173, %mul3A_215 : i32
      %add3A_217 = arith.constant 4 : i32
      %add3A_218 = arith.addi %mul3A_216, %add3A_217 : i32
      %mul3A_219 = arith.constant 16 : i32
      %mul3A_220 = arith.muli %add3A_218, %mul3A_219 : i32
      %swap3A_221 = arith.index_cast %mul3A_220 : i32 to index
      %swap3A_222 = tpu.vector_load %arg15[%swap3A_221] {strides = array<i32>} : memref<32000xf32, #tpu.memory_space<vmem>>, vector<16xf32>,
      %swap3A_223 = vector.shape_cast %swap3A_222 : vector<16xf32> to vector<16xf32>
      %swap3A_224 = vector.shape_cast %broadcast_in_dim3A_18 : vector<16xf32> to vector<16xf32>
      tpu.vector_store %arg15[%swap3A_221], %swap3A_224 {strides = array<i32>} : memref<32000xf32, #tpu.memory_space<vmem>>, vector<16xf32>,
      %mul3A_225 = arith.constant 8 : i32
      %mul3A_226 = arith.muli %scan3A_173, %mul3A_225 : i32
      %add3A_227 = arith.constant 5 : i32
      %add3A_228 = arith.addi %mul3A_226, %add3A_227 : i32
      %mul3A_229 = arith.constant 16 : i32
      %mul3A_230 = arith.muli %add3A_228, %mul3A_229 : i32
      %swap3A_231 = arith.index_cast %mul3A_230 : i32 to index
      %swap3A_232 = tpu.vector_load %arg15[%swap3A_231] {strides = array<i32>} : memref<32000xf32, #tpu.memory_space<vmem>>, vector<16xf32>,
      %swap3A_233 = vector.shape_cast %swap3A_232 : vector<16xf32> to vector<16xf32>
      %swap3A_234 = vector.shape_cast %broadcast_in_dim3A_18 : vector<16xf32> to vector<16xf32>
      tpu.vector_store %arg15[%swap3A_231], %swap3A_234 {strides = array<i32>} : memref<32000xf32, #tpu.memory_space<vmem>>, vector<16xf32>,
      %mul3A_235 = arith.constant 8 : i32
      %mul3A_236 = arith.muli %scan3A_173, %mul3A_235 : i32
      %add3A_237 = arith.constant 6 : i32
      %add3A_238 = arith.addi %mul3A_236, %add3A_237 : i32
      %mul3A_239 = arith.constant 16 : i32
      %mul3A_240 = arith.muli %add3A_238, %mul3A_239 : i32
      %swap3A_241 = arith.index_cast %mul3A_240 : i32 to index
      %swap3A_242 = tpu.vector_load %arg15[%swap3A_241] {strides = array<i32>} : memref<32000xf32, #tpu.memory_space<vmem>>, vector<16xf32>,
      %swap3A_243 = vector.shape_cast %swap3A_242 : vector<16xf32> to vector<16xf32>
      %swap3A_244 = vector.shape_cast %broadcast_in_dim3A_18 : vector<16xf32> to vector<16xf32>
      tpu.vector_store %arg15[%swap3A_241], %swap3A_244 {strides = array<i32>} : memref<32000xf32, #tpu.memory_space<vmem>>, vector<16xf32>,
      %mul3A_245 = arith.constant 8 : i32
      %mul3A_246 = arith.muli %scan3A_173, %mul3A_245 : i32
      %add3A_247 = arith.constant 7 : i32
      %add3A_248 = arith.addi %mul3A_246, %add3A_247 : i32
      %mul3A_249 = arith.constant 16 : i32
      %mul3A_250 = arith.muli %add3A_248, %mul3A_249 : i32
      %swap3A_251 = arith.index_cast %mul3A_250 : i32 to index
      %swap3A_252 = tpu.vector_load %arg15[%swap3A_251] {strides = array<i32>} : memref<32000xf32, #tpu.memory_space<vmem>>, vector<16xf32>,
      %swap3A_253 = vector.shape_cast %swap3A_252 : vector<16xf32> to vector<16xf32>
      %swap3A_254 = vector.shape_cast %broadcast_in_dim3A_18 : vector<16xf32> to vector<16xf32>
      tpu.vector_store %arg15[%swap3A_251], %swap3A_254 {strides = array<i32>} : memref<32000xf32, #tpu.memory_space<vmem>>, vector<16xf32>,
      %scan3A_255 = arith.constant 0 : i32
      scf.yield %scan3A_255 : i32
    }
    %scan3A_24 = arith.constant 250 : i32
    "tpu.region"() ({
      %run_scoped3A = tpu.sem_alloc : memref<!tpu.dma_semaphore, #tpu.memory_space<semaphore_mem>>
      tpu.enqueue_dma source(%arg3 : memref<4096xf32, #tpu.memory_space<hbm>>) target(%arg11 : memref<4096xf32, #tpu.memory_space<vmem>>) target_semaphore(%run_scoped3A : memref<!tpu.dma_semaphore, #tpu.memory_space<semaphore_mem>>)
      tpu.wait_dma2 semaphore(%run_scoped3A : memref<!tpu.dma_semaphore, #tpu.memory_space<semaphore_mem>>) src(%arg3 : memref<4096xf32, #tpu.memory_space<hbm>>) dst(%arg11 : memref<4096xf32, #tpu.memory_space<vmem>>)
      tpu.yield
    }) : () -> ()
    "tpu.region"() ({
      %run_scoped3A = tpu.sem_alloc : memref<!tpu.dma_semaphore, #tpu.memory_space<semaphore_mem>>
      tpu.enqueue_dma source(%arg4 : memref<4096xf32, #tpu.memory_space<hbm>>) target(%arg12 : memref<4096xf32, #tpu.memory_space<vmem>>) target_semaphore(%run_scoped3A : memref<!tpu.dma_semaphore, #tpu.memory_space<semaphore_mem>>)
      tpu.wait_dma2 semaphore(%run_scoped3A : memref<!tpu.dma_semaphore, #tpu.memory_space<semaphore_mem>>) src(%arg4 : memref<4096xf32, #tpu.memory_space<hbm>>) dst(%arg12 : memref<4096xf32, #tpu.memory_space<vmem>>)
      tpu.yield
    }) : () -> ()
    "tpu.region"() ({
      %run_scoped3A = tpu.sem_alloc : memref<!tpu.dma_semaphore, #tpu.memory_space<semaphore_mem>>
      tpu.enqueue_dma source(%arg5 : memref<128xf32, #tpu.memory_space<hbm>>) target(%arg13 : memref<128xf32, #tpu.memory_space<vmem>>) target_semaphore(%run_scoped3A : memref<!tpu.dma_semaphore, #tpu.memory_space<semaphore_mem>>)
      tpu.wait_dma2 semaphore(%run_scoped3A : memref<!tpu.dma_semaphore, #tpu.memory_space<semaphore_mem>>) src(%arg5 : memref<128xf32, #tpu.memory_space<hbm>>) dst(%arg13 : memref<128xf32, #tpu.memory_space<vmem>>)
      tpu.yield
    }) : () -> ()
    %broadcast_in_dim3A_25 = arith.constant 0x7F800000 : f32
    %broadcast_in_dim3A_26 = vector.broadcast %broadcast_in_dim3A_25 : f32 to vector<16xf32>
    %broadcast_in_dim3A_27 = arith.constant 0xFF800000 : f32
    %broadcast_in_dim3A_28 = vector.broadcast %broadcast_in_dim3A_27 : f32 to vector<16xf32>
    %scan3A_29 = arith.constant 0 : i32
    %scan3A_30 = arith.constant 32 : i32
    %scan3A_31 = arith.addi %scan3A_29, %scan3A_30 : i32
    %scan3A_32 = arith.constant 1 : i32
    %scan3A_33:16 = scf.for %scan3A_173 = %scan3A_29 to %scan3A_31 step %scan3A_32 iter_args(%scan3A_174 = %broadcast_in_dim3A_26, %scan3A_175 = %broadcast_in_dim3A_26, %scan3A_176 = %broadcast_in_dim3A_26, %scan3A_177 = %broadcast_in_dim3A_26, %scan3A_178 = %broadcast_in_dim3A_26, %scan3A_179 = %broadcast_in_dim3A_26, %scan3A_180 = %broadcast_in_dim3A_26, %scan3A_181 = %broadcast_in_dim3A_26, %scan3A_182 = %broadcast_in_dim3A_28, %scan3A_183 = %broadcast_in_dim3A_28, %scan3A_184 = %broadcast_in_dim3A_28, %scan3A_185 = %broadcast_in_dim3A_28, %scan3A_186 = %broadcast_in_dim3A_28, %scan3A_187 = %broadcast_in_dim3A_28, %scan3A_188 = %broadcast_in_dim3A_28, %scan3A_189 = %broadcast_in_dim3A_28) -> (vector<16xf32>, vector<16xf32>, vector<16xf32>, vector<16xf32>, vector<16xf32>, vector<16xf32>, vector<16xf32>, vector<16xf32>, vector<16xf32>, vector<16xf32>, vector<16xf32>, vector<16xf32>, vector<16xf32>, vector<16xf32>, vector<16xf32>, vector<16xf32>)  : i32 {
      %mul3A_190 = arith.constant 128 : i32
      %mul3A_191 = arith.muli %scan3A_173, %mul3A_190 : i32
      %add3A_192 = arith.constant 0 : i32
      %add3A_193 = arith.addi %mul3A_191, %add3A_192 : i32
      %get3A_194 = arith.index_cast %add3A_193 : i32 to index
      %get3A_195 = tpu.vector_load %arg11[%get3A_194] {strides = array<i32>} : memref<4096xf32, #tpu.memory_space<vmem>>, vector<16xf32>,
      %get3A_196 = vector.shape_cast %get3A_195 : vector<16xf32> to vector<16xf32>
      %min3A = arith.minimumf %scan3A_174, %get3A_196 : vector<16xf32>
      %mul3A_197 = arith.constant 128 : i32
      %mul3A_198 = arith.muli %scan3A_173, %mul3A_197 : i32
      %add3A_199 = arith.constant 0 : i32
      %add3A_200 = arith.addi %mul3A_198, %add3A_199 : i32
      %get3A_201 = arith.index_cast %add3A_200 : i32 to index
      %get3A_202 = tpu.vector_load %arg12[%get3A_201] {strides = array<i32>} : memref<4096xf32, #tpu.memory_space<vmem>>, vector<16xf32>,
      %get3A_203 = vector.shape_cast %get3A_202 : vector<16xf32> to vector<16xf32>
      %max3A = arith.maximumf %scan3A_182, %get3A_203 : vector<16xf32>
      %mul3A_204 = arith.constant 128 : i32
      %mul3A_205 = arith.muli %scan3A_173, %mul3A_204 : i32
      %add3A_206 = arith.constant 16 : i32
      %add3A_207 = arith.addi %mul3A_205, %add3A_206 : i32
      %get3A_208 = arith.index_cast %add3A_207 : i32 to index
      %get3A_209 = tpu.vector_load %arg11[%get3A_208] {strides = array<i32>} : memref<4096xf32, #tpu.memory_space<vmem>>, vector<16xf32>,
      %get3A_210 = vector.shape_cast %get3A_209 : vector<16xf32> to vector<16xf32>
      %min3A_211 = arith.minimumf %scan3A_175, %get3A_210 : vector<16xf32>
      %mul3A_212 = arith.constant 128 : i32
      %mul3A_213 = arith.muli %scan3A_173, %mul3A_212 : i32
      %add3A_214 = arith.constant 16 : i32
      %add3A_215 = arith.addi %mul3A_213, %add3A_214 : i32
      %get3A_216 = arith.index_cast %add3A_215 : i32 to index
      %get3A_217 = tpu.vector_load %arg12[%get3A_216] {strides = array<i32>} : memref<4096xf32, #tpu.memory_space<vmem>>, vector<16xf32>,
      %get3A_218 = vector.shape_cast %get3A_217 : vector<16xf32> to vector<16xf32>
      %max3A_219 = arith.maximumf %scan3A_183, %get3A_218 : vector<16xf32>
      %mul3A_220 = arith.constant 128 : i32
      %mul3A_221 = arith.muli %scan3A_173, %mul3A_220 : i32
      %add3A_222 = arith.constant 32 : i32
      %add3A_223 = arith.addi %mul3A_221, %add3A_222 : i32
      %get3A_224 = arith.index_cast %add3A_223 : i32 to index
      %get3A_225 = tpu.vector_load %arg11[%get3A_224] {strides = array<i32>} : memref<4096xf32, #tpu.memory_space<vmem>>, vector<16xf32>,
      %get3A_226 = vector.shape_cast %get3A_225 : vector<16xf32> to vector<16xf32>
      %min3A_227 = arith.minimumf %scan3A_176, %get3A_226 : vector<16xf32>
      %mul3A_228 = arith.constant 128 : i32
      %mul3A_229 = arith.muli %scan3A_173, %mul3A_228 : i32
      %add3A_230 = arith.constant 32 : i32
      %add3A_231 = arith.addi %mul3A_229, %add3A_230 : i32
      %get3A_232 = arith.index_cast %add3A_231 : i32 to index
      %get3A_233 = tpu.vector_load %arg12[%get3A_232] {strides = array<i32>} : memref<4096xf32, #tpu.memory_space<vmem>>, vector<16xf32>,
      %get3A_234 = vector.shape_cast %get3A_233 : vector<16xf32> to vector<16xf32>
      %max3A_235 = arith.maximumf %scan3A_184, %get3A_234 : vector<16xf32>
      %mul3A_236 = arith.constant 128 : i32
      %mul3A_237 = arith.muli %scan3A_173, %mul3A_236 : i32
      %add3A_238 = arith.constant 48 : i32
      %add3A_239 = arith.addi %mul3A_237, %add3A_238 : i32
      %get3A_240 = arith.index_cast %add3A_239 : i32 to index
      %get3A_241 = tpu.vector_load %arg11[%get3A_240] {strides = array<i32>} : memref<4096xf32, #tpu.memory_space<vmem>>, vector<16xf32>,
      %get3A_242 = vector.shape_cast %get3A_241 : vector<16xf32> to vector<16xf32>
      %min3A_243 = arith.minimumf %scan3A_177, %get3A_242 : vector<16xf32>
      %mul3A_244 = arith.constant 128 : i32
      %mul3A_245 = arith.muli %scan3A_173, %mul3A_244 : i32
      %add3A_246 = arith.constant 48 : i32
      %add3A_247 = arith.addi %mul3A_245, %add3A_246 : i32
      %get3A_248 = arith.index_cast %add3A_247 : i32 to index
      %get3A_249 = tpu.vector_load %arg12[%get3A_248] {strides = array<i32>} : memref<4096xf32, #tpu.memory_space<vmem>>, vector<16xf32>,
      %get3A_250 = vector.shape_cast %get3A_249 : vector<16xf32> to vector<16xf32>
      %max3A_251 = arith.maximumf %scan3A_185, %get3A_250 : vector<16xf32>
      %mul3A_252 = arith.constant 128 : i32
      %mul3A_253 = arith.muli %scan3A_173, %mul3A_252 : i32
      %add3A_254 = arith.constant 64 : i32
      %add3A_255 = arith.addi %mul3A_253, %add3A_254 : i32
      %get3A_256 = arith.index_cast %add3A_255 : i32 to index
      %get3A_257 = tpu.vector_load %arg11[%get3A_256] {strides = array<i32>} : memref<4096xf32, #tpu.memory_space<vmem>>, vector<16xf32>,
      %get3A_258 = vector.shape_cast %get3A_257 : vector<16xf32> to vector<16xf32>
      %min3A_259 = arith.minimumf %scan3A_178, %get3A_258 : vector<16xf32>
      %mul3A_260 = arith.constant 128 : i32
      %mul3A_261 = arith.muli %scan3A_173, %mul3A_260 : i32
      %add3A_262 = arith.constant 64 : i32
      %add3A_263 = arith.addi %mul3A_261, %add3A_262 : i32
      %get3A_264 = arith.index_cast %add3A_263 : i32 to index
      %get3A_265 = tpu.vector_load %arg12[%get3A_264] {strides = array<i32>} : memref<4096xf32, #tpu.memory_space<vmem>>, vector<16xf32>,
      %get3A_266 = vector.shape_cast %get3A_265 : vector<16xf32> to vector<16xf32>
      %max3A_267 = arith.maximumf %scan3A_186, %get3A_266 : vector<16xf32>
      %mul3A_268 = arith.constant 128 : i32
      %mul3A_269 = arith.muli %scan3A_173, %mul3A_268 : i32
      %add3A_270 = arith.constant 80 : i32
      %add3A_271 = arith.addi %mul3A_269, %add3A_270 : i32
      %get3A_272 = arith.index_cast %add3A_271 : i32 to index
      %get3A_273 = tpu.vector_load %arg11[%get3A_272] {strides = array<i32>} : memref<4096xf32, #tpu.memory_space<vmem>>, vector<16xf32>,
      %get3A_274 = vector.shape_cast %get3A_273 : vector<16xf32> to vector<16xf32>
      %min3A_275 = arith.minimumf %scan3A_179, %get3A_274 : vector<16xf32>
      %mul3A_276 = arith.constant 128 : i32
      %mul3A_277 = arith.muli %scan3A_173, %mul3A_276 : i32
      %add3A_278 = arith.constant 80 : i32
      %add3A_279 = arith.addi %mul3A_277, %add3A_278 : i32
      %get3A_280 = arith.index_cast %add3A_279 : i32 to index
      %get3A_281 = tpu.vector_load %arg12[%get3A_280] {strides = array<i32>} : memref<4096xf32, #tpu.memory_space<vmem>>, vector<16xf32>,
      %get3A_282 = vector.shape_cast %get3A_281 : vector<16xf32> to vector<16xf32>
      %max3A_283 = arith.maximumf %scan3A_187, %get3A_282 : vector<16xf32>
      %mul3A_284 = arith.constant 128 : i32
      %mul3A_285 = arith.muli %scan3A_173, %mul3A_284 : i32
      %add3A_286 = arith.constant 96 : i32
      %add3A_287 = arith.addi %mul3A_285, %add3A_286 : i32
      %get3A_288 = arith.index_cast %add3A_287 : i32 to index
      %get3A_289 = tpu.vector_load %arg11[%get3A_288] {strides = array<i32>} : memref<4096xf32, #tpu.memory_space<vmem>>, vector<16xf32>,
      %get3A_290 = vector.shape_cast %get3A_289 : vector<16xf32> to vector<16xf32>
      %min3A_291 = arith.minimumf %scan3A_180, %get3A_290 : vector<16xf32>
      %mul3A_292 = arith.constant 128 : i32
      %mul3A_293 = arith.muli %scan3A_173, %mul3A_292 : i32
      %add3A_294 = arith.constant 96 : i32
      %add3A_295 = arith.addi %mul3A_293, %add3A_294 : i32
      %get3A_296 = arith.index_cast %add3A_295 : i32 to index
      %get3A_297 = tpu.vector_load %arg12[%get3A_296] {strides = array<i32>} : memref<4096xf32, #tpu.memory_space<vmem>>, vector<16xf32>,
      %get3A_298 = vector.shape_cast %get3A_297 : vector<16xf32> to vector<16xf32>
      %max3A_299 = arith.maximumf %scan3A_188, %get3A_298 : vector<16xf32>
      %mul3A_300 = arith.constant 128 : i32
      %mul3A_301 = arith.muli %scan3A_173, %mul3A_300 : i32
      %add3A_302 = arith.constant 112 : i32
      %add3A_303 = arith.addi %mul3A_301, %add3A_302 : i32
      %get3A_304 = arith.index_cast %add3A_303 : i32 to index
      %get3A_305 = tpu.vector_load %arg11[%get3A_304] {strides = array<i32>} : memref<4096xf32, #tpu.memory_space<vmem>>, vector<16xf32>,
      %get3A_306 = vector.shape_cast %get3A_305 : vector<16xf32> to vector<16xf32>
      %min3A_307 = arith.minimumf %scan3A_181, %get3A_306 : vector<16xf32>
      %mul3A_308 = arith.constant 128 : i32
      %mul3A_309 = arith.muli %scan3A_173, %mul3A_308 : i32
      %add3A_310 = arith.constant 112 : i32
      %add3A_311 = arith.addi %mul3A_309, %add3A_310 : i32
      %get3A_312 = arith.index_cast %add3A_311 : i32 to index
      %get3A_313 = tpu.vector_load %arg12[%get3A_312] {strides = array<i32>} : memref<4096xf32, #tpu.memory_space<vmem>>, vector<16xf32>,
      %get3A_314 = vector.shape_cast %get3A_313 : vector<16xf32> to vector<16xf32>
      %max3A_315 = arith.maximumf %scan3A_189, %get3A_314 : vector<16xf32>
      scf.yield %min3A, %min3A_211, %min3A_227, %min3A_243, %min3A_259, %min3A_275, %min3A_291, %min3A_307, %max3A, %max3A_219, %max3A_235, %max3A_251, %max3A_267, %max3A_283, %max3A_299, %max3A_315 : vector<16xf32>, vector<16xf32>, vector<16xf32>, vector<16xf32>, vector<16xf32>, vector<16xf32>, vector<16xf32>, vector<16xf32>, vector<16xf32>, vector<16xf32>, vector<16xf32>, vector<16xf32>, vector<16xf32>, vector<16xf32>, vector<16xf32>, vector<16xf32>
    }
    %scan3A_34 = arith.constant 32 : i32
    %get3A = arith.constant 0 : index
    %get3A_35 = tpu.vector_load %arg13[%get3A] {strides = array<i32>} : memref<128xf32, #tpu.memory_space<vmem>>, vector<16xf32>,
    %get3A_36 = vector.shape_cast %get3A_35 : vector<16xf32> to vector<16xf32>
    %mul3A_37 = arith.mulf %get3A_36, %scan3A_33#8 : vector<16xf32>
    %sub3A = arith.constant 1.000000e+00 : f32
    %sub3A_38 = vector.broadcast %sub3A : f32 to vector<16xf32>
    %sub3A_39 = arith.subf %sub3A_38, %get3A_36 : vector<16xf32>
    %mul3A_40 = arith.mulf %sub3A_39, %scan3A_33#0 : vector<16xf32>
    %add3A_41 = arith.addf %mul3A_37, %mul3A_40 : vector<16xf32>
    %get3A_42 = arith.constant 16 : index
    %get3A_43 = tpu.vector_load %arg13[%get3A_42] {strides = array<i32>} : memref<128xf32, #tpu.memory_space<vmem>>, vector<16xf32>,
    %get3A_44 = vector.shape_cast %get3A_43 : vector<16xf32> to vector<16xf32>
    %mul3A_45 = arith.mulf %get3A_44, %scan3A_33#9 : vector<16xf32>
    %sub3A_46 = arith.constant 1.000000e+00 : f32
    %sub3A_47 = vector.broadcast %sub3A_46 : f32 to vector<16xf32>
    %sub3A_48 = arith.subf %sub3A_47, %get3A_44 : vector<16xf32>
    %mul3A_49 = arith.mulf %sub3A_48, %scan3A_33#1 : vector<16xf32>
    %add3A_50 = arith.addf %mul3A_45, %mul3A_49 : vector<16xf32>
    %get3A_51 = arith.constant 32 : index
    %get3A_52 = tpu.vector_load %arg13[%get3A_51] {strides = array<i32>} : memref<128xf32, #tpu.memory_space<vmem>>, vector<16xf32>,
    %get3A_53 = vector.shape_cast %get3A_52 : vector<16xf32> to vector<16xf32>
    %mul3A_54 = arith.mulf %get3A_53, %scan3A_33#10 : vector<16xf32>
    %sub3A_55 = arith.constant 1.000000e+00 : f32
    %sub3A_56 = vector.broadcast %sub3A_55 : f32 to vector<16xf32>
    %sub3A_57 = arith.subf %sub3A_56, %get3A_53 : vector<16xf32>
    %mul3A_58 = arith.mulf %sub3A_57, %scan3A_33#2 : vector<16xf32>
    %add3A_59 = arith.addf %mul3A_54, %mul3A_58 : vector<16xf32>
    %get3A_60 = arith.constant 48 : index
    %get3A_61 = tpu.vector_load %arg13[%get3A_60] {strides = array<i32>} : memref<128xf32, #tpu.memory_space<vmem>>, vector<16xf32>,
    %get3A_62 = vector.shape_cast %get3A_61 : vector<16xf32> to vector<16xf32>
    %mul3A_63 = arith.mulf %get3A_62, %scan3A_33#11 : vector<16xf32>
    %sub3A_64 = arith.constant 1.000000e+00 : f32
    %sub3A_65 = vector.broadcast %sub3A_64 : f32 to vector<16xf32>
    %sub3A_66 = arith.subf %sub3A_65, %get3A_62 : vector<16xf32>
    %mul3A_67 = arith.mulf %sub3A_66, %scan3A_33#3 : vector<16xf32>
    %add3A_68 = arith.addf %mul3A_63, %mul3A_67 : vector<16xf32>
    %get3A_69 = arith.constant 64 : index
    %get3A_70 = tpu.vector_load %arg13[%get3A_69] {strides = array<i32>} : memref<128xf32, #tpu.memory_space<vmem>>, vector<16xf32>,
    %get3A_71 = vector.shape_cast %get3A_70 : vector<16xf32> to vector<16xf32>
    %mul3A_72 = arith.mulf %get3A_71, %scan3A_33#12 : vector<16xf32>
    %sub3A_73 = arith.constant 1.000000e+00 : f32
    %sub3A_74 = vector.broadcast %sub3A_73 : f32 to vector<16xf32>
    %sub3A_75 = arith.subf %sub3A_74, %get3A_71 : vector<16xf32>
    %mul3A_76 = arith.mulf %sub3A_75, %scan3A_33#4 : vector<16xf32>
    %add3A_77 = arith.addf %mul3A_72, %mul3A_76 : vector<16xf32>
    %get3A_78 = arith.constant 80 : index
    %get3A_79 = tpu.vector_load %arg13[%get3A_78] {strides = array<i32>} : memref<128xf32, #tpu.memory_space<vmem>>, vector<16xf32>,
    %get3A_80 = vector.shape_cast %get3A_79 : vector<16xf32> to vector<16xf32>
    %mul3A_81 = arith.mulf %get3A_80, %scan3A_33#13 : vector<16xf32>
    %sub3A_82 = arith.constant 1.000000e+00 : f32
    %sub3A_83 = vector.broadcast %sub3A_82 : f32 to vector<16xf32>
    %sub3A_84 = arith.subf %sub3A_83, %get3A_80 : vector<16xf32>
    %mul3A_85 = arith.mulf %sub3A_84, %scan3A_33#5 : vector<16xf32>
    %add3A_86 = arith.addf %mul3A_81, %mul3A_85 : vector<16xf32>
    %get3A_87 = arith.constant 96 : index
    %get3A_88 = tpu.vector_load %arg13[%get3A_87] {strides = array<i32>} : memref<128xf32, #tpu.memory_space<vmem>>, vector<16xf32>,
    %get3A_89 = vector.shape_cast %get3A_88 : vector<16xf32> to vector<16xf32>
    %mul3A_90 = arith.mulf %get3A_89, %scan3A_33#14 : vector<16xf32>
    %sub3A_91 = arith.constant 1.000000e+00 : f32
    %sub3A_92 = vector.broadcast %sub3A_91 : f32 to vector<16xf32>
    %sub3A_93 = arith.subf %sub3A_92, %get3A_89 : vector<16xf32>
    %mul3A_94 = arith.mulf %sub3A_93, %scan3A_33#6 : vector<16xf32>
    %add3A_95 = arith.addf %mul3A_90, %mul3A_94 : vector<16xf32>
    %get3A_96 = arith.constant 112 : index
    %get3A_97 = tpu.vector_load %arg13[%get3A_96] {strides = array<i32>} : memref<128xf32, #tpu.memory_space<vmem>>, vector<16xf32>,
    %get3A_98 = vector.shape_cast %get3A_97 : vector<16xf32> to vector<16xf32>
    %mul3A_99 = arith.mulf %get3A_98, %scan3A_33#15 : vector<16xf32>
    %sub3A_100 = arith.constant 1.000000e+00 : f32
    %sub3A_101 = vector.broadcast %sub3A_100 : f32 to vector<16xf32>
    %sub3A_102 = arith.subf %sub3A_101, %get3A_98 : vector<16xf32>
    %mul3A_103 = arith.mulf %sub3A_102, %scan3A_33#7 : vector<16xf32>
    %add3A_104 = arith.addf %mul3A_99, %mul3A_103 : vector<16xf32>
    %mul3A_105 = arith.constant 2.500000e+02 : f32
    %mul3A_106 = vector.broadcast %mul3A_105 : f32 to vector<16xf32>
    %mul3A_107 = arith.mulf %mul3A_106, %add3A_41 : vector<16xf32>
    %mul3A_108 = arith.constant 2.500000e+02 : f32
    %mul3A_109 = vector.broadcast %mul3A_108 : f32 to vector<16xf32>
    %mul3A_110 = arith.mulf %mul3A_109, %add3A_50 : vector<16xf32>
    %mul3A_111 = arith.constant 2.500000e+02 : f32
    %mul3A_112 = vector.broadcast %mul3A_111 : f32 to vector<16xf32>
    %mul3A_113 = arith.mulf %mul3A_112, %add3A_59 : vector<16xf32>
    %mul3A_114 = arith.constant 2.500000e+02 : f32
    %mul3A_115 = vector.broadcast %mul3A_114 : f32 to vector<16xf32>
    %mul3A_116 = arith.mulf %mul3A_115, %add3A_68 : vector<16xf32>
    %mul3A_117 = arith.constant 2.500000e+02 : f32
    %mul3A_118 = vector.broadcast %mul3A_117 : f32 to vector<16xf32>
    %mul3A_119 = arith.mulf %mul3A_118, %add3A_77 : vector<16xf32>
    %mul3A_120 = arith.constant 2.500000e+02 : f32
    %mul3A_121 = vector.broadcast %mul3A_120 : f32 to vector<16xf32>
    %mul3A_122 = arith.mulf %mul3A_121, %add3A_86 : vector<16xf32>
    %mul3A_123 = arith.constant 2.500000e+02 : f32
    %mul3A_124 = vector.broadcast %mul3A_123 : f32 to vector<16xf32>
    %mul3A_125 = arith.mulf %mul3A_124, %add3A_95 : vector<16xf32>
    %mul3A_126 = arith.constant 2.500000e+02 : f32
    %mul3A_127 = vector.broadcast %mul3A_126 : f32 to vector<16xf32>
    %mul3A_128 = arith.mulf %mul3A_127, %add3A_104 : vector<16xf32>
    %scan3A_129 = arith.constant 0 : i32
    %scan3A_130 = arith.constant 20 : i32
    %scan3A_131 = arith.addi %scan3A_129, %scan3A_130 : i32
    %scan3A_132 = arith.constant 1 : i32
    %scan3A_133:8 = scf.for %scan3A_173 = %scan3A_129 to %scan3A_131 step %scan3A_132 iter_args(%scan3A_174 = %broadcast_in_dim3A_18, %scan3A_175 = %broadcast_in_dim3A_18, %scan3A_176 = %broadcast_in_dim3A_18, %scan3A_177 = %broadcast_in_dim3A_18, %scan3A_178 = %broadcast_in_dim3A_18, %scan3A_179 = %broadcast_in_dim3A_18, %scan3A_180 = %broadcast_in_dim3A_18, %scan3A_181 = %broadcast_in_dim3A_18) -> (vector<16xf32>, vector<16xf32>, vector<16xf32>, vector<16xf32>, vector<16xf32>, vector<16xf32>, vector<16xf32>, vector<16xf32>)  : i32 {
      %mul3A_182 = arith.constant 2 : i32
      %mul3A_183 = arith.muli %scan3A_173, %mul3A_182 : i32
      %mul3A_184 = arith.constant 32000 : i32
      %mul3A_185 = arith.muli %mul3A_183, %mul3A_184 : i32
      %add3A_186 = arith.addi %mul3A_2, %mul3A_185 : i32
      %dma_wait3A_187 = tpu.memref_slice %arg2[%add3A_186] : memref<40960000xf32, #tpu.memory_space<hbm>> -> memref<32000xf32, #tpu.memory_space<hbm>>
      %dma_wait3A_188 = tpu.memref_slice %arg2[%add3A_186] : memref<40960000xf32, #tpu.memory_space<hbm>> -> memref<32000xf32, #tpu.memory_space<hbm>>
      tpu.wait_dma2 semaphore(%arg19 : memref<!tpu.dma_semaphore, #tpu.memory_space<semaphore_mem>>) src(%dma_wait3A_188 : memref<32000xf32, #tpu.memory_space<hbm>>) dst(%arg9 : memref<32000xf32, #tpu.memory_space<vmem>>)
      %scan3A_189 = arith.constant 0 : i32
      %scan3A_190 = arith.constant 50 : i32
      %scan3A_191 = arith.addi %scan3A_189, %scan3A_190 : i32
      %scan3A_192 = arith.constant 1 : i32
      %scan3A_193:8 = scf.for %scan3A_262 = %scan3A_189 to %scan3A_191 step %scan3A_192 iter_args(%scan3A_263 = %broadcast_in_dim3A_18, %scan3A_264 = %broadcast_in_dim3A_18, %scan3A_265 = %broadcast_in_dim3A_18, %scan3A_266 = %broadcast_in_dim3A_18, %scan3A_267 = %broadcast_in_dim3A_18, %scan3A_268 = %broadcast_in_dim3A_18, %scan3A_269 = %broadcast_in_dim3A_18, %scan3A_270 = %broadcast_in_dim3A_18) -> (vector<16xf32>, vector<16xf32>, vector<16xf32>, vector<16xf32>, vector<16xf32>, vector<16xf32>, vector<16xf32>, vector<16xf32>)  : i32 {
        %mul3A_271 = arith.constant 5 : i32
        %mul3A_272 = arith.muli %scan3A_262, %mul3A_271 : i32
        %add3A_273 = arith.constant 0 : i32
        %add3A_274 = arith.addi %mul3A_272, %add3A_273 : i32
        %mul3A_275 = arith.constant 128 : i32
        %mul3A_276 = arith.muli %add3A_274, %mul3A_275 : i32
        %add3A_277 = arith.constant 0 : i32
        %add3A_278 = arith.addi %mul3A_276, %add3A_277 : i32
        %get3A_279 = arith.index_cast %add3A_278 : i32 to index
        %get3A_280 = tpu.vector_load %arg9[%get3A_279] {strides = array<i32>} : memref<32000xf32, #tpu.memory_space<vmem>>, vector<16xf32>,
        %get3A_281 = vector.shape_cast %get3A_280 : vector<16xf32> to vector<16xf32>
        %max3A = arith.maximumf %get3A_281, %add3A_41 : vector<16xf32>
        %add3A_282 = arith.addf %scan3A_263, %max3A : vector<16xf32>
        %add3A_283 = arith.constant 16 : i32
        %add3A_284 = arith.addi %mul3A_276, %add3A_283 : i32
        %get3A_285 = arith.index_cast %add3A_284 : i32 to index
        %get3A_286 = tpu.vector_load %arg9[%get3A_285] {strides = array<i32>} : memref<32000xf32, #tpu.memory_space<vmem>>, vector<16xf32>,
        %get3A_287 = vector.shape_cast %get3A_286 : vector<16xf32> to vector<16xf32>
        %max3A_288 = arith.maximumf %get3A_287, %add3A_50 : vector<16xf32>
        %add3A_289 = arith.addf %scan3A_264, %max3A_288 : vector<16xf32>
        %add3A_290 = arith.constant 32 : i32
        %add3A_291 = arith.addi %mul3A_276, %add3A_290 : i32
        %get3A_292 = arith.index_cast %add3A_291 : i32 to index
        %get3A_293 = tpu.vector_load %arg9[%get3A_292] {strides = array<i32>} : memref<32000xf32, #tpu.memory_space<vmem>>, vector<16xf32>,
        %get3A_294 = vector.shape_cast %get3A_293 : vector<16xf32> to vector<16xf32>
        %max3A_295 = arith.maximumf %get3A_294, %add3A_59 : vector<16xf32>
        %add3A_296 = arith.addf %scan3A_265, %max3A_295 : vector<16xf32>
        %add3A_297 = arith.constant 48 : i32
        %add3A_298 = arith.addi %mul3A_276, %add3A_297 : i32
        %get3A_299 = arith.index_cast %add3A_298 : i32 to index
        %get3A_300 = tpu.vector_load %arg9[%get3A_299] {strides = array<i32>} : memref<32000xf32, #tpu.memory_space<vmem>>, vector<16xf32>,
        %get3A_301 = vector.shape_cast %get3A_300 : vector<16xf32> to vector<16xf32>
        %max3A_302 = arith.maximumf %get3A_301, %add3A_68 : vector<16xf32>
        %add3A_303 = arith.addf %scan3A_266, %max3A_302 : vector<16xf32>
        %add3A_304 = arith.constant 64 : i32
        %add3A_305 = arith.addi %mul3A_276, %add3A_304 : i32
        %get3A_306 = arith.index_cast %add3A_305 : i32 to index
        %get3A_307 = tpu.vector_load %arg9[%get3A_306] {strides = array<i32>} : memref<32000xf32, #tpu.memory_space<vmem>>, vector<16xf32>,
        %get3A_308 = vector.shape_cast %get3A_307 : vector<16xf32> to vector<16xf32>
        %max3A_309 = arith.maximumf %get3A_308, %add3A_77 : vector<16xf32>
        %add3A_310 = arith.addf %scan3A_267, %max3A_309 : vector<16xf32>
        %add3A_311 = arith.constant 80 : i32
        %add3A_312 = arith.addi %mul3A_276, %add3A_311 : i32
        %get3A_313 = arith.index_cast %add3A_312 : i32 to index
        %get3A_314 = tpu.vector_load %arg9[%get3A_313] {strides = array<i32>} : memref<32000xf32, #tpu.memory_space<vmem>>, vector<16xf32>,
        %get3A_315 = vector.shape_cast %get3A_314 : vector<16xf32> to vector<16xf32>
        %max3A_316 = arith.maximumf %get3A_315, %add3A_86 : vector<16xf32>
        %add3A_317 = arith.addf %scan3A_268, %max3A_316 : vector<16xf32>
        %add3A_318 = arith.constant 96 : i32
        %add3A_319 = arith.addi %mul3A_276, %add3A_318 : i32
        %get3A_320 = arith.index_cast %add3A_319 : i32 to index
        %get3A_321 = tpu.vector_load %arg9[%get3A_320] {strides = array<i32>} : memref<32000xf32, #tpu.memory_space<vmem>>, vector<16xf32>,
        %get3A_322 = vector.shape_cast %get3A_321 : vector<16xf32> to vector<16xf32>
        %max3A_323 = arith.maximumf %get3A_322, %add3A_95 : vector<16xf32>
        %add3A_324 = arith.addf %scan3A_269, %max3A_323 : vector<16xf32>
        %add3A_325 = arith.constant 112 : i32
        %add3A_326 = arith.addi %mul3A_276, %add3A_325 : i32
        %get3A_327 = arith.index_cast %add3A_326 : i32 to index
        %get3A_328 = tpu.vector_load %arg9[%get3A_327] {strides = array<i32>} : memref<32000xf32, #tpu.memory_space<vmem>>, vector<16xf32>,
        %get3A_329 = vector.shape_cast %get3A_328 : vector<16xf32> to vector<16xf32>
        %max3A_330 = arith.maximumf %get3A_329, %add3A_104 : vector<16xf32>
        %add3A_331 = arith.addf %scan3A_270, %max3A_330 : vector<16xf32>
        %mul3A_332 = arith.constant 5 : i32
        %mul3A_333 = arith.muli %scan3A_262, %mul3A_332 : i32
        %add3A_334 = arith.constant 1 : i32
        %add3A_335 = arith.addi %mul3A_333, %add3A_334 : i32
        %mul3A_336 = arith.constant 128 : i32
        %mul3A_337 = arith.muli %add3A_335, %mul3A_336 : i32
        %add3A_338 = arith.constant 0 : i32
        %add3A_339 = arith.addi %mul3A_337, %add3A_338 : i32
        %get3A_340 = arith.index_cast %add3A_339 : i32 to index
        %get3A_341 = tpu.vector_load %arg9[%get3A_340] {strides = array<i32>} : memref<32000xf32, #tpu.memory_space<vmem>>, vector<16xf32>,
        %get3A_342 = vector.shape_cast %get3A_341 : vector<16xf32> to vector<16xf32>
        %max3A_343 = arith.maximumf %get3A_342, %add3A_41 : vector<16xf32>
        %add3A_344 = arith.addf %add3A_282, %max3A_343 : vector<16xf32>
        %add3A_345 = arith.constant 16 : i32
        %add3A_346 = arith.addi %mul3A_337, %add3A_345 : i32
        %get3A_347 = arith.index_cast %add3A_346 : i32 to index
        %get3A_348 = tpu.vector_load %arg9[%get3A_347] {strides = array<i32>} : memref<32000xf32, #tpu.memory_space<vmem>>, vector<16xf32>,
        %get3A_349 = vector.shape_cast %get3A_348 : vector<16xf32> to vector<16xf32>
        %max3A_350 = arith.maximumf %get3A_349, %add3A_50 : vector<16xf32>
        %add3A_351 = arith.addf %add3A_289, %max3A_350 : vector<16xf32>
        %add3A_352 = arith.constant 32 : i32
        %add3A_353 = arith.addi %mul3A_337, %add3A_352 : i32
        %get3A_354 = arith.index_cast %add3A_353 : i32 to index
        %get3A_355 = tpu.vector_load %arg9[%get3A_354] {strides = array<i32>} : memref<32000xf32, #tpu.memory_space<vmem>>, vector<16xf32>,
        %get3A_356 = vector.shape_cast %get3A_355 : vector<16xf32> to vector<16xf32>
        %max3A_357 = arith.maximumf %get3A_356, %add3A_59 : vector<16xf32>
        %add3A_358 = arith.addf %add3A_296, %max3A_357 : vector<16xf32>
        %add3A_359 = arith.constant 48 : i32
        %add3A_360 = arith.addi %mul3A_337, %add3A_359 : i32
        %get3A_361 = arith.index_cast %add3A_360 : i32 to index
        %get3A_362 = tpu.vector_load %arg9[%get3A_361] {strides = array<i32>} : memref<32000xf32, #tpu.memory_space<vmem>>, vector<16xf32>,
        %get3A_363 = vector.shape_cast %get3A_362 : vector<16xf32> to vector<16xf32>
        %max3A_364 = arith.maximumf %get3A_363, %add3A_68 : vector<16xf32>
        %add3A_365 = arith.addf %add3A_303, %max3A_364 : vector<16xf32>
        %add3A_366 = arith.constant 64 : i32
        %add3A_367 = arith.addi %mul3A_337, %add3A_366 : i32
        %get3A_368 = arith.index_cast %add3A_367 : i32 to index
        %get3A_369 = tpu.vector_load %arg9[%get3A_368] {strides = array<i32>} : memref<32000xf32, #tpu.memory_space<vmem>>, vector<16xf32>,
        %get3A_370 = vector.shape_cast %get3A_369 : vector<16xf32> to vector<16xf32>
        %max3A_371 = arith.maximumf %get3A_370, %add3A_77 : vector<16xf32>
        %add3A_372 = arith.addf %add3A_310, %max3A_371 : vector<16xf32>
        %add3A_373 = arith.constant 80 : i32
        %add3A_374 = arith.addi %mul3A_337, %add3A_373 : i32
        %get3A_375 = arith.index_cast %add3A_374 : i32 to index
        %get3A_376 = tpu.vector_load %arg9[%get3A_375] {strides = array<i32>} : memref<32000xf32, #tpu.memory_space<vmem>>, vector<16xf32>,
        %get3A_377 = vector.shape_cast %get3A_376 : vector<16xf32> to vector<16xf32>
        %max3A_378 = arith.maximumf %get3A_377, %add3A_86 : vector<16xf32>
        %add3A_379 = arith.addf %add3A_317, %max3A_378 : vector<16xf32>
        %add3A_380 = arith.constant 96 : i32
        %add3A_381 = arith.addi %mul3A_337, %add3A_380 : i32
        %get3A_382 = arith.index_cast %add3A_381 : i32 to index
        %get3A_383 = tpu.vector_load %arg9[%get3A_382] {strides = array<i32>} : memref<32000xf32, #tpu.memory_space<vmem>>, vector<16xf32>,
        %get3A_384 = vector.shape_cast %get3A_383 : vector<16xf32> to vector<16xf32>
        %max3A_385 = arith.maximumf %get3A_384, %add3A_95 : vector<16xf32>
        %add3A_386 = arith.addf %add3A_324, %max3A_385 : vector<16xf32>
        %add3A_387 = arith.constant 112 : i32
        %add3A_388 = arith.addi %mul3A_337, %add3A_387 : i32
        %get3A_389 = arith.index_cast %add3A_388 : i32 to index
        %get3A_390 = tpu.vector_load %arg9[%get3A_389] {strides = array<i32>} : memref<32000xf32, #tpu.memory_space<vmem>>, vector<16xf32>,
        %get3A_391 = vector.shape_cast %get3A_390 : vector<16xf32> to vector<16xf32>
        %max3A_392 = arith.maximumf %get3A_391, %add3A_104 : vector<16xf32>
        %add3A_393 = arith.addf %add3A_331, %max3A_392 : vector<16xf32>
        %mul3A_394 = arith.constant 5 : i32
        %mul3A_395 = arith.muli %scan3A_262, %mul3A_394 : i32
        %add3A_396 = arith.constant 2 : i32
        %add3A_397 = arith.addi %mul3A_395, %add3A_396 : i32
        %mul3A_398 = arith.constant 128 : i32
        %mul3A_399 = arith.muli %add3A_397, %mul3A_398 : i32
        %add3A_400 = arith.constant 0 : i32
        %add3A_401 = arith.addi %mul3A_399, %add3A_400 : i32
        %get3A_402 = arith.index_cast %add3A_401 : i32 to index
        %get3A_403 = tpu.vector_load %arg9[%get3A_402] {strides = array<i32>} : memref<32000xf32, #tpu.memory_space<vmem>>, vector<16xf32>,
        %get3A_404 = vector.shape_cast %get3A_403 : vector<16xf32> to vector<16xf32>
        %max3A_405 = arith.maximumf %get3A_404, %add3A_41 : vector<16xf32>
        %add3A_406 = arith.addf %add3A_344, %max3A_405 : vector<16xf32>
        %add3A_407 = arith.constant 16 : i32
        %add3A_408 = arith.addi %mul3A_399, %add3A_407 : i32
        %get3A_409 = arith.index_cast %add3A_408 : i32 to index
        %get3A_410 = tpu.vector_load %arg9[%get3A_409] {strides = array<i32>} : memref<32000xf32, #tpu.memory_space<vmem>>, vector<16xf32>,
        %get3A_411 = vector.shape_cast %get3A_410 : vector<16xf32> to vector<16xf32>
        %max3A_412 = arith.maximumf %get3A_411, %add3A_50 : vector<16xf32>
        %add3A_413 = arith.addf %add3A_351, %max3A_412 : vector<16xf32>
        %add3A_414 = arith.constant 32 : i32
        %add3A_415 = arith.addi %mul3A_399, %add3A_414 : i32
        %get3A_416 = arith.index_cast %add3A_415 : i32 to index
        %get3A_417 = tpu.vector_load %arg9[%get3A_416] {strides = array<i32>} : memref<32000xf32, #tpu.memory_space<vmem>>, vector<16xf32>,
        %get3A_418 = vector.shape_cast %get3A_417 : vector<16xf32> to vector<16xf32>
        %max3A_419 = arith.maximumf %get3A_418, %add3A_59 : vector<16xf32>
        %add3A_420 = arith.addf %add3A_358, %max3A_419 : vector<16xf32>
        %add3A_421 = arith.constant 48 : i32
        %add3A_422 = arith.addi %mul3A_399, %add3A_421 : i32
        %get3A_423 = arith.index_cast %add3A_422 : i32 to index
        %get3A_424 = tpu.vector_load %arg9[%get3A_423] {strides = array<i32>} : memref<32000xf32, #tpu.memory_space<vmem>>, vector<16xf32>,
        %get3A_425 = vector.shape_cast %get3A_424 : vector<16xf32> to vector<16xf32>
        %max3A_426 = arith.maximumf %get3A_425, %add3A_68 : vector<16xf32>
        %add3A_427 = arith.addf %add3A_365, %max3A_426 : vector<16xf32>
        %add3A_428 = arith.constant 64 : i32
        %add3A_429 = arith.addi %mul3A_399, %add3A_428 : i32
        %get3A_430 = arith.index_cast %add3A_429 : i32 to index
        %get3A_431 = tpu.vector_load %arg9[%get3A_430] {strides = array<i32>} : memref<32000xf32, #tpu.memory_space<vmem>>, vector<16xf32>,
        %get3A_432 = vector.shape_cast %get3A_431 : vector<16xf32> to vector<16xf32>
        %max3A_433 = arith.maximumf %get3A_432, %add3A_77 : vector<16xf32>
        %add3A_434 = arith.addf %add3A_372, %max3A_433 : vector<16xf32>
        %add3A_435 = arith.constant 80 : i32
        %add3A_436 = arith.addi %mul3A_399, %add3A_435 : i32
        %get3A_437 = arith.index_cast %add3A_436 : i32 to index
        %get3A_438 = tpu.vector_load %arg9[%get3A_437] {strides = array<i32>} : memref<32000xf32, #tpu.memory_space<vmem>>, vector<16xf32>,
        %get3A_439 = vector.shape_cast %get3A_438 : vector<16xf32> to vector<16xf32>
        %max3A_440 = arith.maximumf %get3A_439, %add3A_86 : vector<16xf32>
        %add3A_441 = arith.addf %add3A_379, %max3A_440 : vector<16xf32>
        %add3A_442 = arith.constant 96 : i32
        %add3A_443 = arith.addi %mul3A_399, %add3A_442 : i32
        %get3A_444 = arith.index_cast %add3A_443 : i32 to index
        %get3A_445 = tpu.vector_load %arg9[%get3A_444] {strides = array<i32>} : memref<32000xf32, #tpu.memory_space<vmem>>, vector<16xf32>,
        %get3A_446 = vector.shape_cast %get3A_445 : vector<16xf32> to vector<16xf32>
        %max3A_447 = arith.maximumf %get3A_446, %add3A_95 : vector<16xf32>
        %add3A_448 = arith.addf %add3A_386, %max3A_447 : vector<16xf32>
        %add3A_449 = arith.constant 112 : i32
        %add3A_450 = arith.addi %mul3A_399, %add3A_449 : i32
        %get3A_451 = arith.index_cast %add3A_450 : i32 to index
        %get3A_452 = tpu.vector_load %arg9[%get3A_451] {strides = array<i32>} : memref<32000xf32, #tpu.memory_space<vmem>>, vector<16xf32>,
        %get3A_453 = vector.shape_cast %get3A_452 : vector<16xf32> to vector<16xf32>
        %max3A_454 = arith.maximumf %get3A_453, %add3A_104 : vector<16xf32>
        %add3A_455 = arith.addf %add3A_393, %max3A_454 : vector<16xf32>
        %mul3A_456 = arith.constant 5 : i32
        %mul3A_457 = arith.muli %scan3A_262, %mul3A_456 : i32
        %add3A_458 = arith.constant 3 : i32
        %add3A_459 = arith.addi %mul3A_457, %add3A_458 : i32
        %mul3A_460 = arith.constant 128 : i32
        %mul3A_461 = arith.muli %add3A_459, %mul3A_460 : i32
        %add3A_462 = arith.constant 0 : i32
        %add3A_463 = arith.addi %mul3A_461, %add3A_462 : i32
        %get3A_464 = arith.index_cast %add3A_463 : i32 to index
        %get3A_465 = tpu.vector_load %arg9[%get3A_464] {strides = array<i32>} : memref<32000xf32, #tpu.memory_space<vmem>>, vector<16xf32>,
        %get3A_466 = vector.shape_cast %get3A_465 : vector<16xf32> to vector<16xf32>
        %max3A_467 = arith.maximumf %get3A_466, %add3A_41 : vector<16xf32>
        %add3A_468 = arith.addf %add3A_406, %max3A_467 : vector<16xf32>
        %add3A_469 = arith.constant 16 : i32
        %add3A_470 = arith.addi %mul3A_461, %add3A_469 : i32
        %get3A_471 = arith.index_cast %add3A_470 : i32 to index
        %get3A_472 = tpu.vector_load %arg9[%get3A_471] {strides = array<i32>} : memref<32000xf32, #tpu.memory_space<vmem>>, vector<16xf32>,
        %get3A_473 = vector.shape_cast %get3A_472 : vector<16xf32> to vector<16xf32>
        %max3A_474 = arith.maximumf %get3A_473, %add3A_50 : vector<16xf32>
        %add3A_475 = arith.addf %add3A_413, %max3A_474 : vector<16xf32>
        %add3A_476 = arith.constant 32 : i32
        %add3A_477 = arith.addi %mul3A_461, %add3A_476 : i32
        %get3A_478 = arith.index_cast %add3A_477 : i32 to index
        %get3A_479 = tpu.vector_load %arg9[%get3A_478] {strides = array<i32>} : memref<32000xf32, #tpu.memory_space<vmem>>, vector<16xf32>,
        %get3A_480 = vector.shape_cast %get3A_479 : vector<16xf32> to vector<16xf32>
        %max3A_481 = arith.maximumf %get3A_480, %add3A_59 : vector<16xf32>
        %add3A_482 = arith.addf %add3A_420, %max3A_481 : vector<16xf32>
        %add3A_483 = arith.constant 48 : i32
        %add3A_484 = arith.addi %mul3A_461, %add3A_483 : i32
        %get3A_485 = arith.index_cast %add3A_484 : i32 to index
        %get3A_486 = tpu.vector_load %arg9[%get3A_485] {strides = array<i32>} : memref<32000xf32, #tpu.memory_space<vmem>>, vector<16xf32>,
        %get3A_487 = vector.shape_cast %get3A_486 : vector<16xf32> to vector<16xf32>
        %max3A_488 = arith.maximumf %get3A_487, %add3A_68 : vector<16xf32>
        %add3A_489 = arith.addf %add3A_427, %max3A_488 : vector<16xf32>
        %add3A_490 = arith.constant 64 : i32
        %add3A_491 = arith.addi %mul3A_461, %add3A_490 : i32
        %get3A_492 = arith.index_cast %add3A_491 : i32 to index
        %get3A_493 = tpu.vector_load %arg9[%get3A_492] {strides = array<i32>} : memref<32000xf32, #tpu.memory_space<vmem>>, vector<16xf32>,
        %get3A_494 = vector.shape_cast %get3A_493 : vector<16xf32> to vector<16xf32>
        %max3A_495 = arith.maximumf %get3A_494, %add3A_77 : vector<16xf32>
        %add3A_496 = arith.addf %add3A_434, %max3A_495 : vector<16xf32>
        %add3A_497 = arith.constant 80 : i32
        %add3A_498 = arith.addi %mul3A_461, %add3A_497 : i32
        %get3A_499 = arith.index_cast %add3A_498 : i32 to index
        %get3A_500 = tpu.vector_load %arg9[%get3A_499] {strides = array<i32>} : memref<32000xf32, #tpu.memory_space<vmem>>, vector<16xf32>,
        %get3A_501 = vector.shape_cast %get3A_500 : vector<16xf32> to vector<16xf32>
        %max3A_502 = arith.maximumf %get3A_501, %add3A_86 : vector<16xf32>
        %add3A_503 = arith.addf %add3A_441, %max3A_502 : vector<16xf32>
        %add3A_504 = arith.constant 96 : i32
        %add3A_505 = arith.addi %mul3A_461, %add3A_504 : i32
        %get3A_506 = arith.index_cast %add3A_505 : i32 to index
        %get3A_507 = tpu.vector_load %arg9[%get3A_506] {strides = array<i32>} : memref<32000xf32, #tpu.memory_space<vmem>>, vector<16xf32>,
        %get3A_508 = vector.shape_cast %get3A_507 : vector<16xf32> to vector<16xf32>
        %max3A_509 = arith.maximumf %get3A_508, %add3A_95 : vector<16xf32>
        %add3A_510 = arith.addf %add3A_448, %max3A_509 : vector<16xf32>
        %add3A_511 = arith.constant 112 : i32
        %add3A_512 = arith.addi %mul3A_461, %add3A_511 : i32
        %get3A_513 = arith.index_cast %add3A_512 : i32 to index
        %get3A_514 = tpu.vector_load %arg9[%get3A_513] {strides = array<i32>} : memref<32000xf32, #tpu.memory_space<vmem>>, vector<16xf32>,
        %get3A_515 = vector.shape_cast %get3A_514 : vector<16xf32> to vector<16xf32>
        %max3A_516 = arith.maximumf %get3A_515, %add3A_104 : vector<16xf32>
        %add3A_517 = arith.addf %add3A_455, %max3A_516 : vector<16xf32>
        %mul3A_518 = arith.constant 5 : i32
        %mul3A_519 = arith.muli %scan3A_262, %mul3A_518 : i32
        %add3A_520 = arith.constant 4 : i32
        %add3A_521 = arith.addi %mul3A_519, %add3A_520 : i32
        %mul3A_522 = arith.constant 128 : i32
        %mul3A_523 = arith.muli %add3A_521, %mul3A_522 : i32
        %add3A_524 = arith.constant 0 : i32
        %add3A_525 = arith.addi %mul3A_523, %add3A_524 : i32
        %get3A_526 = arith.index_cast %add3A_525 : i32 to index
        %get3A_527 = tpu.vector_load %arg9[%get3A_526] {strides = array<i32>} : memref<32000xf32, #tpu.memory_space<vmem>>, vector<16xf32>,
        %get3A_528 = vector.shape_cast %get3A_527 : vector<16xf32> to vector<16xf32>
        %max3A_529 = arith.maximumf %get3A_528, %add3A_41 : vector<16xf32>
        %add3A_530 = arith.addf %add3A_468, %max3A_529 : vector<16xf32>
        %add3A_531 = arith.constant 16 : i32
        %add3A_532 = arith.addi %mul3A_523, %add3A_531 : i32
        %get3A_533 = arith.index_cast %add3A_532 : i32 to index
        %get3A_534 = tpu.vector_load %arg9[%get3A_533] {strides = array<i32>} : memref<32000xf32, #tpu.memory_space<vmem>>, vector<16xf32>,
        %get3A_535 = vector.shape_cast %get3A_534 : vector<16xf32> to vector<16xf32>
        %max3A_536 = arith.maximumf %get3A_535, %add3A_50 : vector<16xf32>
        %add3A_537 = arith.addf %add3A_475, %max3A_536 : vector<16xf32>
        %add3A_538 = arith.constant 32 : i32
        %add3A_539 = arith.addi %mul3A_523, %add3A_538 : i32
        %get3A_540 = arith.index_cast %add3A_539 : i32 to index
        %get3A_541 = tpu.vector_load %arg9[%get3A_540] {strides = array<i32>} : memref<32000xf32, #tpu.memory_space<vmem>>, vector<16xf32>,
        %get3A_542 = vector.shape_cast %get3A_541 : vector<16xf32> to vector<16xf32>
        %max3A_543 = arith.maximumf %get3A_542, %add3A_59 : vector<16xf32>
        %add3A_544 = arith.addf %add3A_482, %max3A_543 : vector<16xf32>
        %add3A_545 = arith.constant 48 : i32
        %add3A_546 = arith.addi %mul3A_523, %add3A_545 : i32
        %get3A_547 = arith.index_cast %add3A_546 : i32 to index
        %get3A_548 = tpu.vector_load %arg9[%get3A_547] {strides = array<i32>} : memref<32000xf32, #tpu.memory_space<vmem>>, vector<16xf32>,
        %get3A_549 = vector.shape_cast %get3A_548 : vector<16xf32> to vector<16xf32>
        %max3A_550 = arith.maximumf %get3A_549, %add3A_68 : vector<16xf32>
        %add3A_551 = arith.addf %add3A_489, %max3A_550 : vector<16xf32>
        %add3A_552 = arith.constant 64 : i32
        %add3A_553 = arith.addi %mul3A_523, %add3A_552 : i32
        %get3A_554 = arith.index_cast %add3A_553 : i32 to index
        %get3A_555 = tpu.vector_load %arg9[%get3A_554] {strides = array<i32>} : memref<32000xf32, #tpu.memory_space<vmem>>, vector<16xf32>,
        %get3A_556 = vector.shape_cast %get3A_555 : vector<16xf32> to vector<16xf32>
        %max3A_557 = arith.maximumf %get3A_556, %add3A_77 : vector<16xf32>
        %add3A_558 = arith.addf %add3A_496, %max3A_557 : vector<16xf32>
        %add3A_559 = arith.constant 80 : i32
        %add3A_560 = arith.addi %mul3A_523, %add3A_559 : i32
        %get3A_561 = arith.index_cast %add3A_560 : i32 to index
        %get3A_562 = tpu.vector_load %arg9[%get3A_561] {strides = array<i32>} : memref<32000xf32, #tpu.memory_space<vmem>>, vector<16xf32>,
        %get3A_563 = vector.shape_cast %get3A_562 : vector<16xf32> to vector<16xf32>
        %max3A_564 = arith.maximumf %get3A_563, %add3A_86 : vector<16xf32>
        %add3A_565 = arith.addf %add3A_503, %max3A_564 : vector<16xf32>
        %add3A_566 = arith.constant 96 : i32
        %add3A_567 = arith.addi %mul3A_523, %add3A_566 : i32
        %get3A_568 = arith.index_cast %add3A_567 : i32 to index
        %get3A_569 = tpu.vector_load %arg9[%get3A_568] {strides = array<i32>} : memref<32000xf32, #tpu.memory_space<vmem>>, vector<16xf32>,
        %get3A_570 = vector.shape_cast %get3A_569 : vector<16xf32> to vector<16xf32>
        %max3A_571 = arith.maximumf %get3A_570, %add3A_95 : vector<16xf32>
        %add3A_572 = arith.addf %add3A_510, %max3A_571 : vector<16xf32>
        %add3A_573 = arith.constant 112 : i32
        %add3A_574 = arith.addi %mul3A_523, %add3A_573 : i32
        %get3A_575 = arith.index_cast %add3A_574 : i32 to index
        %get3A_576 = tpu.vector_load %arg9[%get3A_575] {strides = array<i32>} : memref<32000xf32, #tpu.memory_space<vmem>>, vector<16xf32>,
        %get3A_577 = vector.shape_cast %get3A_576 : vector<16xf32> to vector<16xf32>
        %max3A_578 = arith.maximumf %get3A_577, %add3A_104 : vector<16xf32>
        %add3A_579 = arith.addf %add3A_517, %max3A_578 : vector<16xf32>
        scf.yield %add3A_530, %add3A_537, %add3A_544, %add3A_551, %add3A_558, %add3A_565, %add3A_572, %add3A_579 : vector<16xf32>, vector<16xf32>, vector<16xf32>, vector<16xf32>, vector<16xf32>, vector<16xf32>, vector<16xf32>, vector<16xf32>
      }
      %scan3A_194 = arith.constant 50 : i32
      %sub3A_195 = arith.subf %scan3A_193#0, %mul3A_107 : vector<16xf32>
      %add3A_196 = arith.addf %scan3A_174, %sub3A_195 : vector<16xf32>
      %sub3A_197 = arith.subf %scan3A_193#1, %mul3A_110 : vector<16xf32>
      %add3A_198 = arith.addf %scan3A_175, %sub3A_197 : vector<16xf32>
      %sub3A_199 = arith.subf %scan3A_193#2, %mul3A_113 : vector<16xf32>
      %add3A_200 = arith.addf %scan3A_176, %sub3A_199 : vector<16xf32>
      %sub3A_201 = arith.subf %scan3A_193#3, %mul3A_116 : vector<16xf32>
      %add3A_202 = arith.addf %scan3A_177, %sub3A_201 : vector<16xf32>
      %sub3A_203 = arith.subf %scan3A_193#4, %mul3A_119 : vector<16xf32>
      %add3A_204 = arith.addf %scan3A_178, %sub3A_203 : vector<16xf32>
      %sub3A_205 = arith.subf %scan3A_193#5, %mul3A_122 : vector<16xf32>
      %add3A_206 = arith.addf %scan3A_179, %sub3A_205 : vector<16xf32>
      %sub3A_207 = arith.subf %scan3A_193#6, %mul3A_125 : vector<16xf32>
      %add3A_208 = arith.addf %scan3A_180, %sub3A_207 : vector<16xf32>
      %sub3A_209 = arith.subf %scan3A_193#7, %mul3A_128 : vector<16xf32>
      %add3A_210 = arith.addf %scan3A_181, %sub3A_209 : vector<16xf32>
      %add3A_211 = arith.constant 2 : i32
      %add3A_212 = arith.addi %mul3A_183, %add3A_211 : i32
      %lt3A = arith.constant 40 : i32
      %lt3A_213 = arith.cmpi slt, %add3A_212, %lt3A : i32
      %convert_element_type3A_214 = arith.extui %lt3A_213 : i1 to i32
      %cond3A_215 = arith.constant 0 : i32
      %cond3A_216 = arith.cmpi ne, %convert_element_type3A_214, %cond3A_215 : i32
      scf.if %cond3A_216 {
        %add3A_262 = arith.constant 2 : i32
        %add3A_263 = arith.addi %mul3A_183, %add3A_262 : i32
        %mul3A_264 = arith.constant 32000 : i32
        %mul3A_265 = arith.muli %add3A_263, %mul3A_264 : i32
        %add3A_266 = arith.addi %mul3A_2, %mul3A_265 : i32
        %dma_start3A_267 = tpu.memref_slice %arg2[%add3A_266] : memref<40960000xf32, #tpu.memory_space<hbm>> -> memref<32000xf32, #tpu.memory_space<hbm>>
        %dma_start3A_268 = tpu.memref_slice %arg2[%add3A_266] : memref<40960000xf32, #tpu.memory_space<hbm>> -> memref<32000xf32, #tpu.memory_space<hbm>>
        tpu.enqueue_dma source(%dma_start3A_268 : memref<32000xf32, #tpu.memory_space<hbm>>) target(%arg9 : memref<32000xf32, #tpu.memory_space<vmem>>) target_semaphore(%arg19 : memref<!tpu.dma_semaphore, #tpu.memory_space<semaphore_mem>>)
      } else {
      }
      %gt3A = arith.constant 0 : i32
      %gt3A_217 = arith.cmpi sgt, %scan3A_173, %gt3A : i32
      %convert_element_type3A_218 = arith.extui %gt3A_217 : i1 to i32
      %cond3A_219 = arith.constant 0 : i32
      %cond3A_220 = arith.cmpi ne, %convert_element_type3A_218, %cond3A_219 : i32
      scf.if %cond3A_220 {
        %sub3A_262 = arith.constant 1 : i32
        %sub3A_263 = arith.subi %scan3A_173, %sub3A_262 : i32
        %mul3A_264 = arith.constant 32000 : i32
        %mul3A_265 = arith.muli %sub3A_263, %mul3A_264 : i32
        %add3A_266 = arith.addi %mul3A_10, %mul3A_265 : i32
        %dma_wait3A_267 = tpu.memref_slice %arg7[%add3A_266] : memref<40960128xf32, #tpu.memory_space<hbm>> -> memref<32000xf32, #tpu.memory_space<hbm>>
        %dma_wait3A_268 = tpu.memref_slice %arg7[%add3A_266] : memref<40960128xf32, #tpu.memory_space<hbm>> -> memref<32000xf32, #tpu.memory_space<hbm>>
        tpu.wait_dma2 semaphore(%arg21 : memref<!tpu.dma_semaphore, #tpu.memory_space<semaphore_mem>>) src(%arg15 : memref<32000xf32, #tpu.memory_space<vmem>>) dst(%dma_wait3A_268 : memref<32000xf32, #tpu.memory_space<hbm>>)
      } else {
      }
      %mul3A_221 = arith.constant 32000 : i32
      %mul3A_222 = arith.muli %scan3A_173, %mul3A_221 : i32
      %add3A_223 = arith.addi %mul3A_10, %mul3A_222 : i32
      %dma_start3A_224 = tpu.memref_slice %arg7[%add3A_223] : memref<40960128xf32, #tpu.memory_space<hbm>> -> memref<32000xf32, #tpu.memory_space<hbm>>
      %dma_start3A_225 = tpu.memref_slice %arg7[%add3A_223] : memref<40960128xf32, #tpu.memory_space<hbm>> -> memref<32000xf32, #tpu.memory_space<hbm>>
      tpu.enqueue_dma source(%arg15 : memref<32000xf32, #tpu.memory_space<vmem>>) target(%dma_start3A_225 : memref<32000xf32, #tpu.memory_space<hbm>>) target_semaphore(%arg21 : memref<!tpu.dma_semaphore, #tpu.memory_space<semaphore_mem>>)
      %add3A_226 = arith.constant 1 : i32
      %add3A_227 = arith.addi %mul3A_183, %add3A_226 : i32
      %mul3A_228 = arith.constant 32000 : i32
      %mul3A_229 = arith.muli %add3A_227, %mul3A_228 : i32
      %add3A_230 = arith.addi %mul3A_2, %mul3A_229 : i32
      %dma_wait3A_231 = tpu.memref_slice %arg2[%add3A_230] : memref<40960000xf32, #tpu.memory_space<hbm>> -> memref<32000xf32, #tpu.memory_space<hbm>>
      %dma_wait3A_232 = tpu.memref_slice %arg2[%add3A_230] : memref<40960000xf32, #tpu.memory_space<hbm>> -> memref<32000xf32, #tpu.memory_space<hbm>>
      tpu.wait_dma2 semaphore(%arg20 : memref<!tpu.dma_semaphore, #tpu.memory_space<semaphore_mem>>) src(%dma_wait3A_232 : memref<32000xf32, #tpu.memory_space<hbm>>) dst(%arg10 : memref<32000xf32, #tpu.memory_space<vmem>>)
      %scan3A_233 = arith.constant 0 : i32
      %scan3A_234 = arith.constant 50 : i32
      %scan3A_235 = arith.addi %scan3A_233, %scan3A_234 : i32
      %scan3A_236 = arith.constant 1 : i32
      %scan3A_237:8 = scf.for %scan3A_262 = %scan3A_233 to %scan3A_235 step %scan3A_236 iter_args(%scan3A_263 = %broadcast_in_dim3A_18, %scan3A_264 = %broadcast_in_dim3A_18, %scan3A_265 = %broadcast_in_dim3A_18, %scan3A_266 = %broadcast_in_dim3A_18, %scan3A_267 = %broadcast_in_dim3A_18, %scan3A_268 = %broadcast_in_dim3A_18, %scan3A_269 = %broadcast_in_dim3A_18, %scan3A_270 = %broadcast_in_dim3A_18) -> (vector<16xf32>, vector<16xf32>, vector<16xf32>, vector<16xf32>, vector<16xf32>, vector<16xf32>, vector<16xf32>, vector<16xf32>)  : i32 {
        %mul3A_271 = arith.constant 5 : i32
        %mul3A_272 = arith.muli %scan3A_262, %mul3A_271 : i32
        %add3A_273 = arith.constant 0 : i32
        %add3A_274 = arith.addi %mul3A_272, %add3A_273 : i32
        %mul3A_275 = arith.constant 128 : i32
        %mul3A_276 = arith.muli %add3A_274, %mul3A_275 : i32
        %add3A_277 = arith.constant 0 : i32
        %add3A_278 = arith.addi %mul3A_276, %add3A_277 : i32
        %get3A_279 = arith.index_cast %add3A_278 : i32 to index
        %get3A_280 = tpu.vector_load %arg10[%get3A_279] {strides = array<i32>} : memref<32000xf32, #tpu.memory_space<vmem>>, vector<16xf32>,
        %get3A_281 = vector.shape_cast %get3A_280 : vector<16xf32> to vector<16xf32>
        %max3A = arith.maximumf %get3A_281, %add3A_41 : vector<16xf32>
        %add3A_282 = arith.addf %scan3A_263, %max3A : vector<16xf32>
        %add3A_283 = arith.constant 16 : i32
        %add3A_284 = arith.addi %mul3A_276, %add3A_283 : i32
        %get3A_285 = arith.index_cast %add3A_284 : i32 to index
        %get3A_286 = tpu.vector_load %arg10[%get3A_285] {strides = array<i32>} : memref<32000xf32, #tpu.memory_space<vmem>>, vector<16xf32>,
        %get3A_287 = vector.shape_cast %get3A_286 : vector<16xf32> to vector<16xf32>
        %max3A_288 = arith.maximumf %get3A_287, %add3A_50 : vector<16xf32>
        %add3A_289 = arith.addf %scan3A_264, %max3A_288 : vector<16xf32>
        %add3A_290 = arith.constant 32 : i32
        %add3A_291 = arith.addi %mul3A_276, %add3A_290 : i32
        %get3A_292 = arith.index_cast %add3A_291 : i32 to index
        %get3A_293 = tpu.vector_load %arg10[%get3A_292] {strides = array<i32>} : memref<32000xf32, #tpu.memory_space<vmem>>, vector<16xf32>,
        %get3A_294 = vector.shape_cast %get3A_293 : vector<16xf32> to vector<16xf32>
        %max3A_295 = arith.maximumf %get3A_294, %add3A_59 : vector<16xf32>
        %add3A_296 = arith.addf %scan3A_265, %max3A_295 : vector<16xf32>
        %add3A_297 = arith.constant 48 : i32
        %add3A_298 = arith.addi %mul3A_276, %add3A_297 : i32
        %get3A_299 = arith.index_cast %add3A_298 : i32 to index
        %get3A_300 = tpu.vector_load %arg10[%get3A_299] {strides = array<i32>} : memref<32000xf32, #tpu.memory_space<vmem>>, vector<16xf32>,
        %get3A_301 = vector.shape_cast %get3A_300 : vector<16xf32> to vector<16xf32>
        %max3A_302 = arith.maximumf %get3A_301, %add3A_68 : vector<16xf32>
        %add3A_303 = arith.addf %scan3A_266, %max3A_302 : vector<16xf32>
        %add3A_304 = arith.constant 64 : i32
        %add3A_305 = arith.addi %mul3A_276, %add3A_304 : i32
        %get3A_306 = arith.index_cast %add3A_305 : i32 to index
        %get3A_307 = tpu.vector_load %arg10[%get3A_306] {strides = array<i32>} : memref<32000xf32, #tpu.memory_space<vmem>>, vector<16xf32>,
        %get3A_308 = vector.shape_cast %get3A_307 : vector<16xf32> to vector<16xf32>
        %max3A_309 = arith.maximumf %get3A_308, %add3A_77 : vector<16xf32>
        %add3A_310 = arith.addf %scan3A_267, %max3A_309 : vector<16xf32>
        %add3A_311 = arith.constant 80 : i32
        %add3A_312 = arith.addi %mul3A_276, %add3A_311 : i32
        %get3A_313 = arith.index_cast %add3A_312 : i32 to index
        %get3A_314 = tpu.vector_load %arg10[%get3A_313] {strides = array<i32>} : memref<32000xf32, #tpu.memory_space<vmem>>, vector<16xf32>,
        %get3A_315 = vector.shape_cast %get3A_314 : vector<16xf32> to vector<16xf32>
        %max3A_316 = arith.maximumf %get3A_315, %add3A_86 : vector<16xf32>
        %add3A_317 = arith.addf %scan3A_268, %max3A_316 : vector<16xf32>
        %add3A_318 = arith.constant 96 : i32
        %add3A_319 = arith.addi %mul3A_276, %add3A_318 : i32
        %get3A_320 = arith.index_cast %add3A_319 : i32 to index
        %get3A_321 = tpu.vector_load %arg10[%get3A_320] {strides = array<i32>} : memref<32000xf32, #tpu.memory_space<vmem>>, vector<16xf32>,
        %get3A_322 = vector.shape_cast %get3A_321 : vector<16xf32> to vector<16xf32>
        %max3A_323 = arith.maximumf %get3A_322, %add3A_95 : vector<16xf32>
        %add3A_324 = arith.addf %scan3A_269, %max3A_323 : vector<16xf32>
        %add3A_325 = arith.constant 112 : i32
        %add3A_326 = arith.addi %mul3A_276, %add3A_325 : i32
        %get3A_327 = arith.index_cast %add3A_326 : i32 to index
        %get3A_328 = tpu.vector_load %arg10[%get3A_327] {strides = array<i32>} : memref<32000xf32, #tpu.memory_space<vmem>>, vector<16xf32>,
        %get3A_329 = vector.shape_cast %get3A_328 : vector<16xf32> to vector<16xf32>
        %max3A_330 = arith.maximumf %get3A_329, %add3A_104 : vector<16xf32>
        %add3A_331 = arith.addf %scan3A_270, %max3A_330 : vector<16xf32>
        %mul3A_332 = arith.constant 5 : i32
        %mul3A_333 = arith.muli %scan3A_262, %mul3A_332 : i32
        %add3A_334 = arith.constant 1 : i32
        %add3A_335 = arith.addi %mul3A_333, %add3A_334 : i32
        %mul3A_336 = arith.constant 128 : i32
        %mul3A_337 = arith.muli %add3A_335, %mul3A_336 : i32
        %add3A_338 = arith.constant 0 : i32
        %add3A_339 = arith.addi %mul3A_337, %add3A_338 : i32
        %get3A_340 = arith.index_cast %add3A_339 : i32 to index
        %get3A_341 = tpu.vector_load %arg10[%get3A_340] {strides = array<i32>} : memref<32000xf32, #tpu.memory_space<vmem>>, vector<16xf32>,
        %get3A_342 = vector.shape_cast %get3A_341 : vector<16xf32> to vector<16xf32>
        %max3A_343 = arith.maximumf %get3A_342, %add3A_41 : vector<16xf32>
        %add3A_344 = arith.addf %add3A_282, %max3A_343 : vector<16xf32>
        %add3A_345 = arith.constant 16 : i32
        %add3A_346 = arith.addi %mul3A_337, %add3A_345 : i32
        %get3A_347 = arith.index_cast %add3A_346 : i32 to index
        %get3A_348 = tpu.vector_load %arg10[%get3A_347] {strides = array<i32>} : memref<32000xf32, #tpu.memory_space<vmem>>, vector<16xf32>,
        %get3A_349 = vector.shape_cast %get3A_348 : vector<16xf32> to vector<16xf32>
        %max3A_350 = arith.maximumf %get3A_349, %add3A_50 : vector<16xf32>
        %add3A_351 = arith.addf %add3A_289, %max3A_350 : vector<16xf32>
        %add3A_352 = arith.constant 32 : i32
        %add3A_353 = arith.addi %mul3A_337, %add3A_352 : i32
        %get3A_354 = arith.index_cast %add3A_353 : i32 to index
        %get3A_355 = tpu.vector_load %arg10[%get3A_354] {strides = array<i32>} : memref<32000xf32, #tpu.memory_space<vmem>>, vector<16xf32>,
        %get3A_356 = vector.shape_cast %get3A_355 : vector<16xf32> to vector<16xf32>
        %max3A_357 = arith.maximumf %get3A_356, %add3A_59 : vector<16xf32>
        %add3A_358 = arith.addf %add3A_296, %max3A_357 : vector<16xf32>
        %add3A_359 = arith.constant 48 : i32
        %add3A_360 = arith.addi %mul3A_337, %add3A_359 : i32
        %get3A_361 = arith.index_cast %add3A_360 : i32 to index
        %get3A_362 = tpu.vector_load %arg10[%get3A_361] {strides = array<i32>} : memref<32000xf32, #tpu.memory_space<vmem>>, vector<16xf32>,
        %get3A_363 = vector.shape_cast %get3A_362 : vector<16xf32> to vector<16xf32>
        %max3A_364 = arith.maximumf %get3A_363, %add3A_68 : vector<16xf32>
        %add3A_365 = arith.addf %add3A_303, %max3A_364 : vector<16xf32>
        %add3A_366 = arith.constant 64 : i32
        %add3A_367 = arith.addi %mul3A_337, %add3A_366 : i32
        %get3A_368 = arith.index_cast %add3A_367 : i32 to index
        %get3A_369 = tpu.vector_load %arg10[%get3A_368] {strides = array<i32>} : memref<32000xf32, #tpu.memory_space<vmem>>, vector<16xf32>,
        %get3A_370 = vector.shape_cast %get3A_369 : vector<16xf32> to vector<16xf32>
        %max3A_371 = arith.maximumf %get3A_370, %add3A_77 : vector<16xf32>
        %add3A_372 = arith.addf %add3A_310, %max3A_371 : vector<16xf32>
        %add3A_373 = arith.constant 80 : i32
        %add3A_374 = arith.addi %mul3A_337, %add3A_373 : i32
        %get3A_375 = arith.index_cast %add3A_374 : i32 to index
        %get3A_376 = tpu.vector_load %arg10[%get3A_375] {strides = array<i32>} : memref<32000xf32, #tpu.memory_space<vmem>>, vector<16xf32>,
        %get3A_377 = vector.shape_cast %get3A_376 : vector<16xf32> to vector<16xf32>
        %max3A_378 = arith.maximumf %get3A_377, %add3A_86 : vector<16xf32>
        %add3A_379 = arith.addf %add3A_317, %max3A_378 : vector<16xf32>
        %add3A_380 = arith.constant 96 : i32
        %add3A_381 = arith.addi %mul3A_337, %add3A_380 : i32
        %get3A_382 = arith.index_cast %add3A_381 : i32 to index
        %get3A_383 = tpu.vector_load %arg10[%get3A_382] {strides = array<i32>} : memref<32000xf32, #tpu.memory_space<vmem>>, vector<16xf32>,
        %get3A_384 = vector.shape_cast %get3A_383 : vector<16xf32> to vector<16xf32>
        %max3A_385 = arith.maximumf %get3A_384, %add3A_95 : vector<16xf32>
        %add3A_386 = arith.addf %add3A_324, %max3A_385 : vector<16xf32>
        %add3A_387 = arith.constant 112 : i32
        %add3A_388 = arith.addi %mul3A_337, %add3A_387 : i32
        %get3A_389 = arith.index_cast %add3A_388 : i32 to index
        %get3A_390 = tpu.vector_load %arg10[%get3A_389] {strides = array<i32>} : memref<32000xf32, #tpu.memory_space<vmem>>, vector<16xf32>,
        %get3A_391 = vector.shape_cast %get3A_390 : vector<16xf32> to vector<16xf32>
        %max3A_392 = arith.maximumf %get3A_391, %add3A_104 : vector<16xf32>
        %add3A_393 = arith.addf %add3A_331, %max3A_392 : vector<16xf32>
        %mul3A_394 = arith.constant 5 : i32
        %mul3A_395 = arith.muli %scan3A_262, %mul3A_394 : i32
        %add3A_396 = arith.constant 2 : i32
        %add3A_397 = arith.addi %mul3A_395, %add3A_396 : i32
        %mul3A_398 = arith.constant 128 : i32
        %mul3A_399 = arith.muli %add3A_397, %mul3A_398 : i32
        %add3A_400 = arith.constant 0 : i32
        %add3A_401 = arith.addi %mul3A_399, %add3A_400 : i32
        %get3A_402 = arith.index_cast %add3A_401 : i32 to index
        %get3A_403 = tpu.vector_load %arg10[%get3A_402] {strides = array<i32>} : memref<32000xf32, #tpu.memory_space<vmem>>, vector<16xf32>,
        %get3A_404 = vector.shape_cast %get3A_403 : vector<16xf32> to vector<16xf32>
        %max3A_405 = arith.maximumf %get3A_404, %add3A_41 : vector<16xf32>
        %add3A_406 = arith.addf %add3A_344, %max3A_405 : vector<16xf32>
        %add3A_407 = arith.constant 16 : i32
        %add3A_408 = arith.addi %mul3A_399, %add3A_407 : i32
        %get3A_409 = arith.index_cast %add3A_408 : i32 to index
        %get3A_410 = tpu.vector_load %arg10[%get3A_409] {strides = array<i32>} : memref<32000xf32, #tpu.memory_space<vmem>>, vector<16xf32>,
        %get3A_411 = vector.shape_cast %get3A_410 : vector<16xf32> to vector<16xf32>
        %max3A_412 = arith.maximumf %get3A_411, %add3A_50 : vector<16xf32>
        %add3A_413 = arith.addf %add3A_351, %max3A_412 : vector<16xf32>
        %add3A_414 = arith.constant 32 : i32
        %add3A_415 = arith.addi %mul3A_399, %add3A_414 : i32
        %get3A_416 = arith.index_cast %add3A_415 : i32 to index
        %get3A_417 = tpu.vector_load %arg10[%get3A_416] {strides = array<i32>} : memref<32000xf32, #tpu.memory_space<vmem>>, vector<16xf32>,
        %get3A_418 = vector.shape_cast %get3A_417 : vector<16xf32> to vector<16xf32>
        %max3A_419 = arith.maximumf %get3A_418, %add3A_59 : vector<16xf32>
        %add3A_420 = arith.addf %add3A_358, %max3A_419 : vector<16xf32>
        %add3A_421 = arith.constant 48 : i32
        %add3A_422 = arith.addi %mul3A_399, %add3A_421 : i32
        %get3A_423 = arith.index_cast %add3A_422 : i32 to index
        %get3A_424 = tpu.vector_load %arg10[%get3A_423] {strides = array<i32>} : memref<32000xf32, #tpu.memory_space<vmem>>, vector<16xf32>,
        %get3A_425 = vector.shape_cast %get3A_424 : vector<16xf32> to vector<16xf32>
        %max3A_426 = arith.maximumf %get3A_425, %add3A_68 : vector<16xf32>
        %add3A_427 = arith.addf %add3A_365, %max3A_426 : vector<16xf32>
        %add3A_428 = arith.constant 64 : i32
        %add3A_429 = arith.addi %mul3A_399, %add3A_428 : i32
        %get3A_430 = arith.index_cast %add3A_429 : i32 to index
        %get3A_431 = tpu.vector_load %arg10[%get3A_430] {strides = array<i32>} : memref<32000xf32, #tpu.memory_space<vmem>>, vector<16xf32>,
        %get3A_432 = vector.shape_cast %get3A_431 : vector<16xf32> to vector<16xf32>
        %max3A_433 = arith.maximumf %get3A_432, %add3A_77 : vector<16xf32>
        %add3A_434 = arith.addf %add3A_372, %max3A_433 : vector<16xf32>
        %add3A_435 = arith.constant 80 : i32
        %add3A_436 = arith.addi %mul3A_399, %add3A_435 : i32
        %get3A_437 = arith.index_cast %add3A_436 : i32 to index
        %get3A_438 = tpu.vector_load %arg10[%get3A_437] {strides = array<i32>} : memref<32000xf32, #tpu.memory_space<vmem>>, vector<16xf32>,
        %get3A_439 = vector.shape_cast %get3A_438 : vector<16xf32> to vector<16xf32>
        %max3A_440 = arith.maximumf %get3A_439, %add3A_86 : vector<16xf32>
        %add3A_441 = arith.addf %add3A_379, %max3A_440 : vector<16xf32>
        %add3A_442 = arith.constant 96 : i32
        %add3A_443 = arith.addi %mul3A_399, %add3A_442 : i32
        %get3A_444 = arith.index_cast %add3A_443 : i32 to index
        %get3A_445 = tpu.vector_load %arg10[%get3A_444] {strides = array<i32>} : memref<32000xf32, #tpu.memory_space<vmem>>, vector<16xf32>,
        %get3A_446 = vector.shape_cast %get3A_445 : vector<16xf32> to vector<16xf32>
        %max3A_447 = arith.maximumf %get3A_446, %add3A_95 : vector<16xf32>
        %add3A_448 = arith.addf %add3A_386, %max3A_447 : vector<16xf32>
        %add3A_449 = arith.constant 112 : i32
        %add3A_450 = arith.addi %mul3A_399, %add3A_449 : i32
        %get3A_451 = arith.index_cast %add3A_450 : i32 to index
        %get3A_452 = tpu.vector_load %arg10[%get3A_451] {strides = array<i32>} : memref<32000xf32, #tpu.memory_space<vmem>>, vector<16xf32>,
        %get3A_453 = vector.shape_cast %get3A_452 : vector<16xf32> to vector<16xf32>
        %max3A_454 = arith.maximumf %get3A_453, %add3A_104 : vector<16xf32>
        %add3A_455 = arith.addf %add3A_393, %max3A_454 : vector<16xf32>
        %mul3A_456 = arith.constant 5 : i32
        %mul3A_457 = arith.muli %scan3A_262, %mul3A_456 : i32
        %add3A_458 = arith.constant 3 : i32
        %add3A_459 = arith.addi %mul3A_457, %add3A_458 : i32
        %mul3A_460 = arith.constant 128 : i32
        %mul3A_461 = arith.muli %add3A_459, %mul3A_460 : i32
        %add3A_462 = arith.constant 0 : i32
        %add3A_463 = arith.addi %mul3A_461, %add3A_462 : i32
        %get3A_464 = arith.index_cast %add3A_463 : i32 to index
        %get3A_465 = tpu.vector_load %arg10[%get3A_464] {strides = array<i32>} : memref<32000xf32, #tpu.memory_space<vmem>>, vector<16xf32>,
        %get3A_466 = vector.shape_cast %get3A_465 : vector<16xf32> to vector<16xf32>
        %max3A_467 = arith.maximumf %get3A_466, %add3A_41 : vector<16xf32>
        %add3A_468 = arith.addf %add3A_406, %max3A_467 : vector<16xf32>
        %add3A_469 = arith.constant 16 : i32
        %add3A_470 = arith.addi %mul3A_461, %add3A_469 : i32
        %get3A_471 = arith.index_cast %add3A_470 : i32 to index
        %get3A_472 = tpu.vector_load %arg10[%get3A_471] {strides = array<i32>} : memref<32000xf32, #tpu.memory_space<vmem>>, vector<16xf32>,
        %get3A_473 = vector.shape_cast %get3A_472 : vector<16xf32> to vector<16xf32>
        %max3A_474 = arith.maximumf %get3A_473, %add3A_50 : vector<16xf32>
        %add3A_475 = arith.addf %add3A_413, %max3A_474 : vector<16xf32>
        %add3A_476 = arith.constant 32 : i32
        %add3A_477 = arith.addi %mul3A_461, %add3A_476 : i32
        %get3A_478 = arith.index_cast %add3A_477 : i32 to index
        %get3A_479 = tpu.vector_load %arg10[%get3A_478] {strides = array<i32>} : memref<32000xf32, #tpu.memory_space<vmem>>, vector<16xf32>,
        %get3A_480 = vector.shape_cast %get3A_479 : vector<16xf32> to vector<16xf32>
        %max3A_481 = arith.maximumf %get3A_480, %add3A_59 : vector<16xf32>
        %add3A_482 = arith.addf %add3A_420, %max3A_481 : vector<16xf32>
        %add3A_483 = arith.constant 48 : i32
        %add3A_484 = arith.addi %mul3A_461, %add3A_483 : i32
        %get3A_485 = arith.index_cast %add3A_484 : i32 to index
        %get3A_486 = tpu.vector_load %arg10[%get3A_485] {strides = array<i32>} : memref<32000xf32, #tpu.memory_space<vmem>>, vector<16xf32>,
        %get3A_487 = vector.shape_cast %get3A_486 : vector<16xf32> to vector<16xf32>
        %max3A_488 = arith.maximumf %get3A_487, %add3A_68 : vector<16xf32>
        %add3A_489 = arith.addf %add3A_427, %max3A_488 : vector<16xf32>
        %add3A_490 = arith.constant 64 : i32
        %add3A_491 = arith.addi %mul3A_461, %add3A_490 : i32
        %get3A_492 = arith.index_cast %add3A_491 : i32 to index
        %get3A_493 = tpu.vector_load %arg10[%get3A_492] {strides = array<i32>} : memref<32000xf32, #tpu.memory_space<vmem>>, vector<16xf32>,
        %get3A_494 = vector.shape_cast %get3A_493 : vector<16xf32> to vector<16xf32>
        %max3A_495 = arith.maximumf %get3A_494, %add3A_77 : vector<16xf32>
        %add3A_496 = arith.addf %add3A_434, %max3A_495 : vector<16xf32>
        %add3A_497 = arith.constant 80 : i32
        %add3A_498 = arith.addi %mul3A_461, %add3A_497 : i32
        %get3A_499 = arith.index_cast %add3A_498 : i32 to index
        %get3A_500 = tpu.vector_load %arg10[%get3A_499] {strides = array<i32>} : memref<32000xf32, #tpu.memory_space<vmem>>, vector<16xf32>,
        %get3A_501 = vector.shape_cast %get3A_500 : vector<16xf32> to vector<16xf32>
        %max3A_502 = arith.maximumf %get3A_501, %add3A_86 : vector<16xf32>
        %add3A_503 = arith.addf %add3A_441, %max3A_502 : vector<16xf32>
        %add3A_504 = arith.constant 96 : i32
        %add3A_505 = arith.addi %mul3A_461, %add3A_504 : i32
        %get3A_506 = arith.index_cast %add3A_505 : i32 to index
        %get3A_507 = tpu.vector_load %arg10[%get3A_506] {strides = array<i32>} : memref<32000xf32, #tpu.memory_space<vmem>>, vector<16xf32>,
        %get3A_508 = vector.shape_cast %get3A_507 : vector<16xf32> to vector<16xf32>
        %max3A_509 = arith.maximumf %get3A_508, %add3A_95 : vector<16xf32>
        %add3A_510 = arith.addf %add3A_448, %max3A_509 : vector<16xf32>
        %add3A_511 = arith.constant 112 : i32
        %add3A_512 = arith.addi %mul3A_461, %add3A_511 : i32
        %get3A_513 = arith.index_cast %add3A_512 : i32 to index
        %get3A_514 = tpu.vector_load %arg10[%get3A_513] {strides = array<i32>} : memref<32000xf32, #tpu.memory_space<vmem>>, vector<16xf32>,
        %get3A_515 = vector.shape_cast %get3A_514 : vector<16xf32> to vector<16xf32>
        %max3A_516 = arith.maximumf %get3A_515, %add3A_104 : vector<16xf32>
        %add3A_517 = arith.addf %add3A_455, %max3A_516 : vector<16xf32>
        %mul3A_518 = arith.constant 5 : i32
        %mul3A_519 = arith.muli %scan3A_262, %mul3A_518 : i32
        %add3A_520 = arith.constant 4 : i32
        %add3A_521 = arith.addi %mul3A_519, %add3A_520 : i32
        %mul3A_522 = arith.constant 128 : i32
        %mul3A_523 = arith.muli %add3A_521, %mul3A_522 : i32
        %add3A_524 = arith.constant 0 : i32
        %add3A_525 = arith.addi %mul3A_523, %add3A_524 : i32
        %get3A_526 = arith.index_cast %add3A_525 : i32 to index
        %get3A_527 = tpu.vector_load %arg10[%get3A_526] {strides = array<i32>} : memref<32000xf32, #tpu.memory_space<vmem>>, vector<16xf32>,
        %get3A_528 = vector.shape_cast %get3A_527 : vector<16xf32> to vector<16xf32>
        %max3A_529 = arith.maximumf %get3A_528, %add3A_41 : vector<16xf32>
        %add3A_530 = arith.addf %add3A_468, %max3A_529 : vector<16xf32>
        %add3A_531 = arith.constant 16 : i32
        %add3A_532 = arith.addi %mul3A_523, %add3A_531 : i32
        %get3A_533 = arith.index_cast %add3A_532 : i32 to index
        %get3A_534 = tpu.vector_load %arg10[%get3A_533] {strides = array<i32>} : memref<32000xf32, #tpu.memory_space<vmem>>, vector<16xf32>,
        %get3A_535 = vector.shape_cast %get3A_534 : vector<16xf32> to vector<16xf32>
        %max3A_536 = arith.maximumf %get3A_535, %add3A_50 : vector<16xf32>
        %add3A_537 = arith.addf %add3A_475, %max3A_536 : vector<16xf32>
        %add3A_538 = arith.constant 32 : i32
        %add3A_539 = arith.addi %mul3A_523, %add3A_538 : i32
        %get3A_540 = arith.index_cast %add3A_539 : i32 to index
        %get3A_541 = tpu.vector_load %arg10[%get3A_540] {strides = array<i32>} : memref<32000xf32, #tpu.memory_space<vmem>>, vector<16xf32>,
        %get3A_542 = vector.shape_cast %get3A_541 : vector<16xf32> to vector<16xf32>
        %max3A_543 = arith.maximumf %get3A_542, %add3A_59 : vector<16xf32>
        %add3A_544 = arith.addf %add3A_482, %max3A_543 : vector<16xf32>
        %add3A_545 = arith.constant 48 : i32
        %add3A_546 = arith.addi %mul3A_523, %add3A_545 : i32
        %get3A_547 = arith.index_cast %add3A_546 : i32 to index
        %get3A_548 = tpu.vector_load %arg10[%get3A_547] {strides = array<i32>} : memref<32000xf32, #tpu.memory_space<vmem>>, vector<16xf32>,
        %get3A_549 = vector.shape_cast %get3A_548 : vector<16xf32> to vector<16xf32>
        %max3A_550 = arith.maximumf %get3A_549, %add3A_68 : vector<16xf32>
        %add3A_551 = arith.addf %add3A_489, %max3A_550 : vector<16xf32>
        %add3A_552 = arith.constant 64 : i32
        %add3A_553 = arith.addi %mul3A_523, %add3A_552 : i32
        %get3A_554 = arith.index_cast %add3A_553 : i32 to index
        %get3A_555 = tpu.vector_load %arg10[%get3A_554] {strides = array<i32>} : memref<32000xf32, #tpu.memory_space<vmem>>, vector<16xf32>,
        %get3A_556 = vector.shape_cast %get3A_555 : vector<16xf32> to vector<16xf32>
        %max3A_557 = arith.maximumf %get3A_556, %add3A_77 : vector<16xf32>
        %add3A_558 = arith.addf %add3A_496, %max3A_557 : vector<16xf32>
        %add3A_559 = arith.constant 80 : i32
        %add3A_560 = arith.addi %mul3A_523, %add3A_559 : i32
        %get3A_561 = arith.index_cast %add3A_560 : i32 to index
        %get3A_562 = tpu.vector_load %arg10[%get3A_561] {strides = array<i32>} : memref<32000xf32, #tpu.memory_space<vmem>>, vector<16xf32>,
        %get3A_563 = vector.shape_cast %get3A_562 : vector<16xf32> to vector<16xf32>
        %max3A_564 = arith.maximumf %get3A_563, %add3A_86 : vector<16xf32>
        %add3A_565 = arith.addf %add3A_503, %max3A_564 : vector<16xf32>
        %add3A_566 = arith.constant 96 : i32
        %add3A_567 = arith.addi %mul3A_523, %add3A_566 : i32
        %get3A_568 = arith.index_cast %add3A_567 : i32 to index
        %get3A_569 = tpu.vector_load %arg10[%get3A_568] {strides = array<i32>} : memref<32000xf32, #tpu.memory_space<vmem>>, vector<16xf32>,
        %get3A_570 = vector.shape_cast %get3A_569 : vector<16xf32> to vector<16xf32>
        %max3A_571 = arith.maximumf %get3A_570, %add3A_95 : vector<16xf32>
        %add3A_572 = arith.addf %add3A_510, %max3A_571 : vector<16xf32>
        %add3A_573 = arith.constant 112 : i32
        %add3A_574 = arith.addi %mul3A_523, %add3A_573 : i32
        %get3A_575 = arith.index_cast %add3A_574 : i32 to index
        %get3A_576 = tpu.vector_load %arg10[%get3A_575] {strides = array<i32>} : memref<32000xf32, #tpu.memory_space<vmem>>, vector<16xf32>,
        %get3A_577 = vector.shape_cast %get3A_576 : vector<16xf32> to vector<16xf32>
        %max3A_578 = arith.maximumf %get3A_577, %add3A_104 : vector<16xf32>
        %add3A_579 = arith.addf %add3A_517, %max3A_578 : vector<16xf32>
        scf.yield %add3A_530, %add3A_537, %add3A_544, %add3A_551, %add3A_558, %add3A_565, %add3A_572, %add3A_579 : vector<16xf32>, vector<16xf32>, vector<16xf32>, vector<16xf32>, vector<16xf32>, vector<16xf32>, vector<16xf32>, vector<16xf32>
      }
      %scan3A_238 = arith.constant 50 : i32
      %sub3A_239 = arith.subf %scan3A_237#0, %mul3A_107 : vector<16xf32>
      %add3A_240 = arith.addf %add3A_196, %sub3A_239 : vector<16xf32>
      %sub3A_241 = arith.subf %scan3A_237#1, %mul3A_110 : vector<16xf32>
      %add3A_242 = arith.addf %add3A_198, %sub3A_241 : vector<16xf32>
      %sub3A_243 = arith.subf %scan3A_237#2, %mul3A_113 : vector<16xf32>
      %add3A_244 = arith.addf %add3A_200, %sub3A_243 : vector<16xf32>
      %sub3A_245 = arith.subf %scan3A_237#3, %mul3A_116 : vector<16xf32>
      %add3A_246 = arith.addf %add3A_202, %sub3A_245 : vector<16xf32>
      %sub3A_247 = arith.subf %scan3A_237#4, %mul3A_119 : vector<16xf32>
      %add3A_248 = arith.addf %add3A_204, %sub3A_247 : vector<16xf32>
      %sub3A_249 = arith.subf %scan3A_237#5, %mul3A_122 : vector<16xf32>
      %add3A_250 = arith.addf %add3A_206, %sub3A_249 : vector<16xf32>
      %sub3A_251 = arith.subf %scan3A_237#6, %mul3A_125 : vector<16xf32>
      %add3A_252 = arith.addf %add3A_208, %sub3A_251 : vector<16xf32>
      %sub3A_253 = arith.subf %scan3A_237#7, %mul3A_128 : vector<16xf32>
      %add3A_254 = arith.addf %add3A_210, %sub3A_253 : vector<16xf32>
      %add3A_255 = arith.constant 3 : i32
      %add3A_256 = arith.addi %mul3A_183, %add3A_255 : i32
      %lt3A_257 = arith.constant 40 : i32
      %lt3A_258 = arith.cmpi slt, %add3A_256, %lt3A_257 : i32
      %convert_element_type3A_259 = arith.extui %lt3A_258 : i1 to i32
      %cond3A_260 = arith.constant 0 : i32
      %cond3A_261 = arith.cmpi ne, %convert_element_type3A_259, %cond3A_260 : i32
      scf.if %cond3A_261 {
        %add3A_262 = arith.constant 3 : i32
        %add3A_263 = arith.addi %mul3A_183, %add3A_262 : i32
        %mul3A_264 = arith.constant 32000 : i32
        %mul3A_265 = arith.muli %add3A_263, %mul3A_264 : i32
        %add3A_266 = arith.addi %mul3A_2, %mul3A_265 : i32
        %dma_start3A_267 = tpu.memref_slice %arg2[%add3A_266] : memref<40960000xf32, #tpu.memory_space<hbm>> -> memref<32000xf32, #tpu.memory_space<hbm>>
        %dma_start3A_268 = tpu.memref_slice %arg2[%add3A_266] : memref<40960000xf32, #tpu.memory_space<hbm>> -> memref<32000xf32, #tpu.memory_space<hbm>>
        tpu.enqueue_dma source(%dma_start3A_268 : memref<32000xf32, #tpu.memory_space<hbm>>) target(%arg10 : memref<32000xf32, #tpu.memory_space<vmem>>) target_semaphore(%arg20 : memref<!tpu.dma_semaphore, #tpu.memory_space<semaphore_mem>>)
      } else {
      }
      scf.yield %add3A_240, %add3A_242, %add3A_244, %add3A_246, %add3A_248, %add3A_250, %add3A_252, %add3A_254 : vector<16xf32>, vector<16xf32>, vector<16xf32>, vector<16xf32>, vector<16xf32>, vector<16xf32>, vector<16xf32>, vector<16xf32>
    }
    %scan3A_134 = arith.constant 20 : i32
    %add3A_135 = arith.constant 608000 : i32
    %add3A_136 = arith.addi %mul3A_10, %add3A_135 : i32
    %dma_wait3A = tpu.memref_slice %arg7[%add3A_136] : memref<40960128xf32, #tpu.memory_space<hbm>> -> memref<32000xf32, #tpu.memory_space<hbm>>
    %dma_wait3A_137 = tpu.memref_slice %arg7[%add3A_136] : memref<40960128xf32, #tpu.memory_space<hbm>> -> memref<32000xf32, #tpu.memory_space<hbm>>
    tpu.wait_dma2 semaphore(%arg21 : memref<!tpu.dma_semaphore, #tpu.memory_space<semaphore_mem>>) src(%arg15 : memref<32000xf32, #tpu.memory_space<vmem>>) dst(%dma_wait3A_137 : memref<32000xf32, #tpu.memory_space<hbm>>)
    %swap3A = arith.constant 0 : index
    %swap3A_138 = tpu.vector_load %arg14[%swap3A] {strides = array<i32>} : memref<128xf32, #tpu.memory_space<vmem>>, vector<16xf32>,
    %swap3A_139 = vector.shape_cast %swap3A_138 : vector<16xf32> to vector<16xf32>
    %swap3A_140 = vector.shape_cast %scan3A_133#0 : vector<16xf32> to vector<16xf32>
    tpu.vector_store %arg14[%swap3A], %swap3A_140 {strides = array<i32>} : memref<128xf32, #tpu.memory_space<vmem>>, vector<16xf32>,
    %swap3A_141 = arith.constant 16 : index
    %swap3A_142 = tpu.vector_load %arg14[%swap3A_141] {strides = array<i32>} : memref<128xf32, #tpu.memory_space<vmem>>, vector<16xf32>,
    %swap3A_143 = vector.shape_cast %swap3A_142 : vector<16xf32> to vector<16xf32>
    %swap3A_144 = vector.shape_cast %scan3A_133#1 : vector<16xf32> to vector<16xf32>
    tpu.vector_store %arg14[%swap3A_141], %swap3A_144 {strides = array<i32>} : memref<128xf32, #tpu.memory_space<vmem>>, vector<16xf32>,
    %swap3A_145 = arith.constant 32 : index
    %swap3A_146 = tpu.vector_load %arg14[%swap3A_145] {strides = array<i32>} : memref<128xf32, #tpu.memory_space<vmem>>, vector<16xf32>,
    %swap3A_147 = vector.shape_cast %swap3A_146 : vector<16xf32> to vector<16xf32>
    %swap3A_148 = vector.shape_cast %scan3A_133#2 : vector<16xf32> to vector<16xf32>
    tpu.vector_store %arg14[%swap3A_145], %swap3A_148 {strides = array<i32>} : memref<128xf32, #tpu.memory_space<vmem>>, vector<16xf32>,
    %swap3A_149 = arith.constant 48 : index
    %swap3A_150 = tpu.vector_load %arg14[%swap3A_149] {strides = array<i32>} : memref<128xf32, #tpu.memory_space<vmem>>, vector<16xf32>,
    %swap3A_151 = vector.shape_cast %swap3A_150 : vector<16xf32> to vector<16xf32>
    %swap3A_152 = vector.shape_cast %scan3A_133#3 : vector<16xf32> to vector<16xf32>
    tpu.vector_store %arg14[%swap3A_149], %swap3A_152 {strides = array<i32>} : memref<128xf32, #tpu.memory_space<vmem>>, vector<16xf32>,
    %swap3A_153 = arith.constant 64 : index
    %swap3A_154 = tpu.vector_load %arg14[%swap3A_153] {strides = array<i32>} : memref<128xf32, #tpu.memory_space<vmem>>, vector<16xf32>,
    %swap3A_155 = vector.shape_cast %swap3A_154 : vector<16xf32> to vector<16xf32>
    %swap3A_156 = vector.shape_cast %scan3A_133#4 : vector<16xf32> to vector<16xf32>
    tpu.vector_store %arg14[%swap3A_153], %swap3A_156 {strides = array<i32>} : memref<128xf32, #tpu.memory_space<vmem>>, vector<16xf32>,
    %swap3A_157 = arith.constant 80 : index
    %swap3A_158 = tpu.vector_load %arg14[%swap3A_157] {strides = array<i32>} : memref<128xf32, #tpu.memory_space<vmem>>, vector<16xf32>,
    %swap3A_159 = vector.shape_cast %swap3A_158 : vector<16xf32> to vector<16xf32>
    %swap3A_160 = vector.shape_cast %scan3A_133#5 : vector<16xf32> to vector<16xf32>
    tpu.vector_store %arg14[%swap3A_157], %swap3A_160 {strides = array<i32>} : memref<128xf32, #tpu.memory_space<vmem>>, vector<16xf32>,
    %swap3A_161 = arith.constant 96 : index
    %swap3A_162 = tpu.vector_load %arg14[%swap3A_161] {strides = array<i32>} : memref<128xf32, #tpu.memory_space<vmem>>, vector<16xf32>,
    %swap3A_163 = vector.shape_cast %swap3A_162 : vector<16xf32> to vector<16xf32>
    %swap3A_164 = vector.shape_cast %scan3A_133#6 : vector<16xf32> to vector<16xf32>
    tpu.vector_store %arg14[%swap3A_161], %swap3A_164 {strides = array<i32>} : memref<128xf32, #tpu.memory_space<vmem>>, vector<16xf32>,
    %swap3A_165 = arith.constant 112 : index
    %swap3A_166 = tpu.vector_load %arg14[%swap3A_165] {strides = array<i32>} : memref<128xf32, #tpu.memory_space<vmem>>, vector<16xf32>,
    %swap3A_167 = vector.shape_cast %swap3A_166 : vector<16xf32> to vector<16xf32>
    %swap3A_168 = vector.shape_cast %scan3A_133#7 : vector<16xf32> to vector<16xf32>
    tpu.vector_store %arg14[%swap3A_165], %swap3A_168 {strides = array<i32>} : memref<128xf32, #tpu.memory_space<vmem>>, vector<16xf32>,
    %mul3A_169 = arith.constant 128 : i32
    %mul3A_170 = arith.muli %arg1, %mul3A_169 : i32
    "tpu.region"() ({
      %run_scoped3A = tpu.sem_alloc : memref<!tpu.dma_semaphore, #tpu.memory_space<semaphore_mem>>
      %dma_start3A_173 = tpu.memref_slice %arg18[%mul3A_170] : memref<2048xf32, #tpu.memory_space<vmem_shared>> -> memref<128xf32, #tpu.memory_space<vmem_shared>>
      %dma_start3A_174 = tpu.memref_slice %arg18[%mul3A_170] : memref<2048xf32, #tpu.memory_space<vmem_shared>> -> memref<128xf32, #tpu.memory_space<vmem_shared>>
      tpu.enqueue_dma source(%arg14 : memref<128xf32, #tpu.memory_space<vmem>>) target(%dma_start3A_174 : memref<128xf32, #tpu.memory_space<vmem_shared>>) target_semaphore(%run_scoped3A : memref<!tpu.dma_semaphore, #tpu.memory_space<semaphore_mem>>)
      %dma_wait3A_175 = tpu.memref_slice %arg18[%mul3A_170] : memref<2048xf32, #tpu.memory_space<vmem_shared>> -> memref<128xf32, #tpu.memory_space<vmem_shared>>
      %dma_wait3A_176 = tpu.memref_slice %arg18[%mul3A_170] : memref<2048xf32, #tpu.memory_space<vmem_shared>> -> memref<128xf32, #tpu.memory_space<vmem_shared>>
      tpu.wait_dma2 semaphore(%run_scoped3A : memref<!tpu.dma_semaphore, #tpu.memory_space<semaphore_mem>>) src(%arg14 : memref<128xf32, #tpu.memory_space<vmem>>) dst(%dma_wait3A_176 : memref<128xf32, #tpu.memory_space<vmem_shared>>)
      tpu.yield
    }) : () -> ()
    %barrier3A = arith.constant 0 : index
    tpu.barrier barrier_id(%barrier3A)
    %eq3A = arith.constant 0 : i32
    %eq3A_171 = arith.cmpi eq, %arg1, %eq3A : i32
    %convert_element_type3A = arith.extui %eq3A_171 : i1 to i32
    %cond3A = arith.constant 0 : i32
    %cond3A_172 = arith.cmpi ne, %convert_element_type3A, %cond3A : i32
    scf.if %cond3A_172 {
      "tpu.region"() ({
        %run_scoped3A = tpu.sem_alloc : memref<!tpu.dma_semaphore, #tpu.memory_space<semaphore_mem>>
        tpu.enqueue_dma source(%arg18 : memref<2048xf32, #tpu.memory_space<vmem_shared>>) target(%arg16 : memref<2048xf32, #tpu.memory_space<vmem>>) target_semaphore(%run_scoped3A : memref<!tpu.dma_semaphore, #tpu.memory_space<semaphore_mem>>)
        tpu.wait_dma2 semaphore(%run_scoped3A : memref<!tpu.dma_semaphore, #tpu.memory_space<semaphore_mem>>) src(%arg18 : memref<2048xf32, #tpu.memory_space<vmem_shared>>) dst(%arg16 : memref<2048xf32, #tpu.memory_space<vmem>>)
        tpu.yield
      }) : () -> ()
      "tpu.region"() ({
        %run_scoped3A = tpu.sem_alloc : memref<!tpu.dma_semaphore, #tpu.memory_space<semaphore_mem>>
        tpu.enqueue_dma source(%arg6 : memref<512xf32, #tpu.memory_space<hbm>>) target(%arg17 : memref<512xf32, #tpu.memory_space<vmem>>) target_semaphore(%run_scoped3A : memref<!tpu.dma_semaphore, #tpu.memory_space<semaphore_mem>>)
        tpu.wait_dma2 semaphore(%run_scoped3A : memref<!tpu.dma_semaphore, #tpu.memory_space<semaphore_mem>>) src(%arg6 : memref<512xf32, #tpu.memory_space<hbm>>) dst(%arg17 : memref<512xf32, #tpu.memory_space<vmem>>)
        tpu.yield
      }) : () -> ()
      %scan3A_173 = arith.constant 0 : i32
      %scan3A_174 = arith.constant 16 : i32
      %scan3A_175 = arith.addi %scan3A_173, %scan3A_174 : i32
      %scan3A_176 = arith.constant 1 : i32
      %scan3A_177:8 = scf.for %scan3A_401 = %scan3A_173 to %scan3A_175 step %scan3A_176 iter_args(%scan3A_402 = %broadcast_in_dim3A_18, %scan3A_403 = %broadcast_in_dim3A_18, %scan3A_404 = %broadcast_in_dim3A_18, %scan3A_405 = %broadcast_in_dim3A_18, %scan3A_406 = %broadcast_in_dim3A_18, %scan3A_407 = %broadcast_in_dim3A_18, %scan3A_408 = %broadcast_in_dim3A_18, %scan3A_409 = %broadcast_in_dim3A_18) -> (vector<16xf32>, vector<16xf32>, vector<16xf32>, vector<16xf32>, vector<16xf32>, vector<16xf32>, vector<16xf32>, vector<16xf32>)  : i32 {
        %mul3A_410 = arith.constant 128 : i32
        %mul3A_411 = arith.muli %scan3A_401, %mul3A_410 : i32
        %add3A_412 = arith.constant 0 : i32
        %add3A_413 = arith.addi %mul3A_411, %add3A_412 : i32
        %get3A_414 = arith.index_cast %add3A_413 : i32 to index
        %get3A_415 = tpu.vector_load %arg16[%get3A_414] {strides = array<i32>} : memref<2048xf32, #tpu.memory_space<vmem>>, vector<16xf32>,
        %get3A_416 = vector.shape_cast %get3A_415 : vector<16xf32> to vector<16xf32>
        %add3A_417 = arith.addf %scan3A_402, %get3A_416 : vector<16xf32>
        %mul3A_418 = arith.constant 128 : i32
        %mul3A_419 = arith.muli %scan3A_401, %mul3A_418 : i32
        %add3A_420 = arith.constant 16 : i32
        %add3A_421 = arith.addi %mul3A_419, %add3A_420 : i32
        %get3A_422 = arith.index_cast %add3A_421 : i32 to index
        %get3A_423 = tpu.vector_load %arg16[%get3A_422] {strides = array<i32>} : memref<2048xf32, #tpu.memory_space<vmem>>, vector<16xf32>,
        %get3A_424 = vector.shape_cast %get3A_423 : vector<16xf32> to vector<16xf32>
        %add3A_425 = arith.addf %scan3A_403, %get3A_424 : vector<16xf32>
        %mul3A_426 = arith.constant 128 : i32
        %mul3A_427 = arith.muli %scan3A_401, %mul3A_426 : i32
        %add3A_428 = arith.constant 32 : i32
        %add3A_429 = arith.addi %mul3A_427, %add3A_428 : i32
        %get3A_430 = arith.index_cast %add3A_429 : i32 to index
        %get3A_431 = tpu.vector_load %arg16[%get3A_430] {strides = array<i32>} : memref<2048xf32, #tpu.memory_space<vmem>>, vector<16xf32>,
        %get3A_432 = vector.shape_cast %get3A_431 : vector<16xf32> to vector<16xf32>
        %add3A_433 = arith.addf %scan3A_404, %get3A_432 : vector<16xf32>
        %mul3A_434 = arith.constant 128 : i32
        %mul3A_435 = arith.muli %scan3A_401, %mul3A_434 : i32
        %add3A_436 = arith.constant 48 : i32
        %add3A_437 = arith.addi %mul3A_435, %add3A_436 : i32
        %get3A_438 = arith.index_cast %add3A_437 : i32 to index
        %get3A_439 = tpu.vector_load %arg16[%get3A_438] {strides = array<i32>} : memref<2048xf32, #tpu.memory_space<vmem>>, vector<16xf32>,
        %get3A_440 = vector.shape_cast %get3A_439 : vector<16xf32> to vector<16xf32>
        %add3A_441 = arith.addf %scan3A_405, %get3A_440 : vector<16xf32>
        %mul3A_442 = arith.constant 128 : i32
        %mul3A_443 = arith.muli %scan3A_401, %mul3A_442 : i32
        %add3A_444 = arith.constant 64 : i32
        %add3A_445 = arith.addi %mul3A_443, %add3A_444 : i32
        %get3A_446 = arith.index_cast %add3A_445 : i32 to index
        %get3A_447 = tpu.vector_load %arg16[%get3A_446] {strides = array<i32>} : memref<2048xf32, #tpu.memory_space<vmem>>, vector<16xf32>,
        %get3A_448 = vector.shape_cast %get3A_447 : vector<16xf32> to vector<16xf32>
        %add3A_449 = arith.addf %scan3A_406, %get3A_448 : vector<16xf32>
        %mul3A_450 = arith.constant 128 : i32
        %mul3A_451 = arith.muli %scan3A_401, %mul3A_450 : i32
        %add3A_452 = arith.constant 80 : i32
        %add3A_453 = arith.addi %mul3A_451, %add3A_452 : i32
        %get3A_454 = arith.index_cast %add3A_453 : i32 to index
        %get3A_455 = tpu.vector_load %arg16[%get3A_454] {strides = array<i32>} : memref<2048xf32, #tpu.memory_space<vmem>>, vector<16xf32>,
        %get3A_456 = vector.shape_cast %get3A_455 : vector<16xf32> to vector<16xf32>
        %add3A_457 = arith.addf %scan3A_407, %get3A_456 : vector<16xf32>
        %mul3A_458 = arith.constant 128 : i32
        %mul3A_459 = arith.muli %scan3A_401, %mul3A_458 : i32
        %add3A_460 = arith.constant 96 : i32
        %add3A_461 = arith.addi %mul3A_459, %add3A_460 : i32
        %get3A_462 = arith.index_cast %add3A_461 : i32 to index
        %get3A_463 = tpu.vector_load %arg16[%get3A_462] {strides = array<i32>} : memref<2048xf32, #tpu.memory_space<vmem>>, vector<16xf32>,
        %get3A_464 = vector.shape_cast %get3A_463 : vector<16xf32> to vector<16xf32>
        %add3A_465 = arith.addf %scan3A_408, %get3A_464 : vector<16xf32>
        %mul3A_466 = arith.constant 128 : i32
        %mul3A_467 = arith.muli %scan3A_401, %mul3A_466 : i32
        %add3A_468 = arith.constant 112 : i32
        %add3A_469 = arith.addi %mul3A_467, %add3A_468 : i32
        %get3A_470 = arith.index_cast %add3A_469 : i32 to index
        %get3A_471 = tpu.vector_load %arg16[%get3A_470] {strides = array<i32>} : memref<2048xf32, #tpu.memory_space<vmem>>, vector<16xf32>,
        %get3A_472 = vector.shape_cast %get3A_471 : vector<16xf32> to vector<16xf32>
        %add3A_473 = arith.addf %scan3A_409, %get3A_472 : vector<16xf32>
        scf.yield %add3A_417, %add3A_425, %add3A_433, %add3A_441, %add3A_449, %add3A_457, %add3A_465, %add3A_473 : vector<16xf32>, vector<16xf32>, vector<16xf32>, vector<16xf32>, vector<16xf32>, vector<16xf32>, vector<16xf32>, vector<16xf32>
      }
      %scan3A_178 = arith.constant 16 : i32
      %eq3A_179 = arith.constant 0 : i32
      %eq3A_180 = arith.cmpi eq, %arg0, %eq3A_179 : i32
      %convert_element_type3A_181 = arith.extui %eq3A_180 : i1 to i32
      %convert_element_type3A_182 = arith.sitofp %convert_element_type3A_181 : i32 to f32
      %get3A_183 = arith.constant 0 : index
      %get3A_184 = tpu.vector_load %arg17[%get3A_183] {strides = array<i32>} : memref<512xf32, #tpu.memory_space<vmem>>, vector<16xf32>,
      %get3A_185 = vector.shape_cast %get3A_184 : vector<16xf32> to vector<16xf32>
      %get3A_186 = arith.constant 128 : index
      %get3A_187 = tpu.vector_load %arg17[%get3A_186] {strides = array<i32>} : memref<512xf32, #tpu.memory_space<vmem>>, vector<16xf32>,
      %get3A_188 = vector.shape_cast %get3A_187 : vector<16xf32> to vector<16xf32>
      %get3A_189 = arith.constant 256 : index
      %get3A_190 = tpu.vector_load %arg17[%get3A_189] {strides = array<i32>} : memref<512xf32, #tpu.memory_space<vmem>>, vector<16xf32>,
      %get3A_191 = vector.shape_cast %get3A_190 : vector<16xf32> to vector<16xf32>
      %get3A_192 = arith.constant 384 : index
      %get3A_193 = tpu.vector_load %arg17[%get3A_192] {strides = array<i32>} : memref<512xf32, #tpu.memory_space<vmem>>, vector<16xf32>,
      %get3A_194 = vector.shape_cast %get3A_193 : vector<16xf32> to vector<16xf32>
      %mul3A_195 = arith.mulf %get3A_194, %scan3A_177#0 : vector<16xf32>
      %mul3A_196 = arith.constant 3.200000e+05 : f32
      %mul3A_197 = vector.broadcast %mul3A_196 : f32 to vector<16xf32>
      %mul3A_198 = arith.mulf %get3A_185, %mul3A_197 : vector<16xf32>
      %mul3A_199 = arith.mulf %get3A_188, %scan3A_33#0 : vector<16xf32>
      %add3A_200 = arith.addf %mul3A_198, %mul3A_199 : vector<16xf32>
      %mul3A_201 = arith.mulf %get3A_191, %scan3A_33#8 : vector<16xf32>
      %add3A_202 = arith.addf %add3A_200, %mul3A_201 : vector<16xf32>
      %mul3A_203 = vector.broadcast %convert_element_type3A_182 : f32 to vector<16xf32>
      %mul3A_204 = arith.mulf %mul3A_203, %add3A_202 : vector<16xf32>
      %add3A_205 = arith.addf %mul3A_195, %mul3A_204 : vector<16xf32>
      %swap3A_206 = arith.constant 0 : index
      %swap3A_207 = tpu.vector_load %arg14[%swap3A_206] {strides = array<i32>} : memref<128xf32, #tpu.memory_space<vmem>>, vector<16xf32>,
      %swap3A_208 = vector.shape_cast %swap3A_207 : vector<16xf32> to vector<16xf32>
      %swap3A_209 = vector.shape_cast %add3A_205 : vector<16xf32> to vector<16xf32>
      tpu.vector_store %arg14[%swap3A_206], %swap3A_209 {strides = array<i32>} : memref<128xf32, #tpu.memory_space<vmem>>, vector<16xf32>,
      %get3A_210 = arith.constant 16 : index
      %get3A_211 = tpu.vector_load %arg17[%get3A_210] {strides = array<i32>} : memref<512xf32, #tpu.memory_space<vmem>>, vector<16xf32>,
      %get3A_212 = vector.shape_cast %get3A_211 : vector<16xf32> to vector<16xf32>
      %get3A_213 = arith.constant 144 : index
      %get3A_214 = tpu.vector_load %arg17[%get3A_213] {strides = array<i32>} : memref<512xf32, #tpu.memory_space<vmem>>, vector<16xf32>,
      %get3A_215 = vector.shape_cast %get3A_214 : vector<16xf32> to vector<16xf32>
      %get3A_216 = arith.constant 272 : index
      %get3A_217 = tpu.vector_load %arg17[%get3A_216] {strides = array<i32>} : memref<512xf32, #tpu.memory_space<vmem>>, vector<16xf32>,
      %get3A_218 = vector.shape_cast %get3A_217 : vector<16xf32> to vector<16xf32>
      %get3A_219 = arith.constant 400 : index
      %get3A_220 = tpu.vector_load %arg17[%get3A_219] {strides = array<i32>} : memref<512xf32, #tpu.memory_space<vmem>>, vector<16xf32>,
      %get3A_221 = vector.shape_cast %get3A_220 : vector<16xf32> to vector<16xf32>
      %mul3A_222 = arith.mulf %get3A_221, %scan3A_177#1 : vector<16xf32>
      %mul3A_223 = arith.constant 3.200000e+05 : f32
      %mul3A_224 = vector.broadcast %mul3A_223 : f32 to vector<16xf32>
      %mul3A_225 = arith.mulf %get3A_212, %mul3A_224 : vector<16xf32>
      %mul3A_226 = arith.mulf %get3A_215, %scan3A_33#1 : vector<16xf32>
      %add3A_227 = arith.addf %mul3A_225, %mul3A_226 : vector<16xf32>
      %mul3A_228 = arith.mulf %get3A_218, %scan3A_33#9 : vector<16xf32>
      %add3A_229 = arith.addf %add3A_227, %mul3A_228 : vector<16xf32>
      %mul3A_230 = vector.broadcast %convert_element_type3A_182 : f32 to vector<16xf32>
      %mul3A_231 = arith.mulf %mul3A_230, %add3A_229 : vector<16xf32>
      %add3A_232 = arith.addf %mul3A_222, %mul3A_231 : vector<16xf32>
      %swap3A_233 = arith.constant 16 : index
      %swap3A_234 = tpu.vector_load %arg14[%swap3A_233] {strides = array<i32>} : memref<128xf32, #tpu.memory_space<vmem>>, vector<16xf32>,
      %swap3A_235 = vector.shape_cast %swap3A_234 : vector<16xf32> to vector<16xf32>
      %swap3A_236 = vector.shape_cast %add3A_232 : vector<16xf32> to vector<16xf32>
      tpu.vector_store %arg14[%swap3A_233], %swap3A_236 {strides = array<i32>} : memref<128xf32, #tpu.memory_space<vmem>>, vector<16xf32>,
      %get3A_237 = arith.constant 32 : index
      %get3A_238 = tpu.vector_load %arg17[%get3A_237] {strides = array<i32>} : memref<512xf32, #tpu.memory_space<vmem>>, vector<16xf32>,
      %get3A_239 = vector.shape_cast %get3A_238 : vector<16xf32> to vector<16xf32>
      %get3A_240 = arith.constant 160 : index
      %get3A_241 = tpu.vector_load %arg17[%get3A_240] {strides = array<i32>} : memref<512xf32, #tpu.memory_space<vmem>>, vector<16xf32>,
      %get3A_242 = vector.shape_cast %get3A_241 : vector<16xf32> to vector<16xf32>
      %get3A_243 = arith.constant 288 : index
      %get3A_244 = tpu.vector_load %arg17[%get3A_243] {strides = array<i32>} : memref<512xf32, #tpu.memory_space<vmem>>, vector<16xf32>,
      %get3A_245 = vector.shape_cast %get3A_244 : vector<16xf32> to vector<16xf32>
      %get3A_246 = arith.constant 416 : index
      %get3A_247 = tpu.vector_load %arg17[%get3A_246] {strides = array<i32>} : memref<512xf32, #tpu.memory_space<vmem>>, vector<16xf32>,
      %get3A_248 = vector.shape_cast %get3A_247 : vector<16xf32> to vector<16xf32>
      %mul3A_249 = arith.mulf %get3A_248, %scan3A_177#2 : vector<16xf32>
      %mul3A_250 = arith.constant 3.200000e+05 : f32
      %mul3A_251 = vector.broadcast %mul3A_250 : f32 to vector<16xf32>
      %mul3A_252 = arith.mulf %get3A_239, %mul3A_251 : vector<16xf32>
      %mul3A_253 = arith.mulf %get3A_242, %scan3A_33#2 : vector<16xf32>
      %add3A_254 = arith.addf %mul3A_252, %mul3A_253 : vector<16xf32>
      %mul3A_255 = arith.mulf %get3A_245, %scan3A_33#10 : vector<16xf32>
      %add3A_256 = arith.addf %add3A_254, %mul3A_255 : vector<16xf32>
      %mul3A_257 = vector.broadcast %convert_element_type3A_182 : f32 to vector<16xf32>
      %mul3A_258 = arith.mulf %mul3A_257, %add3A_256 : vector<16xf32>
      %add3A_259 = arith.addf %mul3A_249, %mul3A_258 : vector<16xf32>
      %swap3A_260 = arith.constant 32 : index
      %swap3A_261 = tpu.vector_load %arg14[%swap3A_260] {strides = array<i32>} : memref<128xf32, #tpu.memory_space<vmem>>, vector<16xf32>,
      %swap3A_262 = vector.shape_cast %swap3A_261 : vector<16xf32> to vector<16xf32>
      %swap3A_263 = vector.shape_cast %add3A_259 : vector<16xf32> to vector<16xf32>
      tpu.vector_store %arg14[%swap3A_260], %swap3A_263 {strides = array<i32>} : memref<128xf32, #tpu.memory_space<vmem>>, vector<16xf32>,
      %get3A_264 = arith.constant 48 : index
      %get3A_265 = tpu.vector_load %arg17[%get3A_264] {strides = array<i32>} : memref<512xf32, #tpu.memory_space<vmem>>, vector<16xf32>,
      %get3A_266 = vector.shape_cast %get3A_265 : vector<16xf32> to vector<16xf32>
      %get3A_267 = arith.constant 176 : index
      %get3A_268 = tpu.vector_load %arg17[%get3A_267] {strides = array<i32>} : memref<512xf32, #tpu.memory_space<vmem>>, vector<16xf32>,
      %get3A_269 = vector.shape_cast %get3A_268 : vector<16xf32> to vector<16xf32>
      %get3A_270 = arith.constant 304 : index
      %get3A_271 = tpu.vector_load %arg17[%get3A_270] {strides = array<i32>} : memref<512xf32, #tpu.memory_space<vmem>>, vector<16xf32>,
      %get3A_272 = vector.shape_cast %get3A_271 : vector<16xf32> to vector<16xf32>
      %get3A_273 = arith.constant 432 : index
      %get3A_274 = tpu.vector_load %arg17[%get3A_273] {strides = array<i32>} : memref<512xf32, #tpu.memory_space<vmem>>, vector<16xf32>,
      %get3A_275 = vector.shape_cast %get3A_274 : vector<16xf32> to vector<16xf32>
      %mul3A_276 = arith.mulf %get3A_275, %scan3A_177#3 : vector<16xf32>
      %mul3A_277 = arith.constant 3.200000e+05 : f32
      %mul3A_278 = vector.broadcast %mul3A_277 : f32 to vector<16xf32>
      %mul3A_279 = arith.mulf %get3A_266, %mul3A_278 : vector<16xf32>
      %mul3A_280 = arith.mulf %get3A_269, %scan3A_33#3 : vector<16xf32>
      %add3A_281 = arith.addf %mul3A_279, %mul3A_280 : vector<16xf32>
      %mul3A_282 = arith.mulf %get3A_272, %scan3A_33#11 : vector<16xf32>
      %add3A_283 = arith.addf %add3A_281, %mul3A_282 : vector<16xf32>
      %mul3A_284 = vector.broadcast %convert_element_type3A_182 : f32 to vector<16xf32>
      %mul3A_285 = arith.mulf %mul3A_284, %add3A_283 : vector<16xf32>
      %add3A_286 = arith.addf %mul3A_276, %mul3A_285 : vector<16xf32>
      %swap3A_287 = arith.constant 48 : index
      %swap3A_288 = tpu.vector_load %arg14[%swap3A_287] {strides = array<i32>} : memref<128xf32, #tpu.memory_space<vmem>>, vector<16xf32>,
      %swap3A_289 = vector.shape_cast %swap3A_288 : vector<16xf32> to vector<16xf32>
      %swap3A_290 = vector.shape_cast %add3A_286 : vector<16xf32> to vector<16xf32>
      tpu.vector_store %arg14[%swap3A_287], %swap3A_290 {strides = array<i32>} : memref<128xf32, #tpu.memory_space<vmem>>, vector<16xf32>,
      %get3A_291 = arith.constant 64 : index
      %get3A_292 = tpu.vector_load %arg17[%get3A_291] {strides = array<i32>} : memref<512xf32, #tpu.memory_space<vmem>>, vector<16xf32>,
      %get3A_293 = vector.shape_cast %get3A_292 : vector<16xf32> to vector<16xf32>
      %get3A_294 = arith.constant 192 : index
      %get3A_295 = tpu.vector_load %arg17[%get3A_294] {strides = array<i32>} : memref<512xf32, #tpu.memory_space<vmem>>, vector<16xf32>,
      %get3A_296 = vector.shape_cast %get3A_295 : vector<16xf32> to vector<16xf32>
      %get3A_297 = arith.constant 320 : index
      %get3A_298 = tpu.vector_load %arg17[%get3A_297] {strides = array<i32>} : memref<512xf32, #tpu.memory_space<vmem>>, vector<16xf32>,
      %get3A_299 = vector.shape_cast %get3A_298 : vector<16xf32> to vector<16xf32>
      %get3A_300 = arith.constant 448 : index
      %get3A_301 = tpu.vector_load %arg17[%get3A_300] {strides = array<i32>} : memref<512xf32, #tpu.memory_space<vmem>>, vector<16xf32>,
      %get3A_302 = vector.shape_cast %get3A_301 : vector<16xf32> to vector<16xf32>
      %mul3A_303 = arith.mulf %get3A_302, %scan3A_177#4 : vector<16xf32>
      %mul3A_304 = arith.constant 3.200000e+05 : f32
      %mul3A_305 = vector.broadcast %mul3A_304 : f32 to vector<16xf32>
      %mul3A_306 = arith.mulf %get3A_293, %mul3A_305 : vector<16xf32>
      %mul3A_307 = arith.mulf %get3A_296, %scan3A_33#4 : vector<16xf32>
      %add3A_308 = arith.addf %mul3A_306, %mul3A_307 : vector<16xf32>
      %mul3A_309 = arith.mulf %get3A_299, %scan3A_33#12 : vector<16xf32>
      %add3A_310 = arith.addf %add3A_308, %mul3A_309 : vector<16xf32>
      %mul3A_311 = vector.broadcast %convert_element_type3A_182 : f32 to vector<16xf32>
      %mul3A_312 = arith.mulf %mul3A_311, %add3A_310 : vector<16xf32>
      %add3A_313 = arith.addf %mul3A_303, %mul3A_312 : vector<16xf32>
      %swap3A_314 = arith.constant 64 : index
      %swap3A_315 = tpu.vector_load %arg14[%swap3A_314] {strides = array<i32>} : memref<128xf32, #tpu.memory_space<vmem>>, vector<16xf32>,
      %swap3A_316 = vector.shape_cast %swap3A_315 : vector<16xf32> to vector<16xf32>
      %swap3A_317 = vector.shape_cast %add3A_313 : vector<16xf32> to vector<16xf32>
      tpu.vector_store %arg14[%swap3A_314], %swap3A_317 {strides = array<i32>} : memref<128xf32, #tpu.memory_space<vmem>>, vector<16xf32>,
      %get3A_318 = arith.constant 80 : index
      %get3A_319 = tpu.vector_load %arg17[%get3A_318] {strides = array<i32>} : memref<512xf32, #tpu.memory_space<vmem>>, vector<16xf32>,
      %get3A_320 = vector.shape_cast %get3A_319 : vector<16xf32> to vector<16xf32>
      %get3A_321 = arith.constant 208 : index
      %get3A_322 = tpu.vector_load %arg17[%get3A_321] {strides = array<i32>} : memref<512xf32, #tpu.memory_space<vmem>>, vector<16xf32>,
      %get3A_323 = vector.shape_cast %get3A_322 : vector<16xf32> to vector<16xf32>
      %get3A_324 = arith.constant 336 : index
      %get3A_325 = tpu.vector_load %arg17[%get3A_324] {strides = array<i32>} : memref<512xf32, #tpu.memory_space<vmem>>, vector<16xf32>,
      %get3A_326 = vector.shape_cast %get3A_325 : vector<16xf32> to vector<16xf32>
      %get3A_327 = arith.constant 464 : index
      %get3A_328 = tpu.vector_load %arg17[%get3A_327] {strides = array<i32>} : memref<512xf32, #tpu.memory_space<vmem>>, vector<16xf32>,
      %get3A_329 = vector.shape_cast %get3A_328 : vector<16xf32> to vector<16xf32>
      %mul3A_330 = arith.mulf %get3A_329, %scan3A_177#5 : vector<16xf32>
      %mul3A_331 = arith.constant 3.200000e+05 : f32
      %mul3A_332 = vector.broadcast %mul3A_331 : f32 to vector<16xf32>
      %mul3A_333 = arith.mulf %get3A_320, %mul3A_332 : vector<16xf32>
      %mul3A_334 = arith.mulf %get3A_323, %scan3A_33#5 : vector<16xf32>
      %add3A_335 = arith.addf %mul3A_333, %mul3A_334 : vector<16xf32>
      %mul3A_336 = arith.mulf %get3A_326, %scan3A_33#13 : vector<16xf32>
      %add3A_337 = arith.addf %add3A_335, %mul3A_336 : vector<16xf32>
      %mul3A_338 = vector.broadcast %convert_element_type3A_182 : f32 to vector<16xf32>
      %mul3A_339 = arith.mulf %mul3A_338, %add3A_337 : vector<16xf32>
      %add3A_340 = arith.addf %mul3A_330, %mul3A_339 : vector<16xf32>
      %swap3A_341 = arith.constant 80 : index
      %swap3A_342 = tpu.vector_load %arg14[%swap3A_341] {strides = array<i32>} : memref<128xf32, #tpu.memory_space<vmem>>, vector<16xf32>,
      %swap3A_343 = vector.shape_cast %swap3A_342 : vector<16xf32> to vector<16xf32>
      %swap3A_344 = vector.shape_cast %add3A_340 : vector<16xf32> to vector<16xf32>
      tpu.vector_store %arg14[%swap3A_341], %swap3A_344 {strides = array<i32>} : memref<128xf32, #tpu.memory_space<vmem>>, vector<16xf32>,
      %get3A_345 = arith.constant 96 : index
      %get3A_346 = tpu.vector_load %arg17[%get3A_345] {strides = array<i32>} : memref<512xf32, #tpu.memory_space<vmem>>, vector<16xf32>,
      %get3A_347 = vector.shape_cast %get3A_346 : vector<16xf32> to vector<16xf32>
      %get3A_348 = arith.constant 224 : index
      %get3A_349 = tpu.vector_load %arg17[%get3A_348] {strides = array<i32>} : memref<512xf32, #tpu.memory_space<vmem>>, vector<16xf32>,
      %get3A_350 = vector.shape_cast %get3A_349 : vector<16xf32> to vector<16xf32>
      %get3A_351 = arith.constant 352 : index
      %get3A_352 = tpu.vector_load %arg17[%get3A_351] {strides = array<i32>} : memref<512xf32, #tpu.memory_space<vmem>>, vector<16xf32>,
      %get3A_353 = vector.shape_cast %get3A_352 : vector<16xf32> to vector<16xf32>
      %get3A_354 = arith.constant 480 : index
      %get3A_355 = tpu.vector_load %arg17[%get3A_354] {strides = array<i32>} : memref<512xf32, #tpu.memory_space<vmem>>, vector<16xf32>,
      %get3A_356 = vector.shape_cast %get3A_355 : vector<16xf32> to vector<16xf32>
      %mul3A_357 = arith.mulf %get3A_356, %scan3A_177#6 : vector<16xf32>
      %mul3A_358 = arith.constant 3.200000e+05 : f32
      %mul3A_359 = vector.broadcast %mul3A_358 : f32 to vector<16xf32>
      %mul3A_360 = arith.mulf %get3A_347, %mul3A_359 : vector<16xf32>
      %mul3A_361 = arith.mulf %get3A_350, %scan3A_33#6 : vector<16xf32>
      %add3A_362 = arith.addf %mul3A_360, %mul3A_361 : vector<16xf32>
      %mul3A_363 = arith.mulf %get3A_353, %scan3A_33#14 : vector<16xf32>
      %add3A_364 = arith.addf %add3A_362, %mul3A_363 : vector<16xf32>
      %mul3A_365 = vector.broadcast %convert_element_type3A_182 : f32 to vector<16xf32>
      %mul3A_366 = arith.mulf %mul3A_365, %add3A_364 : vector<16xf32>
      %add3A_367 = arith.addf %mul3A_357, %mul3A_366 : vector<16xf32>
      %swap3A_368 = arith.constant 96 : index
      %swap3A_369 = tpu.vector_load %arg14[%swap3A_368] {strides = array<i32>} : memref<128xf32, #tpu.memory_space<vmem>>, vector<16xf32>,
      %swap3A_370 = vector.shape_cast %swap3A_369 : vector<16xf32> to vector<16xf32>
      %swap3A_371 = vector.shape_cast %add3A_367 : vector<16xf32> to vector<16xf32>
      tpu.vector_store %arg14[%swap3A_368], %swap3A_371 {strides = array<i32>} : memref<128xf32, #tpu.memory_space<vmem>>, vector<16xf32>,
      %get3A_372 = arith.constant 112 : index
      %get3A_373 = tpu.vector_load %arg17[%get3A_372] {strides = array<i32>} : memref<512xf32, #tpu.memory_space<vmem>>, vector<16xf32>,
      %get3A_374 = vector.shape_cast %get3A_373 : vector<16xf32> to vector<16xf32>
      %get3A_375 = arith.constant 240 : index
      %get3A_376 = tpu.vector_load %arg17[%get3A_375] {strides = array<i32>} : memref<512xf32, #tpu.memory_space<vmem>>, vector<16xf32>,
      %get3A_377 = vector.shape_cast %get3A_376 : vector<16xf32> to vector<16xf32>
      %get3A_378 = arith.constant 368 : index
      %get3A_379 = tpu.vector_load %arg17[%get3A_378] {strides = array<i32>} : memref<512xf32, #tpu.memory_space<vmem>>, vector<16xf32>,
      %get3A_380 = vector.shape_cast %get3A_379 : vector<16xf32> to vector<16xf32>
      %get3A_381 = arith.constant 496 : index
      %get3A_382 = tpu.vector_load %arg17[%get3A_381] {strides = array<i32>} : memref<512xf32, #tpu.memory_space<vmem>>, vector<16xf32>,
      %get3A_383 = vector.shape_cast %get3A_382 : vector<16xf32> to vector<16xf32>
      %mul3A_384 = arith.mulf %get3A_383, %scan3A_177#7 : vector<16xf32>
      %mul3A_385 = arith.constant 3.200000e+05 : f32
      %mul3A_386 = vector.broadcast %mul3A_385 : f32 to vector<16xf32>
      %mul3A_387 = arith.mulf %get3A_374, %mul3A_386 : vector<16xf32>
      %mul3A_388 = arith.mulf %get3A_377, %scan3A_33#7 : vector<16xf32>
      %add3A_389 = arith.addf %mul3A_387, %mul3A_388 : vector<16xf32>
      %mul3A_390 = arith.mulf %get3A_380, %scan3A_33#15 : vector<16xf32>
      %add3A_391 = arith.addf %add3A_389, %mul3A_390 : vector<16xf32>
      %mul3A_392 = vector.broadcast %convert_element_type3A_182 : f32 to vector<16xf32>
      %mul3A_393 = arith.mulf %mul3A_392, %add3A_391 : vector<16xf32>
      %add3A_394 = arith.addf %mul3A_384, %mul3A_393 : vector<16xf32>
      %swap3A_395 = arith.constant 112 : index
      %swap3A_396 = tpu.vector_load %arg14[%swap3A_395] {strides = array<i32>} : memref<128xf32, #tpu.memory_space<vmem>>, vector<16xf32>,
      %swap3A_397 = vector.shape_cast %swap3A_396 : vector<16xf32> to vector<16xf32>
      %swap3A_398 = vector.shape_cast %add3A_394 : vector<16xf32> to vector<16xf32>
      tpu.vector_store %arg14[%swap3A_395], %swap3A_398 {strides = array<i32>} : memref<128xf32, #tpu.memory_space<vmem>>, vector<16xf32>,
      %mul3A_399 = arith.constant 128 : i32
      %mul3A_400 = arith.muli %arg0, %mul3A_399 : i32
      "tpu.region"() ({
        %run_scoped3A = tpu.sem_alloc : memref<!tpu.dma_semaphore, #tpu.memory_space<semaphore_mem>>
        %dma_start3A_401 = tpu.memref_slice %arg8[%mul3A_400] : memref<256xf32, #tpu.memory_space<hbm>> -> memref<128xf32, #tpu.memory_space<hbm>>
        %dma_start3A_402 = tpu.memref_slice %arg8[%mul3A_400] : memref<256xf32, #tpu.memory_space<hbm>> -> memref<128xf32, #tpu.memory_space<hbm>>
        tpu.enqueue_dma source(%arg14 : memref<128xf32, #tpu.memory_space<vmem>>) target(%dma_start3A_402 : memref<128xf32, #tpu.memory_space<hbm>>) target_semaphore(%run_scoped3A : memref<!tpu.dma_semaphore, #tpu.memory_space<semaphore_mem>>)
        %dma_wait3A_403 = tpu.memref_slice %arg8[%mul3A_400] : memref<256xf32, #tpu.memory_space<hbm>> -> memref<128xf32, #tpu.memory_space<hbm>>
        %dma_wait3A_404 = tpu.memref_slice %arg8[%mul3A_400] : memref<256xf32, #tpu.memory_space<hbm>> -> memref<128xf32, #tpu.memory_space<hbm>>
        tpu.wait_dma2 semaphore(%run_scoped3A : memref<!tpu.dma_semaphore, #tpu.memory_space<semaphore_mem>>) src(%arg14 : memref<128xf32, #tpu.memory_space<vmem>>) dst(%dma_wait3A_404 : memref<128xf32, #tpu.memory_space<hbm>>)
        tpu.yield
      }) : () -> ()
    } else {
    }
    return
  }
}

</mosaic_0001>

<sc_bundles>
// kernel: kernel.4.cloned.1.call-start
scs
__scs_entry_jumppad:
0x0: {  	(pc) =	sbr.rel $0x88, $3  }
0x1: {  	(tag) =	ssettag $0x0;
	lr =	simm.s32 $0x1  }
0x2: {  	[smem:$0x3F9E] =	sst lr;
	_ =	strace $0xD0000000  }
0x3: {  	_ = 	snop  }
0x4: {  	_ = 	snop  }
0x5: {  	_ = 	snop  }
0x6: {  	_ = 	snop  }
0x7: {  	_ = 	snop  }
__scs_overlays_trampoline_lowered:
0x8: {  	[smem:$0x3FAD] =	sst s0  }
0x9: {  	[smem:$0x3FAE] =	sst s1  }
0xa: {  	[smem:$0x3FAF] =	sst s2  }
0xb: {  	[smem:$0x3FB0] =	sst s3  }
0xc: {  	[smem:$0x3FB1] =	sst s4  }
0xd: {  	[smem:$0x3FB2] =	sst s5  }
0xe: {  	[smem:$0x3FB3] =	sst s6  }
0xf: {  	[smem:$0x3FB4] =	sst s7  }
0x10: {  	[smem:$0x3FB5] =	sst s8  }
0x11: {  	[smem:$0x3FB6] =	sst s9;
	s0 =	simm.s32 @!p0 $0x0  }
0x12: {  	s1 =	sld [smem:$0x3F9C];
	s0 =	simm.s32 @p0 $0x1  }
0x13: {  	[smem:$0x3FB7] =	sst s0;
	s0 =	simm.s32 @!p1 $0x0  }
0x14: {  	s2 =	sld [smem:$0x3F9B];
	s0 =	simm.s32 @p1 $0x1  }
0x15: {  	[smem:$0x3FB8] =	sst s0;
	s0 =	simm.s32 @!p2 $0x0  }
0x16: {  	s3 =	sld [smem:$0x3FDB];
	s0 =	simm.s32 @p2 $0x1  }
0x17: {  	s4 =	simm.s32 $0x1BF5;
	[smem:$0x3FBA] =	sst s0  }
0x18: {  	s0 =	sld [smem:$0x3F9D];
	_ =	swait.ge [sflag:s4], $0x0  }
0x19: {  	s7 =	sld [smem:$0x3F9E]  }
0x1a: {  	s8 =	sadd.s32 $0xFFFFE003, lr  }
0x1b: {  	s9 =	sadd.s32 $0xFFFFFEF7, lr;
	s5 =	simm.s32 $0xFFFFFFFF;
	p2 =	slt.u32 s8, $0xFFFFF086  }
0x1c: {  	p1 =	slt.u32 s9, $0xF7A;
	s5 =	simm.s32 @!p2 $0x0  }
0x1d: {  	s5 =	simm.s32 @p1 $0x1;
	p0 =	seq.s32 s7, s2  }
0x1e: {  	s7 =	smul.u32 @!p0 $0xF7A, s2;
	p2 =	seq.s32 @!p0 s5, $0x0  }
0x1f: {  	s9 =	smul.u32 $0xF7A, s1;
	s8 =	simm.s32 @!p0 $0x1BF5;
	p2 =	por !p2, p0  }
0x20: {  	[sflag:s8] =	ssyncset.s32 @!p0 $0xFFFFF086;
	s6 =	sadd.s32 @!p0 s3, s7;
	s7 =	simm.s32 @!p0 $0x108  }
0x21: {  	s3 =	sadd.s32 s3, s9;
	s6 =	sadd.s32 @!p0 $0x88, s6;
	s7 =	simm.s32 @p2 $0x1082  }
0x22: {  	[simem:s7], [sflag:s8] =	dma.local @!p0 [hbm:s6], $0xF7A  }
0x23: {  	s9 =	sor.u32 $0xD0000000, s2;
	s6 =	simm.s32 $0x108;
	_ =	swait.ge @!p0 [sflag:s8], $0x0  }
0x24: {  	s3 =	sadd.s32 $0x88, s3;
	s6 =	simm.s32 @!p1 $0x1082;
	[sflag:s4] =	ssyncset.s32 $0xFFFFF086  }
0x25: {  	[simem:s6], [sflag:s4] =	dma.local [hbm:s3], $0xF7A  }
0x26: {  	[smem:$0x3F9E] =	sst s1;
	(tag) =	ssettag s2;
	_ =	strace s9  }
0x27: {  	s1 =	sld [smem:$0x3FAE]  }
0x28: {  	s2 =	sld [smem:$0x3FAF]  }
0x29: {  	s4 =	sld [smem:$0x3FB1]  }
0x2a: {  	p0 =	seq.s32 s5, $0x0;
	s5 =	sld [smem:$0x3FB2]  }
0x2b: {  	s6 =	sld [smem:$0x3FB3]  }
0x2c: {  	s7 =	sld [smem:$0x3FB4]  }
0x2d: {  	s3 =	simm.s32 $0x108;
	s8 =	sld [smem:$0x3FB5]  }
0x2e: {  	s3 =	simm.s32 @!p0 $0x1082;
	s9 =	sld [smem:$0x3FB6]  }
0x2f: {  	lr =	sadd.s32 s0, s3;
	s0 =	sld [smem:$0x3FAD]  }
0x30: {  	s3 =	sld [smem:$0x3FB0]  }
0x31: {  	[smem:$0x3FB9] =	sst s10  }
0x32: {  	s10 =	sld [smem:$0x3FB7];
	_ =	sdelay $0x3  }
0x33: {  	p0 =	seq.s32 s10, $0x1;
	s10 =	sld [smem:$0x3FB9];
	_ =	sdelay $0x3  }
0x34: {  	[smem:$0x3FB9] =	sst s10  }
0x35: {  	s10 =	sld [smem:$0x3FB8];
	_ =	sdelay $0x3  }
0x36: {  	p1 =	seq.s32 s10, $0x1;
	s10 =	sld [smem:$0x3FB9];
	_ =	sdelay $0x3  }
0x37: {  	[smem:$0x3FB9] =	sst s10  }
0x38: {  	s10 =	sld [smem:$0x3FBA]  }
0x39: {  	_ = 	snop;
	(pc) =	sbr.ind lr, $3  }
0x3a: {  	_ = 	snop  }
0x3b: {  	_ = 	snop  }
0x3c: {  	p2 =	seq.s32 s10, $0x1;
	s10 =	sld [smem:$0x3FB9]  }
0x3d: {  	_ =	shalt  }
0x3e: {  	_ =	shalt  }
0x3f: {  	_ =	shalt  }
0x40: {  	_ =	shalt  }
0x41: {  	_ =	shalt  }
0x42: {  	_ =	shalt  }
0x43: {  	_ =	shalt  }
0x44: {  	_ =	shalt  }
0x45: {  	_ =	shalt  }
0x46: {  	_ =	shalt  }
0x47: {  	_ =	shalt  }
0x48: {  	_ =	shalt  }
0x49: {  	_ =	shalt  }
0x4a: {  	_ =	shalt  }
0x4b: {  	_ =	shalt  }
0x4c: {  	_ =	shalt  }
0x4d: {  	_ =	shalt  }
0x4e: {  	_ =	shalt  }
0x4f: {  	_ =	shalt  }
0x50: {  	_ =	shalt  }
0x51: {  	_ =	shalt  }
0x52: {  	_ =	shalt  }
0x53: {  	_ =	shalt  }
0x54: {  	_ =	shalt  }
0x55: {  	_ =	shalt  }
0x56: {  	_ =	shalt  }
0x57: {  	_ =	shalt  }
0x58: {  	_ =	shalt  }
0x59: {  	_ =	shalt  }
0x5a: {  	_ =	shalt  }
0x5b: {  	_ =	shalt  }
0x5c: {  	_ =	shalt  }
0x5d: {  	_ =	shalt  }
0x5e: {  	_ =	shalt  }
0x5f: {  	_ =	shalt  }
0x60: {  	_ =	shalt  }
0x61: {  	_ =	shalt  }
0x62: {  	_ =	shalt  }
0x63: {  	_ =	shalt  }
0x64: {  	_ =	shalt  }
0x65: {  	_ =	shalt  }
0x66: {  	_ =	shalt  }
0x67: {  	_ =	shalt  }
0x68: {  	_ =	shalt  }
0x69: {  	_ =	shalt  }
0x6a: {  	_ =	shalt  }
0x6b: {  	_ =	shalt  }
0x6c: {  	_ =	shalt  }
0x6d: {  	_ =	shalt  }
0x6e: {  	_ =	shalt  }
0x6f: {  	_ =	shalt  }
0x70: {  	_ =	shalt  }
0x71: {  	_ =	shalt  }
0x72: {  	_ =	shalt  }
0x73: {  	_ =	shalt  }
0x74: {  	_ =	shalt  }
0x75: {  	_ =	shalt  }
0x76: {  	_ =	shalt  }
0x77: {  	_ =	shalt  }
0x78: {  	_ =	shalt  }
0x79: {  	_ =	shalt  }
0x7a: {  	_ =	shalt  }
0x7b: {  	_ =	shalt  }
0x7c: {  	_ =	shalt  }
0x7d: {  	_ =	shalt  }
0x7e: {  	_ =	shalt  }
0x7f: {  	_ =	shalt  }
0x80: {  	_ =	shalt  }
0x81: {  	_ =	shalt  }
0x82: {  	_ =	shalt  }
0x83: {  	_ =	shalt  }
0x84: {  	_ =	shalt  }
0x85: {  	_ =	shalt  }
0x86: {  	_ =	shalt  }
0x87: {  	_ =	shalt  }
.Lfunc_end0:
.L_simem_size_0:
called_computation_lowered:
.L_overlay_start_0:
0x88: {  	s2 =	sld [smem:$0x3FD9]  }
0x89: {  	s3 =	sld [smem:$0x3FFE];
	_ =	sdelay $0x1  }
0x8a: {  	s1 =	srdreg.scid  }
0x8b: {  	s0 =	sand.u32 $0x1, s1  }
0x8c: {  	s17 =	sshll.u32 s0, $0xA;
	s2 =	sadd.s32 s3, s2  }
0x8d: {  	s2 =	sadd.s32 s2, s17  }
0x8e: {  	[smem:$0x3FC5] =	sst s2  }
0x8f: {  	_ = 	snop  }
0x90: {  	s2 =	sld [smem:$0x3FC9]  }
0x91: {  	s18 =	sld [smem:$0x3FD0];
	(tm) =	ssettm $0x1  }
0x92: {  	s4 =	sld [smem:$0x3FFB];
	_ =	sdelay $0x3  }
0x93: {  	_ =	strace s4  }
0x94: {  	s4 =	sld [smem:$0x3FFC];
	_ =	sdelay $0x3  }
0x95: {  	_ =	strace s4  }
0x96: {  	s4 =	sld [smem:$0x3FFD];
	_ =	sdelay $0x3  }
0x97: {  	_ =	strace s4  }
0x98: {  	_ =	strace $0x8FFFFFFF  }
0x99: {  	s19 =	sld [smem:$0x3FDB];
	_ =	sdelay $0x1  }
0x9a: {  	s5 =	simm.s32 $_scs_section_size  }
0x9b: {  	s6 =	simm.s32 $_size__tile_overlayer_lowered;
	s7 =	simm.s32 $_tile_overlayer_lowered  }
0x9c: {  	s22 =	simm.s32 $0x1BFF;
	s21 =	sshll.u32 s7, $0x1;
	s4 =	sadd.s32 s5, s19  }
0x9d: {  	s8 =	simm.s32 $0x0;
	s20 =	sshll.u32 s6, $0x1;
	s6 =	sadd.s32 s21, s4  }
0x9e: {  	[timem:s8], [sflag:s22] =	dma.local [hbm:s6], s20  }
0x9f: {  	_ =	swait.ge [sflag:s22], s20  }
0xa0: {  	s5 =	ssub.s32 $0x0, s20;
	[sflag:s22] =	ssyncset.done $0x0  }
0xa1: {  	[sflag:s22] =	ssyncadd.s32 s5;
	_ =	sdelay $0x1  }
0xa2: {  	s23 =	simm.s32 $0x1B8B  }
0xa3: {  	_ =	swait.ge [sflag:s23], $0x1  }
0xa4: {  	[sflag:s23] =	ssyncset.done $0x0  }
0xa5: {  	s25 =	simm.s32 $0x1B8E;
	s24 =	sld [smem:$0x3FFE];
	[sflag:s23] =	ssyncadd.s32 $0xFFFFFFFF  }
0xa6: {  	s26 =	simm.s32 $execute0_lowered;
	[smem:$0x3FD2] =	sst s25  }
0xa7: {  	s6 =	sshll.u32 s26, $0x1;
	_ =	strace $0x80000046;
	[dreg:$0x1] =	wrdreg $0xFFFFFFFF  }
0xa8: {  	s28 =	simm.s32 $_size_execute0_lowered;
	s4 =	sadd.s32 s4, s6;
	[dreg:$0x0] =	wrdreg $0x0  }
0xa9: {  	s6 =	sshll.u32 s28, $0x1;
	[dreg:$0x2] =	wrdreg s4  }
0xaa: {  	[dreg:$0x3] =	wrdreg s6  }
0xab: {  	[dreg:$0x4] =	wrdreg $0xC0  }
0xac: {  	_ =	task [dreg:s8], $0x5FFFF  }
0xad: {  	[dreg:$0x1] =	wrdreg $0xFFFFFFFF  }
0xae: {  	[dreg:$0x0] =	wrdreg $0x60  }
0xaf: {  	[dreg:$0x2] =	wrdreg s2  }
0xb0: {  	[dreg:$0x3] =	wrdreg s24  }
0xb1: {  	[dreg:$0x4] =	wrdreg s18  }
0xb2: {  	[dreg:$0x5] =	wrdreg $0x9  }
0xb3: {  	_ =	task.clear_ibuf [dreg:s8], $0x6FFFF;
	_ =	strace $0x90000046  }
0xb4: {  	s29 =	simm.s32 $0x9;
	_ =	strace $0x80000048  }
0xb5: {  	_ =	swait.ge [sflag:s29], $0x1  }
0xb6: {  	[sflag:s29] =	ssyncadd.s32 $0xFFFFFFFF  }
0xb7: {  	_ =	strace $0x90000048  }
0xb8: {  	_ =	sfence  }
0xb9: {  	s30 =	sld [smem:$0x0];
	_ =	sdelay $0x2  }
0xba: {  	s31 =	sshll.u32 s1, $0xD;
	s1 =	sshrl.u32 s1, $0x2  }
0xbb: {  	s3 =	sand.u32 $0x4000, s31;
	s1 =	sadd.s32 s1, s30  }
0xbc: {  	s0 =	sor.u32 s3, s0;
	s1 =	sshll.u32 s1, $0x11  }
0xbd: {  	s0 =	sor.u32 s1, s0  }
0xbe: {  	s0 =	sadd.s32 $0x8F2B, s0  }
0xbf: {  	[sflag:s0] =	ssyncadd.remote.s32 $0x1  }
0xc0: {  	_ =	sfence.sel $0xFFFF  }
0xc1: {  	[dreg:$0x0] =	wrdreg $0xFFFFFFFF;
	(pc) =	sbr.abs _section_cstart, $3  }
0xc2: {  	[dreg:$0x1] =	wrdreg $0xFFFFFFFF  }
0xc3: {  	_ =	task.clear_ibuf [dreg:s8], $0x2FFFF;
	_ =	strace $0x9FFFFFFF  }
0xc4: {  	(tm) =	ssettm $0x7FFFFFFF  }
0xc5: {  	_ =	shalt  }
tec
execute0_lowered:
.L_overlay_start_1:
0x0: {  	(tag) =	ssettag $0x1  }
0x1: {  	s0 =	rddreg [dreg:$0x0]  }
0x2: {  	s5 =	rddreg [dreg:$0x1]  }
0x3: {  	s1 =	srdreg.scid;
	s3 =	rddreg [dreg:$0x2]  }
0x4: {  	s2 =	stileid.u32;
	s4 =	simm.s32 $0x0;
	s14 =	simm.s32 $0x1  }
0x5: {  	s15 =	simm.s32 $0xFA80;
	s16 =	simm.s32 $0x2;
	s6 =	sand.u32 $0x1, s1  }
0x6: {  	s17 =	simm.s32 $0x3;
	s18 =	simm.s32 $0xFA00;
	s7 =	sshll.u32 s6, $0x4  }
0x7: {  	s19 =	simm.s32 $0x4;
	s1 =	rddreg [dreg:$0x3];
	s7 =	sor.u32 s2, s7  }
0x8: {  	s20 =	simm.s32 $0x0;
	[smem:$0x7FF] =	sst s4;
	s9 =	smul.u32 $0x138800, s7  }
0x9: {  	s6 =	ssub.s32 $0x2, s6;
	s8 =	sshll.u32 s7, $0x4;
	s7 =	smul.u32 $0x9C400, s7  }
.Ltmp0:
0xa: {  	_ =	strace $0x80000047;
	s10 =	sshrl.u32 s6, $0x1;
	(pc) =	sbr.rel .LBB2_1-.Ltmp0, $4  }
0xb: {  	s13 =	ssub.s32 s6, s10;
	s12 =	sadd.s32 s8, s5;
	s11 =	sshrl.u32 s9, $0x3  }
0xc: {  	s6 =	sor.u32 $0x80, s7;
	s8 =	sadd.s32 $0xFA00, s9;
	s9 =	sadd.s32 $0x17700, s9  }
0xd: {  	s10 =	sadd.s32 $0xC00, s12;
	s5 =	sadd.s32 s0, s11;
	s11 =	sadd.s32 $0xE00, s12  }
0xe: {  	v0 =	vimm.f32 $0.0e+00;
	s12 =	smax.u32 s13, $0x1;
	s13 =	simm.s32 $0x7D00;
	s7 =	sadd.s32 $0xFA0, s5  }
.LBB2_10:
0xf: {  	_ =	swait.ge [sflag:s17], $0x7D00  }
0x10: {  	[sflag:s17] =	ssyncset.done $0x0  }
0x11: {  	[sflag:s17] =	ssyncadd.s32 $0xFFFF8300  }
0x12: {  	[tilespmem:$0xFA00] =	vst v9  }
0x13: {  	[tilespmem:$0xFA10] =	vst v15  }
0x14: {  	[tilespmem:$0xFA20] =	vst v16  }
0x15: {  	[tilespmem:$0xFA30] =	vst v14  }
0x16: {  	[tilespmem:$0xFA40] =	vst v13  }
0x17: {  	[tilespmem:$0xFA50] =	vst v12  }
0x18: {  	[tilespmem:$0xFA60] =	vst v11  }
0x19: {  	[tilespmem:$0xFA70] =	vst v3  }
0x1a: {  	[hbm4b:s10+s4] =	stream.linear.scatter [tilespmem:s18], [sflag:$0x4], $0x80, $0x38;
	[tilespmem:$0x17780] =	vst v63  }
0x1b: {  	_ =	swait.ge [sflag:s19], $0x80  }
0x1c: {  	[sflag:s19] =	ssyncset.done $0x0  }
0x1d: {  	[sflag:s19] =	ssyncadd.s32 $0xFFFFFF80  }
0x1e: {  	[tilespmem:$0xFA00] =	vst v10  }
0x1f: {  	[tilespmem:$0xFA10] =	vst v8  }
0x20: {  	[tilespmem:$0xFA20] =	vst v7  }
0x21: {  	[tilespmem:$0xFA30] =	vst v6  }
0x22: {  	[tilespmem:$0xFA40] =	vst v5  }
0x23: {  	s20 =	sadd.s32 $0x1, s20;
	[tilespmem:$0xFA50] =	vst v4  }
0x24: {  	p0 =	sne.s32 s20, s12;
	[tilespmem:$0xFA60] =	vst v2  }
.Ltmp1:
0x25: {  	[tilespmem:$0xFA70] =	vst v1;
	(pc) =	sbr.rel @!p0 .LBB2_11-.Ltmp1, $4  }
0x26: {  	[hbm4b:s11+s4] =	stream.linear.scatter [tilespmem:s18], [sflag:$0x4], $0x80, $0x38;
	[tilespmem:$0x17780] =	vst v63  }
0x27: {  	_ =	swait.ge [sflag:s19], $0x80  }
0x28: {  	[sflag:s19] =	ssyncset.done $0x0  }
0x29: {  	[sflag:s19] =	ssyncadd.s32 $0xFFFFFF80  }
.LBB2_1:
0x2a: {  	[tilespmem:s4], [sflag:$0x1] =	stream.linear.gather [hbm4b:s5+s4], $0x7D00, $0x38;
	[tilespmem:$0x17780] =	vst v63  }
0x2b: {  	s21 =	simm.s32 $0x0;
	s22 =	simm.s32 $0x200  }
0x2c: {  	[tilespmem:s13], [sflag:$0x2] =	stream.linear.gather [hbm4b:s7+s4], $0x7D00, $0x38;
	[tilespmem:$0x17780] =	vst v63  }
.LBB2_2:
0x2d: {  	p0 =	sne.s32 s22, $0x1F200;
	[tilespmem:s21+$0xFAF0] =	vst v0  }
0x2e: {  	[tilespmem:s21+$0xFA80] =	vst v0  }
0x2f: {  	[tilespmem:s21+$0xFA90] =	vst v0  }
.Ltmp2:
0x30: {  	[tilespmem:s21+$0xFAA0] =	vst v0;
	(pc) =	sbr.rel @p0 .LBB2_2-.Ltmp2, $4  }
0x31: {  	[tilespmem:s21+$0xFAB0] =	vst v0  }
0x32: {  	[tilespmem:s21+$0xFAC0] =	vst v0  }
0x33: {  	[tilespmem:s21+$0xFAD0] =	vst v0  }
0x34: {  	[tilespmem:s21+$0xFAE0] =	vst v0;
	s21 =	sshra.s32 s22, $0x2;
	s22 =	sadd.s32 $0x200, s22  }
0x35: {  	[tilespmem:s21+$0xFAF0] =	vst v0  }
0x36: {  	[tilespmem:s21+$0xFA80] =	vst v0  }
0x37: {  	[tilespmem:s21+$0xFA90] =	vst v0;
	v3 =	vimm.f32 $+Inf  }
0x38: {  	[tilespmem:s21+$0xFAA0] =	vst v0;
	v1 =	vimm.f32 $-Inf;
	v2 =	vimm.f32 $-Inf;
	v4 =	vimm.f32 $-Inf  }
0x39: {  	[tilespmem:s21+$0xFAB0] =	vst v0;
	v5 =	vimm.f32 $-Inf;
	v6 =	vimm.f32 $-Inf;
	v7 =	vimm.f32 $-Inf  }
0x3a: {  	[tilespmem:s21+$0xFAC0] =	vst v0;
	v8 =	vimm.f32 $-Inf;
	v10 =	vimm.f32 $-Inf;
	v11 =	vimm.f32 $+Inf  }
0x3b: {  	[tilespmem:s21+$0xFAD0] =	vst v0;
	v12 =	vimm.f32 $+Inf;
	v13 =	vimm.f32 $+Inf;
	v14 =	vimm.f32 $+Inf  }
0x3c: {  	[tilespmem:s21+$0xFAE0] =	vst v0;
	s21 =	simm.s32 $0x0;
	v16 =	vimm.f32 $+Inf;
	v15 =	vimm.f32 $+Inf;
	v9 =	vimm.f32 $+Inf  }
.LBB2_4:
0x3d: {  	_ =	swait.ge [sflag:s14], $0x7D00  }
0x3e: {  	[sflag:s14] =	ssyncset.done $0x0  }
0x3f: {  	s22 =	simm.s32 $0x0;
	[sflag:s14] =	ssyncadd.s32 $0xFFFF8300  }
0x40: {  	v19 =	vld [tilespmem:s22+$0x200]  }
0x41: {  	v20 =	vld [tilespmem:s22+$0x210]  }
0x42: {  	v21 =	vld [tilespmem:s22+$0x220]  }
0x43: {  	v22 =	vld [tilespmem:s22+$0x230]  }
0x44: {  	v27 =	vld [tilespmem:s22+$0x240]  }
0x45: {  	v17 =	vld [tilespmem:s22+$0x250]  }
0x46: {  	v18 =	vld [tilespmem:s22+$0x180]  }
0x47: {  	v23 =	vld [tilespmem:s22+$0x190]  }
0x48: {  	v26 =	vld [tilespmem:s22+$0x1A0]  }
0x49: {  	v28 =	vld [tilespmem:s22+$0x1B0]  }
0x4a: {  	v24 =	vld [tilespmem:s22+$0x0]  }
0x4b: {  	v25 =	vld [tilespmem:s22+$0x80]  }
0x4c: {  	v29 =	vld [tilespmem:s22+$0x100]  }
0x4d: {  	v32 =	vld [tilespmem:s22+$0x10]  }
0x4e: {  	v36 =	vld [tilespmem:s22+$0x20]  }
0x4f: {  	v58 =	vld [tilespmem:s22+$0x30]  }
0x50: {  	v33 =	vld [tilespmem:s22+$0x90]  }
0x51: {  	v35 =	vld [tilespmem:s22+$0xA0]  }
0x52: {  	v31 =	vld [tilespmem:s22+$0x110];
	v9 =	vmin.f32 v9, v24;
	v10 =	vmax.f32 v10, v24  }
0x53: {  	v30 =	vld [tilespmem:s22+$0x1C0];
	v15 =	vmin.f32 v15, v32;
	v8 =	vmax.f32 v8, v32;
	v16 =	vmin.f32 v16, v36  }
0x54: {  	v34 =	vld [tilespmem:s22+$0x120];
	v7 =	vmax.f32 v7, v36;
	v14 =	vmin.f32 v14, v58;
	v6 =	vmax.f32 v6, v58  }
0x55: {  	v59 =	vld [tilespmem:s22+$0xB0];
	v9 =	vmin.f32 v9, v25;
	v10 =	vmax.f32 v10, v25;
	v15 =	vmin.f32 v15, v33  }
0x56: {  	v60 =	vld [tilespmem:s22+$0x130];
	v8 =	vmax.f32 v8, v33;
	v16 =	vmin.f32 v16, v35;
	v9 =	vmin.f32 v9, v29  }
0x57: {  	v61 =	vld [tilespmem:s22+$0x140];
	v10 =	vmax.f32 v10, v29;
	v15 =	vmin.f32 v15, v31;
	v8 =	vmax.f32 v8, v31  }
0x58: {  	v24 =	vld [tilespmem:s22+$0x150];
	v9 =	vmin.f32 v9, v18;
	v10 =	vmax.f32 v10, v18;
	v15 =	vmin.f32 v15, v23  }
0x59: {  	v23 =	vmax.f32 v8, v23;
	v9 =	vmin.f32 v9, v19;
	v8 =	vmax.f32 v10, v19;
	v19 =	vld [tilespmem:s22+$0x40]  }
0x5a: {  	v7 =	vmax.f32 v7, v35;
	v10 =	vmin.f32 v15, v20;
	v15 =	vmax.f32 v23, v20;
	v20 =	vld [tilespmem:s22+$0xC0]  }
0x5b: {  	v14 =	vmin.f32 v14, v59;
	v25 =	vld [tilespmem:s22+$0xD0];
	v6 =	vmax.f32 v6, v59;
	v16 =	vmin.f32 v16, v34  }
0x5c: {  	v7 =	vmax.f32 v7, v34;
	v14 =	vmin.f32 v14, v60;
	v6 =	vmax.f32 v6, v60;
	v18 =	vld [tilespmem:s22+$0x1D0]  }
0x5d: {  	v16 =	vmin.f32 v16, v26;
	v62 =	vmin.f32 v14, v28;
	v23 =	vmax.f32 v7, v26;
	v26 =	vld [tilespmem:s22+$0x50]  }
0x5e: {  	v14 =	vmax.f32 v23, v21;
	v23 =	vld [tilespmem:s22+$0x60];
	v13 =	vmin.f32 v13, v19;
	v5 =	vmax.f32 v5, v19  }
0x5f: {  	v6 =	vmax.f32 v6, v28;
	v19 =	vld [tilespmem:s22+$0xE0];
	v13 =	vmin.f32 v13, v20;
	v5 =	vmax.f32 v5, v20  }
0x60: {  	v7 =	vmin.f32 v16, v21;
	v20 =	vld [tilespmem:s22+$0x160];
	v13 =	vmin.f32 v13, v61;
	v5 =	vmax.f32 v5, v61  }
0x61: {  	v16 =	vmin.f32 v62, v22;
	v21 =	vld [tilespmem:s22+$0x1E0];
	v13 =	vmin.f32 v13, v30;
	v63 =	vmax.f32 v5, v30  }
0x62: {  	s23 =	simm.s32 $0xA00;
	v5 =	vmax.f32 v6, v22;
	v22 =	vld [tilespmem:s22+$0x260];
	v6 =	vmin.f32 v13, v27;
	v13 =	vmax.f32 v63, v27  }
.LBB2_5:
0x63: {  	p0 =	sne.s32 s23, $0x1EA00;
	v12 =	vmin.f32 v12, v26;
	v4 =	vmax.f32 v4, v26;
	v11 =	vmin.f32 v11, v23;
	v26 =	vld [tilespmem:s22+$0x70]  }
0x64: {  	v12 =	vmin.f32 v12, v25;
	v4 =	vmax.f32 v4, v25;
	v11 =	vmin.f32 v11, v19;
	v25 =	vld [tilespmem:s22+$0xF0]  }
0x65: {  	v12 =	vmin.f32 v12, v24;
	v4 =	vmax.f32 v4, v24;
	v11 =	vmin.f32 v11, v20;
	v24 =	vld [tilespmem:s22+$0x170]  }
0x66: {  	v12 =	vmin.f32 v12, v18;
	v4 =	vmax.f32 v4, v18;
	v11 =	vmin.f32 v11, v21;
	v18 =	vld [tilespmem:s22+$0x1F0]  }
0x67: {  	v12 =	vmin.f32 v12, v17;
	v4 =	vmax.f32 v4, v17;
	v11 =	vmin.f32 v11, v22;
	v17 =	vld [tilespmem:s22+$0x270];
	s22 =	sshra.s32 s23, $0x2  }
0x68: {  	v2 =	vmax.f32 v2, v23;
	v27 =	vld [tilespmem:s22+$0x200];
	v3 =	vmin.f32 v3, v26;
	v1 =	vmax.f32 v1, v26  }
0x69: {  	v2 =	vmax.f32 v2, v19;
	v23 =	vld [tilespmem:s22+$0x210];
	v3 =	vmin.f32 v3, v25;
	v1 =	vmax.f32 v1, v25  }
0x6a: {  	v2 =	vmax.f32 v2, v20;
	v19 =	vld [tilespmem:s22+$0x220];
	v3 =	vmin.f32 v3, v24;
	v1 =	vmax.f32 v1, v24  }
0x6b: {  	v2 =	vmax.f32 v2, v21;
	v28 =	vld [tilespmem:s22+$0x230];
	v3 =	vmin.f32 v3, v18;
	v1 =	vmax.f32 v1, v18  }
0x6c: {  	v2 =	vmax.f32 v2, v22;
	v29 =	vld [tilespmem:s22+$0x240];
	v3 =	vmin.f32 v3, v17;
	v1 =	vmax.f32 v1, v17  }
0x6d: {  	v17 =	vld [tilespmem:s22+$0x250]  }
0x6e: {  	v18 =	vld [tilespmem:s22+$0x180]  }
0x6f: {  	v20 =	vld [tilespmem:s22+$0x190]  }
0x70: {  	v21 =	vld [tilespmem:s22+$0x1A0]  }
0x71: {  	v22 =	vld [tilespmem:s22+$0x1B0]  }
0x72: {  	v24 =	vld [tilespmem:s22+$0x0]  }
0x73: {  	v25 =	vld [tilespmem:s22+$0x80]  }
0x74: {  	v26 =	vld [tilespmem:s22+$0x100]  }
0x75: {  	v30 =	vld [tilespmem:s22+$0x1C0]  }
0x76: {  	v31 =	vld [tilespmem:s22+$0x110]  }
0x77: {  	v9 =	vmin.f32 v9, v24;
	v32 =	vld [tilespmem:s22+$0x10]  }
0x78: {  	v9 =	vmin.f32 v9, v25;
	v33 =	vld [tilespmem:s22+$0x90]  }
0x79: {  	v9 =	vmin.f32 v9, v26;
	v34 =	vld [tilespmem:s22+$0x120]  }
0x7a: {  	v35 =	vld [tilespmem:s22+$0xA0];
	v9 =	vmin.f32 v9, v18  }
0x7b: {  	v36 =	vld [tilespmem:s22+$0x20];
	v9 =	vmin.f32 v9, v27  }
0x7c: {  	v8 =	vmax.f32 v8, v24;
	v10 =	vmin.f32 v10, v32;
	v15 =	vmax.f32 v15, v32;
	v32 =	vld [tilespmem:s22+$0x30]  }
0x7d: {  	v8 =	vmax.f32 v8, v25;
	v10 =	vmin.f32 v10, v33;
	v15 =	vmax.f32 v15, v33;
	v33 =	vld [tilespmem:s22+$0xB0]  }
0x7e: {  	v8 =	vmax.f32 v8, v26;
	v10 =	vmin.f32 v10, v31;
	v15 =	vmax.f32 v15, v31;
	v31 =	vld [tilespmem:s22+$0x130]  }
0x7f: {  	v8 =	vmax.f32 v8, v18;
	v10 =	vmin.f32 v10, v20;
	v15 =	vmax.f32 v15, v20;
	v18 =	vld [tilespmem:s22+$0x1D0]  }
0x80: {  	v8 =	vmax.f32 v8, v27;
	v20 =	vld [tilespmem:s22+$0x140];
	v10 =	vmin.f32 v10, v23;
	v15 =	vmax.f32 v15, v23  }
0x81: {  	v7 =	vmin.f32 v7, v36;
	v14 =	vmax.f32 v14, v36;
	v16 =	vmin.f32 v16, v32;
	v23 =	vld [tilespmem:s22+$0x40]  }
0x82: {  	v7 =	vmin.f32 v7, v35;
	v14 =	vmax.f32 v14, v35;
	v16 =	vmin.f32 v16, v33;
	v27 =	vld [tilespmem:s22+$0xC0]  }
0x83: {  	v7 =	vmin.f32 v7, v34;
	v14 =	vmax.f32 v14, v34;
	v16 =	vmin.f32 v16, v31;
	v24 =	vld [tilespmem:s22+$0x150]  }
0x84: {  	v7 =	vmin.f32 v7, v21;
	v14 =	vmax.f32 v14, v21;
	v25 =	vld [tilespmem:s22+$0xD0];
	v16 =	vmin.f32 v16, v22  }
0x85: {  	v7 =	vmin.f32 v7, v19;
	v14 =	vmax.f32 v14, v19;
	v26 =	vld [tilespmem:s22+$0x50];
	v16 =	vmin.f32 v16, v28  }
.Ltmp3:
0x86: {  	v5 =	vmax.f32 v5, v32;
	v6 =	vmin.f32 v6, v23;
	v13 =	vmax.f32 v13, v23;
	v23 =	vld [tilespmem:s22+$0x60];
	(pc) =	sbr.rel @p0 .LBB2_5-.Ltmp3, $4  }
0x87: {  	v5 =	vmax.f32 v5, v33;
	v6 =	vmin.f32 v6, v27;
	v13 =	vmax.f32 v13, v27;
	v19 =	vld [tilespmem:s22+$0xE0]  }
0x88: {  	v5 =	vmax.f32 v5, v31;
	v6 =	vmin.f32 v6, v20;
	v13 =	vmax.f32 v13, v20;
	v20 =	vld [tilespmem:s22+$0x160]  }
0x89: {  	v5 =	vmax.f32 v5, v22;
	v6 =	vmin.f32 v6, v30;
	v13 =	vmax.f32 v13, v30;
	v21 =	vld [tilespmem:s22+$0x1E0]  }
0x8a: {  	s23 =	sadd.s32 $0xA00, s23;
	v5 =	vmax.f32 v5, v28;
	v6 =	vmin.f32 v6, v29;
	v13 =	vmax.f32 v13, v29;
	v22 =	vld [tilespmem:s22+$0x260]  }
0x8b: {  	v12 =	vmin.f32 v12, v26;
	v4 =	vmax.f32 v4, v26;
	v26 =	vld [tilespmem:s22+$0x70];
	p0 =	seq.s32 s21, $0x13  }
0x8c: {  	v11 =	vmin.f32 v11, v23;
	v28 =	vld [tilespmem:s22+$0x1F0];
	v12 =	vmin.f32 v12, v25;
	v4 =	vmax.f32 v4, v25;
	s23 =	smul.u32 @!p0 $0xFA00, s21  }
0x8d: {  	v11 =	vmin.f32 v11, v19;
	v25 =	vld [tilespmem:s22+$0xF0];
	v12 =	vmin.f32 v12, v24;
	v4 =	vmax.f32 v4, v24  }
0x8e: {  	v11 =	vmin.f32 v11, v20;
	v24 =	vld [tilespmem:s22+$0x170];
	v12 =	vmin.f32 v12, v18;
	v18 =	vmax.f32 v4, v18;
	s23 =	sadd.s32 @!p0 s23, s8  }
0x8f: {  	s30 =	smul.u32 $0x7D00, s21;
	p1 =	seq.s32 @!p0 s21, $0x0;
	v27 =	vmin.f32 v11, v21;
	v4 =	vmin.f32 v12, v17;
	v11 =	vmax.f32 v18, v17;
	v17 =	vld [tilespmem:s22+$0x270];
	s22 =	sshrl.u32 @!p0 s23, $0x3  }
0x90: {  	p1 =	por p0, !p1;
	s23 =	simm.s32 @!p0 $0x0;
	s22 =	sadd.s32 @!p0 s0, s22  }
0x91: {  	[tilespmem:s23], [sflag:$0x1] =	stream.linear.gather @!p0 [hbm4b:s22+s23], $0x7D00, $0x38;
	[tilespmem:$0x17780] =	vst v63  }
0x92: {  	s22 =	sadd.s32 s30, s6;
	_ =	swait.ge @p1 [sflag:s17], $0x7D00  }
0x93: {  	s22 =	sshrl.u32 s22, $0x3;
	[sflag:s17] =	ssyncset.done @p1 $0x0  }
0x94: {  	s31 =	simm.s32 $0x0;
	s22 =	sadd.s32 s3, s22;
	[sflag:s17] =	ssyncadd.s32 @p1 $0xFFFF8300  }
0x95: {  	[hbm4b:s22+s31] =	stream.linear.scatter [tilespmem:s15], [sflag:$0x3], $0x7D00, $0x38;
	[tilespmem:$0x17780] =	vst v63  }
0x96: {  	_ =	swait.ge [sflag:s16], $0x7D00  }
0x97: {  	[sflag:s16] =	ssyncset.done $0x0  }
0x98: {  	v2 =	vmax.f32 v2, v23;
	s22 =	simm.s32 $0x0;
	[sflag:s16] =	ssyncadd.s32 $0xFFFF8300  }
0x99: {  	v2 =	vmax.f32 v2, v19;
	v19 =	vld [tilespmem:s22+$0x7F00]  }
0x9a: {  	v2 =	vmax.f32 v2, v20;
	v3 =	vmin.f32 v3, v26;
	v1 =	vmax.f32 v1, v26;
	v20 =	vld [tilespmem:s22+$0x7F10]  }
0x9b: {  	v2 =	vmax.f32 v2, v21;
	v3 =	vmin.f32 v3, v25;
	v1 =	vmax.f32 v1, v25;
	v21 =	vld [tilespmem:s22+$0x7F20]  }
0x9c: {  	v3 =	vmin.f32 v3, v24;
	v1 =	vmax.f32 v1, v24;
	v24 =	vld [tilespmem:s22+$0x7F30]  }
0x9d: {  	v12 =	vmin.f32 v27, v22;
	v3 =	vmin.f32 v3, v28;
	v18 =	vmax.f32 v1, v28;
	v27 =	vld [tilespmem:s22+$0x7F40]  }
0x9e: {  	v1 =	vmax.f32 v2, v22;
	v2 =	vmin.f32 v3, v17;
	v3 =	vmax.f32 v18, v17;
	v17 =	vld [tilespmem:s22+$0x7F50]  }
0x9f: {  	v18 =	vld [tilespmem:s22+$0x7E80]  }
0xa0: {  	v22 =	vld [tilespmem:s22+$0x7E90]  }
0xa1: {  	v23 =	vld [tilespmem:s22+$0x7EA0]  }
0xa2: {  	v57 =	vld [tilespmem:s22+$0x7EB0]  }
0xa3: {  	v25 =	vld [tilespmem:s22+$0x7D00]  }
0xa4: {  	v26 =	vld [tilespmem:s22+$0x7D80]  }
0xa5: {  	v29 =	vld [tilespmem:s22+$0x7E00]  }
0xa6: {  	v32 =	vld [tilespmem:s22+$0x7D10]  }
0xa7: {  	v36 =	vld [tilespmem:s22+$0x7D20]  }
0xa8: {  	v58 =	vld [tilespmem:s22+$0x7D30]  }
0xa9: {  	v33 =	vld [tilespmem:s22+$0x7D90]  }
0xaa: {  	v35 =	vld [tilespmem:s22+$0x7DA0]  }
0xab: {  	v31 =	vld [tilespmem:s22+$0x7E10];
	v9 =	vmin.f32 v9, v25;
	v8 =	vmax.f32 v8, v25  }
0xac: {  	v30 =	vld [tilespmem:s22+$0x7EC0];
	v10 =	vmin.f32 v10, v32;
	v15 =	vmax.f32 v15, v32;
	v7 =	vmin.f32 v7, v36  }
0xad: {  	v34 =	vld [tilespmem:s22+$0x7E20];
	v14 =	vmax.f32 v14, v36;
	v16 =	vmin.f32 v16, v58;
	v5 =	vmax.f32 v5, v58  }
0xae: {  	v59 =	vld [tilespmem:s22+$0x7DB0];
	v9 =	vmin.f32 v9, v26;
	v8 =	vmax.f32 v8, v26;
	v10 =	vmin.f32 v10, v33  }
0xaf: {  	v60 =	vld [tilespmem:s22+$0x7E30];
	v15 =	vmax.f32 v15, v33;
	v7 =	vmin.f32 v7, v35;
	v9 =	vmin.f32 v9, v29  }
0xb0: {  	v61 =	vld [tilespmem:s22+$0x7E40];
	v8 =	vmax.f32 v8, v29;
	v10 =	vmin.f32 v10, v31;
	v15 =	vmax.f32 v15, v31  }
0xb1: {  	v26 =	vld [tilespmem:s22+$0x7D50];
	v9 =	vmin.f32 v9, v18;
	v8 =	vmax.f32 v8, v18;
	v25 =	vmin.f32 v10, v22  }
0xb2: {  	v22 =	vmax.f32 v15, v22;
	v9 =	vmin.f32 v9, v19;
	v10 =	vmax.f32 v8, v19;
	v19 =	vld [tilespmem:s22+$0x7D40]  }
0xb3: {  	v14 =	vmax.f32 v14, v35;
	v16 =	vmin.f32 v16, v59;
	v8 =	vmax.f32 v22, v20;
	v22 =	vld [tilespmem:s22+$0x7DC0]  }
0xb4: {  	v5 =	vmax.f32 v5, v59;
	v7 =	vmin.f32 v7, v34;
	v14 =	vmax.f32 v14, v34;
	v18 =	vld [tilespmem:s22+$0x7ED0]  }
0xb5: {  	v16 =	vmin.f32 v16, v60;
	v5 =	vmax.f32 v5, v60;
	v15 =	vmin.f32 v25, v20;
	v20 =	vld [tilespmem:s22+$0x7E50]  }
0xb6: {  	v7 =	vmin.f32 v7, v23;
	v14 =	vmax.f32 v14, v23;
	v23 =	vmin.f32 v16, v57;
	v25 =	vld [tilespmem:s22+$0x7DD0]  }
0xb7: {  	v16 =	vmin.f32 v7, v21;
	v6 =	vmin.f32 v6, v19;
	v13 =	vmax.f32 v13, v19;
	v19 =	vld [tilespmem:s22+$0x7D60]  }
0xb8: {  	v7 =	vmax.f32 v14, v21;
	v21 =	vld [tilespmem:s22+$0x7DE0];
	v6 =	vmin.f32 v6, v22;
	v13 =	vmax.f32 v13, v22  }
0xb9: {  	v5 =	vmax.f32 v5, v57;
	v22 =	vld [tilespmem:s22+$0x7E60];
	v6 =	vmin.f32 v6, v61;
	v13 =	vmax.f32 v13, v61  }
0xba: {  	v14 =	vmin.f32 v23, v24;
	v23 =	vld [tilespmem:s22+$0x7EE0];
	v62 =	vmin.f32 v6, v30;
	v63 =	vmax.f32 v13, v30  }
0xbb: {  	s23 =	simm.s32 $0xA00;
	v6 =	vmax.f32 v5, v24;
	v24 =	vld [tilespmem:s22+$0x7F60];
	v13 =	vmin.f32 v62, v27;
	v5 =	vmax.f32 v63, v27  }
.LBB2_7:
0xbc: {  	p1 =	sne.s32 s23, $0x1EA00;
	v4 =	vmin.f32 v4, v26;
	v11 =	vmax.f32 v11, v26;
	v12 =	vmin.f32 v12, v19;
	v26 =	vld [tilespmem:s22+$0x7D70]  }
0xbd: {  	v4 =	vmin.f32 v4, v25;
	v11 =	vmax.f32 v11, v25;
	v12 =	vmin.f32 v12, v21;
	v25 =	vld [tilespmem:s22+$0x7DF0]  }
0xbe: {  	v4 =	vmin.f32 v4, v20;
	v11 =	vmax.f32 v11, v20;
	v12 =	vmin.f32 v12, v22;
	v20 =	vld [tilespmem:s22+$0x7E70]  }
0xbf: {  	v4 =	vmin.f32 v4, v18;
	v11 =	vmax.f32 v11, v18;
	v12 =	vmin.f32 v12, v23;
	v18 =	vld [tilespmem:s22+$0x7EF0]  }
0xc0: {  	v4 =	vmin.f32 v4, v17;
	v11 =	vmax.f32 v11, v17;
	v12 =	vmin.f32 v12, v24;
	v17 =	vld [tilespmem:s22+$0x7F70];
	s22 =	sshra.s32 s23, $0x2  }
0xc1: {  	v1 =	vmax.f32 v1, v19;
	v27 =	vld [tilespmem:s22+$0x7F00];
	v2 =	vmin.f32 v2, v26;
	v3 =	vmax.f32 v3, v26  }
0xc2: {  	v1 =	vmax.f32 v1, v21;
	v19 =	vld [tilespmem:s22+$0x7F10];
	v2 =	vmin.f32 v2, v25;
	v3 =	vmax.f32 v3, v25  }
0xc3: {  	v1 =	vmax.f32 v1, v22;
	v21 =	vld [tilespmem:s22+$0x7F20];
	v2 =	vmin.f32 v2, v20;
	v3 =	vmax.f32 v3, v20  }
0xc4: {  	v1 =	vmax.f32 v1, v23;
	v28 =	vld [tilespmem:s22+$0x7F30];
	v2 =	vmin.f32 v2, v18;
	v3 =	vmax.f32 v3, v18  }
0xc5: {  	v1 =	vmax.f32 v1, v24;
	v29 =	vld [tilespmem:s22+$0x7F40];
	v2 =	vmin.f32 v2, v17;
	v3 =	vmax.f32 v3, v17  }
0xc6: {  	v17 =	vld [tilespmem:s22+$0x7F50]  }
0xc7: {  	v18 =	vld [tilespmem:s22+$0x7E80]  }
0xc8: {  	v20 =	vld [tilespmem:s22+$0x7E90]  }
0xc9: {  	v22 =	vld [tilespmem:s22+$0x7EA0]  }
0xca: {  	v23 =	vld [tilespmem:s22+$0x7EB0]  }
0xcb: {  	v24 =	vld [tilespmem:s22+$0x7D00]  }
0xcc: {  	v25 =	vld [tilespmem:s22+$0x7D80]  }
0xcd: {  	v26 =	vld [tilespmem:s22+$0x7E00]  }
0xce: {  	v30 =	vld [tilespmem:s22+$0x7EC0]  }
0xcf: {  	v31 =	vld [tilespmem:s22+$0x7E10]  }
0xd0: {  	v9 =	vmin.f32 v9, v24;
	v32 =	vld [tilespmem:s22+$0x7D10]  }
0xd1: {  	v9 =	vmin.f32 v9, v25;
	v33 =	vld [tilespmem:s22+$0x7D90]  }
0xd2: {  	v9 =	vmin.f32 v9, v26;
	v34 =	vld [tilespmem:s22+$0x7E20]  }
0xd3: {  	v35 =	vld [tilespmem:s22+$0x7DA0];
	v9 =	vmin.f32 v9, v18  }
0xd4: {  	v36 =	vld [tilespmem:s22+$0x7D20];
	v9 =	vmin.f32 v9, v27  }
0xd5: {  	v10 =	vmax.f32 v10, v24;
	v15 =	vmin.f32 v15, v32;
	v8 =	vmax.f32 v8, v32;
	v24 =	vld [tilespmem:s22+$0x7D30]  }
0xd6: {  	v10 =	vmax.f32 v10, v25;
	v15 =	vmin.f32 v15, v33;
	v8 =	vmax.f32 v8, v33;
	v32 =	vld [tilespmem:s22+$0x7DB0]  }
0xd7: {  	v10 =	vmax.f32 v10, v26;
	v15 =	vmin.f32 v15, v31;
	v8 =	vmax.f32 v8, v31;
	v31 =	vld [tilespmem:s22+$0x7E30]  }
0xd8: {  	v10 =	vmax.f32 v10, v18;
	v15 =	vmin.f32 v15, v20;
	v8 =	vmax.f32 v8, v20;
	v18 =	vld [tilespmem:s22+$0x7ED0]  }
0xd9: {  	v10 =	vmax.f32 v10, v27;
	v33 =	vld [tilespmem:s22+$0x7E40];
	v15 =	vmin.f32 v15, v19;
	v8 =	vmax.f32 v8, v19  }
0xda: {  	v16 =	vmin.f32 v16, v36;
	v7 =	vmax.f32 v7, v36;
	v14 =	vmin.f32 v14, v24;
	v19 =	vld [tilespmem:s22+$0x7D40]  }
0xdb: {  	v16 =	vmin.f32 v16, v35;
	v7 =	vmax.f32 v7, v35;
	v14 =	vmin.f32 v14, v32;
	v27 =	vld [tilespmem:s22+$0x7DC0]  }
0xdc: {  	v16 =	vmin.f32 v16, v34;
	v7 =	vmax.f32 v7, v34;
	v14 =	vmin.f32 v14, v31;
	v20 =	vld [tilespmem:s22+$0x7E50]  }
0xdd: {  	v16 =	vmin.f32 v16, v22;
	v7 =	vmax.f32 v7, v22;
	v25 =	vld [tilespmem:s22+$0x7DD0];
	v14 =	vmin.f32 v14, v23  }
0xde: {  	v16 =	vmin.f32 v16, v21;
	v7 =	vmax.f32 v7, v21;
	v26 =	vld [tilespmem:s22+$0x7D50];
	v14 =	vmin.f32 v14, v28  }
.Ltmp4:
0xdf: {  	v6 =	vmax.f32 v6, v24;
	v13 =	vmin.f32 v13, v19;
	v5 =	vmax.f32 v5, v19;
	v19 =	vld [tilespmem:s22+$0x7D60];
	(pc) =	sbr.rel @p1 .LBB2_7-.Ltmp4, $4  }
0xe0: {  	v6 =	vmax.f32 v6, v32;
	v13 =	vmin.f32 v13, v27;
	v5 =	vmax.f32 v5, v27;
	v21 =	vld [tilespmem:s22+$0x7DE0]  }
0xe1: {  	v6 =	vmax.f32 v6, v31;
	v13 =	vmin.f32 v13, v33;
	v5 =	vmax.f32 v5, v33;
	v22 =	vld [tilespmem:s22+$0x7E60]  }
0xe2: {  	v6 =	vmax.f32 v6, v23;
	v13 =	vmin.f32 v13, v30;
	v5 =	vmax.f32 v5, v30;
	v23 =	vld [tilespmem:s22+$0x7EE0]  }
0xe3: {  	s23 =	sadd.s32 $0xA00, s23;
	v6 =	vmax.f32 v6, v28;
	v13 =	vmin.f32 v13, v29;
	v5 =	vmax.f32 v5, v29;
	v24 =	vld [tilespmem:s22+$0x7F60]  }
0xe4: {  	v4 =	vmin.f32 v4, v26;
	v11 =	vmax.f32 v11, v26;
	v12 =	vmin.f32 v12, v19;
	v61 =	vld [tilespmem:s22+$0x7D70]  }
0xe5: {  	v62 =	vld [tilespmem:s22+$0x7DF0];
	v1 =	vmax.f32 v1, v19;
	v4 =	vmin.f32 v4, v25;
	v11 =	vmax.f32 v11, v25  }
0xe6: {  	v63 =	vld [tilespmem:s22+$0x7E70];
	v12 =	vmin.f32 v12, v21;
	v4 =	vmin.f32 v4, v20;
	v11 =	vmax.f32 v11, v20  }
0xe7: {  	v27 =	vld [tilespmem:s22+$0x7EF0];
	v12 =	vmin.f32 v12, v22;
	v4 =	vmin.f32 v4, v18;
	v11 =	vmax.f32 v11, v18  }
0xe8: {  	v18 =	vmin.f32 v12, v23;
	v12 =	vmin.f32 v4, v17;
	v4 =	vmax.f32 v11, v17;
	v17 =	vld [tilespmem:s22+$0x7F70]  }
.Ltmp5:
0xe9: {  	v1 =	vmax.f32 v1, v21;
	v2 =	vmin.f32 v2, v61;
	v3 =	vmax.f32 v3, v61;
	(pc) =	sbr.rel @p0 .LBB2_10-.Ltmp5, $4  }
0xea: {  	v1 =	vmax.f32 v1, v22;
	v2 =	vmin.f32 v2, v62;
	v3 =	vmax.f32 v3, v62  }
0xeb: {  	v1 =	vmax.f32 v1, v23;
	v2 =	vmin.f32 v2, v63;
	v3 =	vmax.f32 v3, v63  }
0xec: {  	v11 =	vmin.f32 v18, v24;
	v18 =	vmin.f32 v2, v27;
	v19 =	vmax.f32 v3, v27  }
0xed: {  	v2 =	vmax.f32 v1, v24;
	v3 =	vmin.f32 v18, v17;
	v1 =	vmax.f32 v19, v17  }
0xee: {  	s22 =	smul.u32 $0xFA00, s21  }
.Ltmp6:
0xef: {  	_ = 	snop;
	(pc) =	sbr.rel .LBB2_4-.Ltmp6, $4  }
0xf0: {  	s22 =	sadd.s32 s22, s9  }
0xf1: {  	s22 =	sshrl.u32 s22, $0x3  }
0xf2: {  	s21 =	sadd.s32 $0x1, s21;
	s22 =	sadd.s32 s0, s22  }
0xf3: {  	[tilespmem:s13], [sflag:$0x2] =	stream.linear.gather [hbm4b:s22+s4], $0x7D00, $0x38;
	[tilespmem:$0x17780] =	vst v63  }
.LBB2_11:
0xf4: {  	_ =	sfence.sel $0x180000  }
0xf5: {  	[bflag:$0x0] =	sbarrier.arrive $0xFFFF  }
0xf6: {  	p0 =	sne.s32 s2, $0x0;
	_ =	strace $0x90000047  }
0xf7: {  	s0 =	sadd.s32 @!p0 $0x100000, s1;
	[bflag:$0x2] =	sbarrier.arrive $0xFFFF  }
0xf8: {  	[sflag:s0] =	ssyncadd.tile.s32 @!p0 $0x1;
	_ =	shalt  }
.Lfunc_end2:
_tile_overlayer_lowered:
.L_overlay_start_2:
0xf9: {  	(tag) =	ssettag $0x2  }
0xfa: {  	s0 =	rddreg [dreg:$0x0];
	s2 =	stileid.u32  }
0xfb: {  	s1 =	rddreg [dreg:$0x1];
	p0 =	sne.s32 s2, $0x0  }
0xfc: {  	s3 =	rddreg [dreg:$0x2];
	[bflag:$0x3] =	sbarrier.arrive $0xFFFF;
	s2 =	simm.s32 @!p0 $0x1C04  }
0xfd: {  	[timem:s3], [sflag:s2] =	dma.local @!p0 [hbm:s0], s1  }
0xfe: {  	s0 =	simm.s32 @!p0 $0x4  }
0xff: {  	_ =	swait.ge @!p0 [sflag:s0], s1  }
0x100: {  	s1 =	ssub.s32 @!p0 $0x0, s1;
	[sflag:s0] =	ssyncset.done @!p0 $0x0  }
0x101: {  	[sflag:s0] =	ssyncadd.s32 @!p0 s1  }
0x102: {  	[bflag:$0x3] =	sbarrier.arrive $0xFFFF  }
0x103: {  	_ =	shalt  }

// kernel: kernel.7.cloned.1.call-start
scs
__scs_entry_jumppad:
0x0: {  	(pc) =	sbr.rel $0x88, $3  }
0x1: {  	(tag) =	ssettag $0x0;
	lr =	simm.s32 $0x1  }
0x2: {  	[smem:$0x3F9E] =	sst lr;
	_ =	strace $0xD0000000  }
0x3: {  	_ = 	snop  }
0x4: {  	_ = 	snop  }
0x5: {  	_ = 	snop  }
0x6: {  	_ = 	snop  }
0x7: {  	_ = 	snop  }
__scs_overlays_trampoline_lowered:
0x8: {  	[smem:$0x3FAD] =	sst s0  }
0x9: {  	[smem:$0x3FAE] =	sst s1  }
0xa: {  	[smem:$0x3FAF] =	sst s2  }
0xb: {  	[smem:$0x3FB0] =	sst s3  }
0xc: {  	[smem:$0x3FB1] =	sst s4  }
0xd: {  	[smem:$0x3FB2] =	sst s5  }
0xe: {  	[smem:$0x3FB3] =	sst s6  }
0xf: {  	[smem:$0x3FB4] =	sst s7  }
0x10: {  	[smem:$0x3FB5] =	sst s8  }
0x11: {  	[smem:$0x3FB6] =	sst s9;
	s0 =	simm.s32 @!p0 $0x0  }
0x12: {  	s1 =	sld [smem:$0x3F9C];
	s0 =	simm.s32 @p0 $0x1  }
0x13: {  	[smem:$0x3FB7] =	sst s0;
	s0 =	simm.s32 @!p1 $0x0  }
0x14: {  	s2 =	sld [smem:$0x3F9B];
	s0 =	simm.s32 @p1 $0x1  }
0x15: {  	[smem:$0x3FB8] =	sst s0;
	s0 =	simm.s32 @!p2 $0x0  }
0x16: {  	s3 =	sld [smem:$0x3FDB];
	s0 =	simm.s32 @p2 $0x1  }
0x17: {  	s4 =	simm.s32 $0x1BF5;
	[smem:$0x3FBA] =	sst s0  }
0x18: {  	s0 =	sld [smem:$0x3F9D];
	_ =	swait.ge [sflag:s4], $0x0  }
0x19: {  	s7 =	sld [smem:$0x3F9E]  }
0x1a: {  	s8 =	sadd.s32 $0xFFFFE003, lr  }
0x1b: {  	s9 =	sadd.s32 $0xFFFFFEF7, lr;
	s5 =	simm.s32 $0xFFFFFFFF;
	p2 =	slt.u32 s8, $0xFFFFF086  }
0x1c: {  	p1 =	slt.u32 s9, $0xF7A;
	s5 =	simm.s32 @!p2 $0x0  }
0x1d: {  	s5 =	simm.s32 @p1 $0x1;
	p0 =	seq.s32 s7, s2  }
0x1e: {  	s7 =	smul.u32 @!p0 $0xF7A, s2;
	p2 =	seq.s32 @!p0 s5, $0x0  }
0x1f: {  	s9 =	smul.u32 $0xF7A, s1;
	s8 =	simm.s32 @!p0 $0x1BF5;
	p2 =	por !p2, p0  }
0x20: {  	[sflag:s8] =	ssyncset.s32 @!p0 $0xFFFFF086;
	s6 =	sadd.s32 @!p0 s3, s7;
	s7 =	simm.s32 @!p0 $0x108  }
0x21: {  	s3 =	sadd.s32 s3, s9;
	s6 =	sadd.s32 @!p0 $0x88, s6;
	s7 =	simm.s32 @p2 $0x1082  }
0x22: {  	[simem:s7], [sflag:s8] =	dma.local @!p0 [hbm:s6], $0xF7A  }
0x23: {  	s9 =	sor.u32 $0xD0000000, s2;
	s6 =	simm.s32 $0x108;
	_ =	swait.ge @!p0 [sflag:s8], $0x0  }
0x24: {  	s3 =	sadd.s32 $0x88, s3;
	s6 =	simm.s32 @!p1 $0x1082;
	[sflag:s4] =	ssyncset.s32 $0xFFFFF086  }
0x25: {  	[simem:s6], [sflag:s4] =	dma.local [hbm:s3], $0xF7A  }
0x26: {  	[smem:$0x3F9E] =	sst s1;
	(tag) =	ssettag s2;
	_ =	strace s9  }
0x27: {  	s1 =	sld [smem:$0x3FAE]  }
0x28: {  	s2 =	sld [smem:$0x3FAF]  }
0x29: {  	s4 =	sld [smem:$0x3FB1]  }
0x2a: {  	p0 =	seq.s32 s5, $0x0;
	s5 =	sld [smem:$0x3FB2]  }
0x2b: {  	s6 =	sld [smem:$0x3FB3]  }
0x2c: {  	s7 =	sld [smem:$0x3FB4]  }
0x2d: {  	s3 =	simm.s32 $0x108;
	s8 =	sld [smem:$0x3FB5]  }
0x2e: {  	s3 =	simm.s32 @!p0 $0x1082;
	s9 =	sld [smem:$0x3FB6]  }
0x2f: {  	lr =	sadd.s32 s0, s3;
	s0 =	sld [smem:$0x3FAD]  }
0x30: {  	s3 =	sld [smem:$0x3FB0]  }
0x31: {  	[smem:$0x3FB9] =	sst s10  }
0x32: {  	s10 =	sld [smem:$0x3FB7];
	_ =	sdelay $0x3  }
0x33: {  	p0 =	seq.s32 s10, $0x1;
	s10 =	sld [smem:$0x3FB9];
	_ =	sdelay $0x3  }
0x34: {  	[smem:$0x3FB9] =	sst s10  }
0x35: {  	s10 =	sld [smem:$0x3FB8];
	_ =	sdelay $0x3  }
0x36: {  	p1 =	seq.s32 s10, $0x1;
	s10 =	sld [smem:$0x3FB9];
	_ =	sdelay $0x3  }
0x37: {  	[smem:$0x3FB9] =	sst s10  }
0x38: {  	s10 =	sld [smem:$0x3FBA]  }
0x39: {  	_ = 	snop;
	(pc) =	sbr.ind lr, $3  }
0x3a: {  	_ = 	snop  }
0x3b: {  	_ = 	snop  }
0x3c: {  	p2 =	seq.s32 s10, $0x1;
	s10 =	sld [smem:$0x3FB9]  }
0x3d: {  	_ =	shalt  }
0x3e: {  	_ =	shalt  }
0x3f: {  	_ =	shalt  }
0x40: {  	_ =	shalt  }
0x41: {  	_ =	shalt  }
0x42: {  	_ =	shalt  }
0x43: {  	_ =	shalt  }
0x44: {  	_ =	shalt  }
0x45: {  	_ =	shalt  }
0x46: {  	_ =	shalt  }
0x47: {  	_ =	shalt  }
0x48: {  	_ =	shalt  }
0x49: {  	_ =	shalt  }
0x4a: {  	_ =	shalt  }
0x4b: {  	_ =	shalt  }
0x4c: {  	_ =	shalt  }
0x4d: {  	_ =	shalt  }
0x4e: {  	_ =	shalt  }
0x4f: {  	_ =	shalt  }
0x50: {  	_ =	shalt  }
0x51: {  	_ =	shalt  }
0x52: {  	_ =	shalt  }
0x53: {  	_ =	shalt  }
0x54: {  	_ =	shalt  }
0x55: {  	_ =	shalt  }
0x56: {  	_ =	shalt  }
0x57: {  	_ =	shalt  }
0x58: {  	_ =	shalt  }
0x59: {  	_ =	shalt  }
0x5a: {  	_ =	shalt  }
0x5b: {  	_ =	shalt  }
0x5c: {  	_ =	shalt  }
0x5d: {  	_ =	shalt  }
0x5e: {  	_ =	shalt  }
0x5f: {  	_ =	shalt  }
0x60: {  	_ =	shalt  }
0x61: {  	_ =	shalt  }
0x62: {  	_ =	shalt  }
0x63: {  	_ =	shalt  }
0x64: {  	_ =	shalt  }
0x65: {  	_ =	shalt  }
0x66: {  	_ =	shalt  }
0x67: {  	_ =	shalt  }
0x68: {  	_ =	shalt  }
0x69: {  	_ =	shalt  }
0x6a: {  	_ =	shalt  }
0x6b: {  	_ =	shalt  }
0x6c: {  	_ =	shalt  }
0x6d: {  	_ =	shalt  }
0x6e: {  	_ =	shalt  }
0x6f: {  	_ =	shalt  }
0x70: {  	_ =	shalt  }
0x71: {  	_ =	shalt  }
0x72: {  	_ =	shalt  }
0x73: {  	_ =	shalt  }
0x74: {  	_ =	shalt  }
0x75: {  	_ =	shalt  }
0x76: {  	_ =	shalt  }
0x77: {  	_ =	shalt  }
0x78: {  	_ =	shalt  }
0x79: {  	_ =	shalt  }
0x7a: {  	_ =	shalt  }
0x7b: {  	_ =	shalt  }
0x7c: {  	_ =	shalt  }
0x7d: {  	_ =	shalt  }
0x7e: {  	_ =	shalt  }
0x7f: {  	_ =	shalt  }
0x80: {  	_ =	shalt  }
0x81: {  	_ =	shalt  }
0x82: {  	_ =	shalt  }
0x83: {  	_ =	shalt  }
0x84: {  	_ =	shalt  }
0x85: {  	_ =	shalt  }
0x86: {  	_ =	shalt  }
0x87: {  	_ =	shalt  }
.Lfunc_end0:
.L_simem_size_0:
called_computation.1_lowered:
.L_overlay_start_0:
0x88: {  	s2 =	sld [smem:$0x3FD9]  }
0x89: {  	s3 =	sld [smem:$0x3FFE];
	_ =	sdelay $0x1  }
0x8a: {  	s1 =	srdreg.scid  }
0x8b: {  	s0 =	sand.u32 $0x1, s1  }
0x8c: {  	s17 =	sshll.u32 s0, $0xA;
	s2 =	sadd.s32 s3, s2  }
0x8d: {  	s2 =	sadd.s32 s2, s17  }
0x8e: {  	[smem:$0x3FC5] =	sst s2  }
0x8f: {  	_ = 	snop  }
0x90: {  	s2 =	sld [smem:$0x3FC9]  }
0x91: {  	s18 =	sld [smem:$0x3FC8]  }
0x92: {  	s4 =	sld [smem:$0x3FC7]  }
0x93: {  	s5 =	sld [smem:$0x3FD0];
	(tm) =	ssettm $0x1  }
0x94: {  	s6 =	sld [smem:$0x3FFB];
	_ =	sdelay $0x3  }
0x95: {  	_ =	strace s6  }
0x96: {  	s6 =	sld [smem:$0x3FFC];
	_ =	sdelay $0x3  }
0x97: {  	_ =	strace s6  }
0x98: {  	s6 =	sld [smem:$0x3FFD];
	_ =	sdelay $0x3  }
0x99: {  	_ =	strace s6  }
0x9a: {  	_ =	strace $0x8FFFFFFF  }
0x9b: {  	s19 =	sld [smem:$0x3FDB];
	_ =	sdelay $0x1  }
0x9c: {  	s7 =	simm.s32 $_scs_section_size  }
0x9d: {  	s8 =	simm.s32 $_size__tile_overlayer_lowered;
	s9 =	simm.s32 $_tile_overlayer_lowered  }
0x9e: {  	s22 =	simm.s32 $0x1BFF;
	s21 =	sshll.u32 s9, $0x1;
	s6 =	sadd.s32 s7, s19  }
0x9f: {  	s10 =	simm.s32 $0x0;
	s20 =	sshll.u32 s8, $0x1;
	s8 =	sadd.s32 s21, s6  }
0xa0: {  	[timem:s10], [sflag:s22] =	dma.local [hbm:s8], s20  }
0xa1: {  	_ =	swait.ge [sflag:s22], s20  }
0xa2: {  	s7 =	ssub.s32 $0x0, s20;
	[sflag:s22] =	ssyncset.done $0x0  }
0xa3: {  	[sflag:s22] =	ssyncadd.s32 s7;
	_ =	sdelay $0x1  }
0xa4: {  	s23 =	simm.s32 $0x1B8B  }
0xa5: {  	_ =	swait.ge [sflag:s23], $0x1  }
0xa6: {  	[sflag:s23] =	ssyncset.done $0x0  }
0xa7: {  	s25 =	simm.s32 $0x1B8E;
	s24 =	sld [smem:$0x3FFE];
	[sflag:s23] =	ssyncadd.s32 $0xFFFFFFFF  }
0xa8: {  	s26 =	simm.s32 $execute0_lowered;
	[smem:$0x3FD2] =	sst s25  }
0xa9: {  	s8 =	sshll.u32 s26, $0x1;
	_ =	strace $0x80000049;
	[dreg:$0x1] =	wrdreg $0xFFFFFFFF  }
0xaa: {  	s28 =	simm.s32 $_size_execute0_lowered;
	s6 =	sadd.s32 s6, s8;
	[dreg:$0x0] =	wrdreg $0x0  }
0xab: {  	s8 =	sshll.u32 s28, $0x1;
	[dreg:$0x2] =	wrdreg s6  }
0xac: {  	[dreg:$0x3] =	wrdreg s8  }
0xad: {  	[dreg:$0x4] =	wrdreg $0xC0  }
0xae: {  	_ =	task [dreg:s10], $0x5FFFF  }
0xaf: {  	[dreg:$0x1] =	wrdreg $0xFFFFFFFF  }
0xb0: {  	[dreg:$0x0] =	wrdreg $0x60  }
0xb1: {  	[dreg:$0x2] =	wrdreg s2  }
0xb2: {  	[dreg:$0x3] =	wrdreg s24  }
0xb3: {  	[dreg:$0x4] =	wrdreg s4  }
0xb4: {  	[dreg:$0x5] =	wrdreg s18  }
0xb5: {  	[dreg:$0x6] =	wrdreg s5  }
0xb6: {  	[dreg:$0x7] =	wrdreg $0x1A2000  }
0xb7: {  	[dreg:$0x8] =	wrdreg $0x9  }
0xb8: {  	_ =	task.clear_ibuf [dreg:s10], $0x9FFFF;
	_ =	strace $0x90000049  }
0xb9: {  	s29 =	simm.s32 $0x9;
	_ =	strace $0x8000004B  }
0xba: {  	_ =	swait.ge [sflag:s29], $0x1  }
0xbb: {  	[sflag:s29] =	ssyncadd.s32 $0xFFFFFFFF  }
0xbc: {  	_ =	strace $0x9000004B  }
0xbd: {  	_ =	sfence  }
0xbe: {  	s30 =	sld [smem:$0x0];
	_ =	sdelay $0x2  }
0xbf: {  	s31 =	sshll.u32 s1, $0xD;
	s1 =	sshrl.u32 s1, $0x2  }
0xc0: {  	s3 =	sand.u32 $0x4000, s31;
	s1 =	sadd.s32 s1, s30  }
0xc1: {  	s0 =	sor.u32 s3, s0;
	s1 =	sshll.u32 s1, $0x11  }
0xc2: {  	s0 =	sor.u32 s1, s0  }
0xc3: {  	s0 =	sadd.s32 $0x8F2B, s0  }
0xc4: {  	[sflag:s0] =	ssyncadd.remote.s32 $0x1  }
0xc5: {  	_ =	sfence.sel $0xFFFF  }
0xc6: {  	[dreg:$0x0] =	wrdreg $0xFFFFFFFF;
	(pc) =	sbr.abs _section_cstart, $3  }
0xc7: {  	[dreg:$0x1] =	wrdreg $0xFFFFFFFF  }
0xc8: {  	_ =	task.clear_ibuf [dreg:s10], $0x2FFFF;
	_ =	strace $0x9FFFFFFF  }
0xc9: {  	(tm) =	ssettm $0x7FFFFFFF  }
tec
execute0_lowered:
.L_overlay_start_1:
0x0: {  	(tag) =	ssettag $0x1  }
0x1: {  	s0 =	rddreg [dreg:$0x0]  }
0x2: {  	s1 =	rddreg [dreg:$0x1]  }
0x3: {  	s2 =	rddreg [dreg:$0x2]  }
0x4: {  	s4 =	rddreg [dreg:$0x4]  }
0x5: {  	s5 =	rddreg [dreg:$0x5];
	s3 =	srdreg.scid;
	s6 =	simm.s32 $0x0  }
0x6: {  	s24 =	stileid.u32;
	s17 =	simm.s32 $0x7D00;
	s18 =	simm.s32 $0xFA00  }
0x7: {  	s19 =	simm.s32 $0x4;
	s20 =	simm.s32 $0x10A00;
	s21 =	simm.s32 $0x11A00  }
0x8: {  	s22 =	simm.s32 $0x1;
	s23 =	simm.s32 $0x11B00;
	s25 =	simm.s32 $0x3  }
0x9: {  	s26 =	simm.s32 $0x11A80;
	s28 =	simm.s32 $0x19800;
	s29 =	simm.s32 $0x1A000  }
0xa: {  	s30 =	simm.s32 $0x0;
	s3 =	sand.u32 $0x1, s3;
	[smem:$0x7FF] =	sst s6  }
0xb: {  	s7 =	sadd.s32 $0xC00, s1;
	s8 =	sadd.s32 $0xE00, s1;
	s14 =	sshll.u32 s24, $0x7  }
0xc: {  	s9 =	sshll.u32 s3, $0x4;
	_ =	strace $0x8000004A;
	s11 =	ssub.s32 $0x2, s3  }
0xd: {  	p0 =	seq.s32 s3, $0x0;
	s3 =	simm.f32 $1.000000000e+00;
	s10 =	sor.u32 s24, s9  }
0xe: {  	s14 =	sadd.s32 s14, s5;
	s1 =	sadd.s32 s9, s1;
	s13 =	smul.u32 $0x138800, s10  }
.Ltmp0:
0xf: {  	s31 =	sshrl.u32 s11, $0x1;
	s3 =	simm.s32 @!p0 $0x0;
	(pc) =	sbr.rel .LBB2_1-.Ltmp0, $4  }
0x10: {  	p0 =	sne.s32 s24, $0x0;
	s24 =	simm.s32 $0x2;
	s10 =	smul.u32 $0x9C400, s10  }
0x11: {  	s16 =	ssub.s32 s11, s31;
	s15 =	sadd.s32 $0x1000, s1;
	s12 =	sshrl.u32 s13, $0x3  }
0x12: {  	v0 =	vmov s3;
	s16 =	smax.u32 s16, $0x1;
	s9 =	sadd.s32 $0x1388080, s10;
	s10 =	sadd.s32 s0, s12  }
0x13: {  	v1 =	vimm.f32 $0.0e+00;
	[tilespmem:$0x1FFF0] =	vst v0;
	s12 =	sadd.s32 $0xFA00, s13;
	s13 =	sadd.s32 $0x17700, s13;
	s11 =	sadd.s32 $0xFA0, s10  }
.LBB2_12:
0x14: {  	_ =	swait.ge [sflag:s25], $0x7D00  }
0x15: {  	[sflag:s25] =	ssyncset.done $0x0  }
0x16: {  	[sflag:s25] =	ssyncadd.s32 $0xFFFF8300  }
0x17: {  	[tilespmem:$0x11A80] =	vst v42  }
0x18: {  	[tilespmem:$0x11A90] =	vst v41  }
0x19: {  	[tilespmem:$0x11AA0] =	vst v40  }
0x1a: {  	[tilespmem:$0x11AB0] =	vst v39  }
0x1b: {  	[tilespmem:$0x11AC0] =	vst v38  }
0x1c: {  	[tilespmem:$0x11AD0] =	vst v37  }
0x1d: {  	[tilespmem:$0x11AE0] =	vst v36  }
0x1e: {  	[tilespmem:$0x11AF0] =	vst v35  }
0x1f: {  	[spmem:s14] =	stream.linear.scatter [tilespmem:s26], [sflag:$0x4], $0x80, $0x38;
	[tilespmem:$0x1A280] =	vst v63  }
.Ltmp1:
0x20: {  	_ =	swait.ge [sflag:s19], $0x80;
	(pc) =	sbr.rel @!p0 .LBB2_13-.Ltmp1, $3  }
0x21: {  	[sflag:s19] =	ssyncset.done $0x0  }
0x22: {  	[sflag:s19] =	ssyncadd.s32 $0xFFFFFF80  }
0x23: {  	[bflag:$0x0] =	sbarrier.arrive $0xFFFF;
	_ =	sdelay $0x1  }
.LBB2_16:
0x24: {  	s30 =	sadd.s32 $0x1, s30  }
0x25: {  	p1 =	sne.s32 s30, s16  }
.Ltmp2:
0x26: {  	_ = 	snop;
	(pc) =	sbr.rel @!p1 .LBB2_17-.Ltmp2, $1  }
0x27: {  	_ =	sdelay $0x3  }
.LBB2_1:
0x28: {  	[tilespmem:s6], [sflag:$0x1] =	stream.linear.gather [hbm4b:s10+s6], $0x7D00, $0x38;
	[tilespmem:$0x1A280] =	vst v63  }
0x29: {  	s1 =	simm.s32 $0x0;
	s3 =	simm.s32 $0x200  }
0x2a: {  	[tilespmem:s17], [sflag:$0x2] =	stream.linear.gather [hbm4b:s11+s6], $0x7D00, $0x38;
	[tilespmem:$0x1A280] =	vst v63  }
.LBB2_2:
0x2b: {  	p1 =	sne.s32 s3, $0x1F200;
	[tilespmem:s1+$0x11B70] =	vst v1  }
0x2c: {  	[tilespmem:s1+$0x11B00] =	vst v1  }
0x2d: {  	[tilespmem:s1+$0x11B10] =	vst v1  }
.Ltmp3:
0x2e: {  	[tilespmem:s1+$0x11B20] =	vst v1;
	(pc) =	sbr.rel @p1 .LBB2_2-.Ltmp3, $4  }
0x2f: {  	[tilespmem:s1+$0x11B30] =	vst v1  }
0x30: {  	[tilespmem:s1+$0x11B40] =	vst v1  }
0x31: {  	[tilespmem:s1+$0x11B50] =	vst v1  }
0x32: {  	[tilespmem:s1+$0x11B60] =	vst v1;
	s1 =	sshra.s32 s3, $0x2;
	s3 =	sadd.s32 $0x200, s3  }
0x33: {  	[tilespmem:s1+$0x11B70] =	vst v1  }
0x34: {  	[tilespmem:s1+$0x11B00] =	vst v1  }
0x35: {  	[tilespmem:s1+$0x11B10] =	vst v1  }
0x36: {  	[tilespmem:s1+$0x11B20] =	vst v1  }
0x37: {  	[tilespmem:s1+$0x11B30] =	vst v1  }
0x38: {  	[tilespmem:s1+$0x11B40] =	vst v1  }
0x39: {  	[tilespmem:s1+$0x11B50] =	vst v1  }
0x3a: {  	[tilespmem:s1+$0x11B60] =	vst v1;
	s31 =	simm.s32 $0x0  }
0x3b: {  	[tilespmem:s18], [sflag:$0x4] =	stream.linear.gather [hbm4b:s7+s31], $0x1000, $0x38;
	[tilespmem:$0x1A280] =	vst v63  }
0x3c: {  	_ =	swait.ge [sflag:s19], $0x1000  }
0x3d: {  	[sflag:s19] =	ssyncset.done $0x0  }
0x3e: {  	[sflag:s19] =	ssyncadd.s32 $0xFFFFF000  }
0x3f: {  	[tilespmem:s20], [sflag:$0x4] =	stream.linear.gather [hbm4b:s8+s31], $0x1000, $0x38;
	[tilespmem:$0x1A280] =	vst v63  }
0x40: {  	_ =	swait.ge [sflag:s19], $0x1000  }
0x41: {  	[sflag:s19] =	ssyncset.done $0x0  }
0x42: {  	[sflag:s19] =	ssyncadd.s32 $0xFFFFF000  }
0x43: {  	[tilespmem:s21], [sflag:$0x4] =	stream.linear.gather [hbm4b:s2+s31], $0x80, $0x38;
	[tilespmem:$0x1A280] =	vst v63  }
0x44: {  	_ =	swait.ge [sflag:s19], $0x80  }
0x45: {  	[sflag:s19] =	ssyncset.done $0x0  }
0x46: {  	s31 =	simm.s32 $0x0;
	[sflag:s19] =	ssyncadd.s32 $0xFFFFFF80  }
0x47: {  	v2 =	vld [tilespmem:s31+$0x10A70]  }
0x48: {  	v3 =	vld [tilespmem:s31+$0xFA00]  }
0x49: {  	v4 =	vld [tilespmem:s31+$0x10A00]  }
0x4a: {  	v5 =	vld [tilespmem:s31+$0xFA10]  }
0x4b: {  	v8 =	vld [tilespmem:s31+$0x10A10]  }
0x4c: {  	v9 =	vld [tilespmem:s31+$0xFA20]  }
0x4d: {  	v10 =	vld [tilespmem:s31+$0x10A20]  }
0x4e: {  	v13 =	vld [tilespmem:s31+$0xFA30]  }
0x4f: {  	v14 =	vld [tilespmem:s31+$0x10A30]  }
0x50: {  	v15 =	vld [tilespmem:s31+$0xFA40]  }
0x51: {  	v19 =	vld [tilespmem:s31+$0x10A40]  }
0x52: {  	v11 =	vimm.f32 $+Inf;
	v12 =	vimm.f32 $-Inf  }
0x53: {  	v16 =	vld [tilespmem:s31+$0xFA50];
	v2 =	vmax.f32 v12, v2;
	v3 =	vmin.f32 v11, v3  }
0x54: {  	v17 =	vld [tilespmem:s31+$0x10A50];
	v6 =	vmax.f32 v12, v4;
	v7 =	vmin.f32 v11, v5;
	v4 =	vmax.f32 v12, v8  }
0x55: {  	v20 =	vld [tilespmem:s31+$0xFA60];
	v8 =	vmin.f32 v11, v9;
	v9 =	vmax.f32 v12, v10;
	v5 =	vmin.f32 v11, v13  }
0x56: {  	v21 =	vld [tilespmem:s31+$0x10A60];
	v10 =	vmax.f32 v12, v14;
	v18 =	vmin.f32 v11, v15;
	v19 =	vmax.f32 v12, v19  }
0x57: {  	s1 =	simm.s32 $0x80;
	s3 =	simm.s32 $0x400;
	v22 =	vld [tilespmem:s31+$0xFA70];
	v15 =	vimm.f32 $+Inf;
	v13 =	vimm.f32 $-Inf;
	v14 =	vimm.f32 $+Inf  }
.LBB2_4:
0x58: {  	p1 =	sne.s32 s3, $0x3E00;
	v23 =	vld [tilespmem:s1+$0x10A70];
	v11 =	vmin.f32 v11, v16  }
0x59: {  	v16 =	vld [tilespmem:s1+$0xFA00];
	v12 =	vmax.f32 v12, v17  }
0x5a: {  	v17 =	vld [tilespmem:s1+$0x10A00];
	v15 =	vmin.f32 v15, v20  }
0x5b: {  	v20 =	vld [tilespmem:s1+$0xFA10];
	v13 =	vmax.f32 v13, v21  }
0x5c: {  	v21 =	vld [tilespmem:s1+$0x10A10];
	v14 =	vmin.f32 v14, v22  }
0x5d: {  	v22 =	vld [tilespmem:s1+$0xFA20];
	v2 =	vmax.f32 v2, v23  }
0x5e: {  	v3 =	vmin.f32 v3, v16;
	v16 =	vld [tilespmem:s1+$0x10A20]  }
0x5f: {  	v6 =	vmax.f32 v6, v17;
	v17 =	vld [tilespmem:s1+$0xFA30]  }
0x60: {  	v7 =	vmin.f32 v7, v20;
	v20 =	vld [tilespmem:s1+$0x10A30]  }
0x61: {  	v4 =	vmax.f32 v4, v21;
	v21 =	vld [tilespmem:s1+$0xFA40]  }
0x62: {  	v8 =	vmin.f32 v8, v22;
	v22 =	vld [tilespmem:s1+$0x10A40]  }
.Ltmp4:
0x63: {  	v9 =	vmax.f32 v9, v16;
	v16 =	vld [tilespmem:s1+$0xFA50];
	(pc) =	sbr.rel @p1 .LBB2_4-.Ltmp4, $4  }
0x64: {  	v5 =	vmin.f32 v5, v17;
	v17 =	vld [tilespmem:s1+$0x10A50]  }
0x65: {  	v10 =	vmax.f32 v10, v20;
	v20 =	vld [tilespmem:s1+$0xFA60]  }
0x66: {  	v18 =	vmin.f32 v18, v21;
	v21 =	vld [tilespmem:s1+$0x10A60]  }
0x67: {  	v19 =	vmax.f32 v19, v22;
	v22 =	vld [tilespmem:s1+$0xFA70];
	s1 =	sshra.s32 s3, $0x2;
	s3 =	sadd.s32 $0x200, s3  }
0x68: {  	v23 =	vld [tilespmem:s1+$0x10A70]  }
0x69: {  	v24 =	vld [tilespmem:s1+$0xFA00]  }
0x6a: {  	v25 =	vld [tilespmem:s1+$0x10A00]  }
0x6b: {  	v26 =	vld [tilespmem:s1+$0xFA10]  }
0x6c: {  	v27 =	vld [tilespmem:s1+$0x10A10]  }
0x6d: {  	v28 =	vld [tilespmem:s1+$0xFA20]  }
0x6e: {  	v29 =	vld [tilespmem:s1+$0x10A20]  }
0x6f: {  	v30 =	vld [tilespmem:s1+$0xFA30]  }
0x70: {  	v31 =	vld [tilespmem:s1+$0x10A30]  }
0x71: {  	v32 =	vld [tilespmem:s1+$0xFA40]  }
0x72: {  	v33 =	vld [tilespmem:s1+$0x10A40]  }
0x73: {  	v34 =	vld [tilespmem:s1+$0xFA50]  }
0x74: {  	v35 =	vld [tilespmem:s1+$0x10A50]  }
0x75: {  	v36 =	vld [tilespmem:s1+$0xFA60]  }
0x76: {  	v37 =	vmin.f32 v11, v16;
	v39 =	vld [tilespmem:$0x11A00];
	v41 =	vimm.f32 $0.0e+00;
	v42 =	vimm.f32 $0.0e+00  }
0x77: {  	v46 =	vld [tilespmem:$0x11A30];
	v38 =	vmax.f32 v12, v17;
	v20 =	vmin.f32 v15, v20;
	v21 =	vmax.f32 v13, v21  }
0x78: {  	v48 =	vld [tilespmem:s1+$0x10A60];
	v22 =	vmin.f32 v14, v22;
	v0 =	vmax.f32 v2, v23;
	v23 =	vmin.f32 v3, v24  }
0x79: {  	v2 =	vld [tilespmem:$0x11A10];
	v40 =	vmax.f32 v6, v25;
	v26 =	vmin.f32 v7, v26;
	v24 =	vmax.f32 v4, v27  }
0x7a: {  	v3 =	vld [tilespmem:$0x11A20];
	v25 =	vmin.f32 v8, v28;
	v16 =	vmax.f32 v9, v29;
	v17 =	vmin.f32 v5, v30  }
0x7b: {  	v15 =	vmax.f32 v10, v31;
	v47 =	vmin.f32 v18, v32;
	v49 =	vmax.f32 v19, v33  }
0x7c: {  	v11 =	vmin.f32 v37, v34;
	v51 =	vsub.f32 $1.000000000e+00, v39;
	v12 =	vmax.f32 v38, v35;
	[tilespmem:$0x1FEE0] =	vst v40  }
0x7d: {  	v50 =	vld [tilespmem:s1+$0xFA70];
	v52 =	vmin.f32 v20, v36;
	v20 =	vsub.f32 $1.000000000e+00, v46;
	v57 =	vmax.f32 v21, v48;
	[tilespmem:$0x1FEF0] =	vst v23  }
0x7e: {  	v54 =	vld [tilespmem:$0x11A40];
	v35 =	vimm.f32 $0.0e+00;
	v18 =	vmul.f32 v39, v40;
	[tilespmem:$0x1FF00] =	vst v24;
	v53 =	vsub.f32 $1.000000000e+00, v2  }
0x7f: {  	[tilespmem:$0x1FF10] =	vst v26;
	v7 =	vmul.f32 v51, v23;
	v23 =	vld [tilespmem:$0x11A50];
	v56 =	vmul.f32 v20, v17;
	v19 =	vsub.f32 $1.000000000e+00, v3  }
0x80: {  	v36 =	vimm.f32 $0.0e+00;
	[tilespmem:$0x1FF20] =	vst v16;
	v2 =	vmul.f32 v2, v24;
	v24 =	vld [tilespmem:$0x11A60];
	v8 =	vmul.f32 v53, v26  }
0x81: {  	v37 =	vimm.f32 $0.0e+00;
	[tilespmem:$0x1FF30] =	vst v25;
	v3 =	vmul.f32 v3, v16;
	v55 =	vmul.f32 v19, v25;
	v25 =	vld [tilespmem:$0x11A70]  }
0x82: {  	[tilespmem:$0x1FF40] =	vst v15;
	v18 =	vadd.f32 v7, v18;
	v19 =	vadd.f32 v8, v2;
	v2 =	vmul.f32 v46, v15  }
0x83: {  	v38 =	vimm.f32 $0.0e+00;
	[tilespmem:$0x1FF50] =	vst v17;
	v20 =	vadd.f32 v55, v3;
	v3 =	vsub.f32 $1.000000000e+00, v54  }
0x84: {  	[tilespmem:$0x1FF60] =	vst v49;
	v58 =	vmul.f32 v54, v49;
	v21 =	vadd.f32 v56, v2;
	v2 =	vsub.f32 $1.000000000e+00, v23  }
0x85: {  	[tilespmem:$0x1FF70] =	vst v47;
	v60 =	vmul.f32 v23, v12;
	v59 =	vsub.f32 $1.000000000e+00, v24;
	v3 =	vmul.f32 v3, v47  }
0x86: {  	[tilespmem:$0x1FF80] =	vst v12;
	v15 =	vmin.f32 v22, v50;
	v61 =	vsub.f32 $1.000000000e+00, v25;
	v2 =	vmul.f32 v2, v11  }
0x87: {  	[tilespmem:$0x1FF90] =	vst v11;
	v62 =	vmul.f32 v59, v52;
	v22 =	vadd.f32 v3, v58;
	v3 =	vmul.f32 v24, v57  }
0x88: {  	[tilespmem:$0x1FFA0] =	vst v57;
	v63 =	vmul.f32 v61, v15;
	v23 =	vadd.f32 v2, v60;
	v2 =	vmul.f32 v25, v0  }
0x89: {  	[tilespmem:$0x1FFB0] =	vst v52;
	v17 =	vmul.f32 $2.500000000e+02, v18;
	v26 =	vmul.f32 $2.500000000e+02, v20;
	v24 =	vadd.f32 v62, v3  }
0x8a: {  	[tilespmem:$0x1FFC0] =	vst v0;
	v25 =	vmul.f32 $2.500000000e+02, v19;
	v0 =	vmul.f32 $2.500000000e+02, v21;
	v27 =	vadd.f32 v63, v2  }
0x8b: {  	v39 =	vimm.f32 $0.0e+00;
	[tilespmem:$0x1FFD0] =	vst v15;
	v30 =	vmul.f32 $2.500000000e+02, v22;
	v31 =	vmul.f32 $2.500000000e+02, v23  }
0x8c: {  	s31 =	simm.s32 $0x0;
	v40 =	vimm.f32 $0.0e+00;
	[tilespmem:$0x1FFE0] =	vst v0;
	v32 =	vmul.f32 $2.500000000e+02, v24;
	v33 =	vmul.f32 $2.500000000e+02, v27  }
.LBB2_6:
0x8d: {  	_ =	swait.ge [sflag:s22], $0x7D00  }
0x8e: {  	[sflag:s22] =	ssyncset.done $0x0  }
0x8f: {  	s1 =	simm.s32 $0x0;
	[sflag:s22] =	ssyncadd.s32 $0xFFFF8300  }
0x90: {  	v2 =	vld [tilespmem:s1+$0x200]  }
0x91: {  	v3 =	vld [tilespmem:s1+$0x210]  }
0x92: {  	v4 =	vld [tilespmem:s1+$0x220]  }
0x93: {  	v5 =	vld [tilespmem:s1+$0x230]  }
0x94: {  	v6 =	vld [tilespmem:s1+$0x240]  }
0x95: {  	v7 =	vld [tilespmem:s1+$0x250]  }
0x96: {  	v8 =	vld [tilespmem:s1+$0x180]  }
0x97: {  	v9 =	vld [tilespmem:s1+$0x190]  }
0x98: {  	v45 =	vld [tilespmem:s1+$0x1A0]  }
0x99: {  	v46 =	vld [tilespmem:s1+$0x1B0]  }
0x9a: {  	v48 =	vld [tilespmem:s1+$0x1C0]  }
0x9b: {  	v49 =	vld [tilespmem:s1+$0x1D0]  }
0x9c: {  	v51 =	vld [tilespmem:s1+$0x100]  }
0x9d: {  	v53 =	vld [tilespmem:s1+$0x110]  }
0x9e: {  	v59 =	vld [tilespmem:s1+$0x120]  }
0x9f: {  	v60 =	vld [tilespmem:s1+$0x130]  }
0xa0: {  	v62 =	vld [tilespmem:s1+$0x80]  }
0xa1: {  	v63 =	vld [tilespmem:s1+$0x90]  }
0xa2: {  	v10 =	vimm.f32 $0.0e+00;
	v0 =	vld [tilespmem:s1+$0x0];
	v52 =	vmax.f32 v2, v18  }
0xa3: {  	v14 =	vld [tilespmem:s1+$0x140];
	v54 =	vmax.f32 v3, v19;
	v47 =	vmax.f32 v4, v20;
	v50 =	vmax.f32 v5, v21  }
0xa4: {  	v2 =	vld [tilespmem:s1+$0x10];
	v43 =	vmax.f32 v6, v22;
	v44 =	vmax.f32 v7, v23;
	v57 =	vmax.f32 v8, v18  }
0xa5: {  	v3 =	vld [tilespmem:s1+$0x20];
	v58 =	vmax.f32 v9, v19;
	v55 =	vmax.f32 v45, v20;
	v56 =	vmax.f32 v46, v21  }
0xa6: {  	v4 =	vld [tilespmem:s1+$0x30];
	v45 =	vmax.f32 v48, v22;
	v46 =	vmax.f32 v49, v23;
	v7 =	vmax.f32 v51, v18  }
0xa7: {  	v5 =	vld [tilespmem:s1+$0xA0];
	v9 =	vmax.f32 v53, v19;
	v61 =	vmax.f32 v59, v20;
	v8 =	vmax.f32 v62, v18  }
0xa8: {  	v6 =	vld [tilespmem:s1+$0xB0];
	v13 =	vmax.f32 v63, v19;
	v62 =	vmax.f32 v60, v21;
	v0 =	vmax.f32 v0, v18  }
0xa9: {  	v34 =	vld [tilespmem:s1+$0x150];
	v59 =	vmax.f32 v14, v22;
	v51 =	vimm.f32 $0.0e+00;
	v49 =	vimm.f32 $0.0e+00  }
0xaa: {  	v0 =	vadd.f32 v0, v10;
	v2 =	vmax.f32 v2, v19;
	v3 =	vmax.f32 v3, v20  }
0xab: {  	v60 =	vmax.f32 v4, v21;
	v4 =	vld [tilespmem:s1+$0xC0];
	v2 =	vadd.f32 v2, v10;
	v3 =	vadd.f32 v3, v10  }
0xac: {  	v0 =	vadd.f32 v8, v0;
	v63 =	vmax.f32 v5, v20;
	v5 =	vld [tilespmem:s1+$0xD0];
	v53 =	vadd.f32 v60, v10  }
0xad: {  	v48 =	vadd.f32 v13, v2;
	v2 =	vmax.f32 v6, v21;
	v6 =	vadd.f32 v63, v3;
	v63 =	vld [tilespmem:s1+$0x40]  }
0xae: {  	v7 =	vadd.f32 v7, v0;
	v60 =	vmax.f32 v34, v23;
	v8 =	vadd.f32 v2, v53;
	v2 =	vld [tilespmem:s1+$0x50]  }
0xaf: {  	s3 =	simm.s32 $0xA00;
	v3 =	vld [tilespmem:s1+$0x60];
	v53 =	vimm.f32 $0.0e+00;
	v9 =	vadd.f32 v9, v48;
	v48 =	vimm.f32 $0.0e+00  }
.LBB2_7:
0xb0: {  	p1 =	sne.s32 s3, $0x1EA00;
	v0 =	vld [tilespmem:s1+$0x70];
	v4 =	vmax.f32 v4, v22;
	v6 =	vadd.f32 v61, v6;
	v8 =	vadd.f32 v62, v8  }
0xb1: {  	v5 =	vmax.f32 v5, v23;
	v61 =	vld [tilespmem:s1+$0xE0];
	v7 =	vadd.f32 v57, v7;
	v9 =	vadd.f32 v58, v9  }
0xb2: {  	v57 =	vmax.f32 v63, v22;
	v58 =	vld [tilespmem:s1+$0xF0];
	v6 =	vadd.f32 v55, v6;
	v8 =	vadd.f32 v56, v8  }
0xb3: {  	v2 =	vmax.f32 v2, v23;
	v55 =	vld [tilespmem:s1+$0x160];
	v7 =	vadd.f32 v52, v7;
	v9 =	vadd.f32 v54, v9  }
0xb4: {  	v3 =	vmax.f32 v3, v24;
	v52 =	vld [tilespmem:s1+$0x170];
	v6 =	vadd.f32 v47, v6;
	v8 =	vadd.f32 v50, v8  }
0xb5: {  	v47 =	vadd.f32 v57, v51;
	v2 =	vadd.f32 v2, v53;
	v0 =	vmax.f32 v0, v27;
	v50 =	vld [tilespmem:s1+$0x1E0]  }
0xb6: {  	v3 =	vadd.f32 v3, v48;
	v0 =	vadd.f32 v0, v49;
	v48 =	vmax.f32 v61, v24;
	v49 =	vld [tilespmem:s1+$0x1F0]  }
0xb7: {  	v4 =	vadd.f32 v4, v47;
	v2 =	vadd.f32 v5, v2;
	v5 =	vmax.f32 v58, v27;
	v47 =	vld [tilespmem:s1+$0x260]  }
0xb8: {  	v3 =	vadd.f32 v48, v3;
	v0 =	vadd.f32 v5, v0;
	v5 =	vmax.f32 v55, v24;
	v48 =	vld [tilespmem:s1+$0x270];
	s1 =	sshra.s32 s3, $0x2  }
0xb9: {  	v4 =	vadd.f32 v59, v4;
	v2 =	vadd.f32 v60, v2;
	v54 =	vld [tilespmem:s1+$0x200];
	v51 =	vmax.f32 v52, v27  }
0xba: {  	v3 =	vadd.f32 v5, v3;
	v55 =	vld [tilespmem:s1+$0x210];
	v0 =	vadd.f32 v51, v0;
	v5 =	vmax.f32 v50, v24  }
0xbb: {  	v4 =	vadd.f32 v45, v4;
	v2 =	vadd.f32 v46, v2;
	v50 =	vld [tilespmem:s1+$0x220];
	v45 =	vmax.f32 v49, v27  }
0xbc: {  	v3 =	vadd.f32 v5, v3;
	v46 =	vld [tilespmem:s1+$0x230];
	v0 =	vadd.f32 v45, v0;
	v5 =	vmax.f32 v47, v24  }
0xbd: {  	v51 =	vadd.f32 v43, v4;
	v53 =	vadd.f32 v44, v2;
	v45 =	vld [tilespmem:s1+$0x240];
	v2 =	vmax.f32 v48, v27  }
0xbe: {  	v48 =	vadd.f32 v5, v3;
	v4 =	vld [tilespmem:s1+$0x250];
	v49 =	vadd.f32 v2, v0  }
0xbf: {  	v0 =	vld [tilespmem:s1+$0x180]  }
0xc0: {  	v2 =	vld [tilespmem:s1+$0x190]  }
0xc1: {  	v3 =	vld [tilespmem:s1+$0x1A0]  }
0xc2: {  	v5 =	vld [tilespmem:s1+$0x1B0]  }
0xc3: {  	v59 =	vld [tilespmem:s1+$0x1C0]  }
0xc4: {  	v60 =	vld [tilespmem:s1+$0x1D0]  }
0xc5: {  	v61 =	vld [tilespmem:s1+$0x100]  }
0xc6: {  	v62 =	vld [tilespmem:s1+$0x110]  }
0xc7: {  	v63 =	vld [tilespmem:s1+$0x120]  }
0xc8: {  	v10 =	vld [tilespmem:s1+$0x130]  }
0xc9: {  	v11 =	vld [tilespmem:s1+$0x80]  }
0xca: {  	v12 =	vld [tilespmem:s1+$0x90]  }
0xcb: {  	v13 =	vld [tilespmem:s1+$0x0]  }
0xcc: {  	v52 =	vmax.f32 v54, v18;
	v54 =	vmax.f32 v55, v19;
	v47 =	vmax.f32 v50, v20;
	v14 =	vld [tilespmem:s1+$0x10]  }
0xcd: {  	v50 =	vmax.f32 v46, v21;
	v43 =	vmax.f32 v45, v22;
	v44 =	vmax.f32 v4, v23;
	v15 =	vld [tilespmem:s1+$0x20]  }
0xce: {  	v57 =	vmax.f32 v0, v18;
	v58 =	vmax.f32 v2, v19;
	v55 =	vmax.f32 v3, v20;
	v4 =	vld [tilespmem:s1+$0x30]  }
0xcf: {  	v56 =	vmax.f32 v5, v21;
	v45 =	vmax.f32 v59, v22;
	v46 =	vmax.f32 v60, v23;
	v0 =	vld [tilespmem:s1+$0xA0]  }
0xd0: {  	v60 =	vmax.f32 v61, v18;
	v16 =	vmax.f32 v62, v19;
	v61 =	vmax.f32 v63, v20;
	v2 =	vld [tilespmem:s1+$0xB0]  }
0xd1: {  	v62 =	vmax.f32 v10, v21;
	v3 =	vmax.f32 v11, v18;
	v11 =	vmax.f32 v12, v19;
	v10 =	vld [tilespmem:s1+$0x140]  }
0xd2: {  	v5 =	vmax.f32 v13, v18;
	v12 =	vmax.f32 v14, v19;
	v13 =	vmax.f32 v15, v20;
	v14 =	vld [tilespmem:s1+$0x150]  }
.Ltmp5:
0xd3: {  	v7 =	vadd.f32 v5, v7;
	v9 =	vadd.f32 v12, v9;
	v5 =	vmax.f32 v4, v21;
	v4 =	vld [tilespmem:s1+$0xC0];
	(pc) =	sbr.rel @p1 .LBB2_7-.Ltmp5, $4  }
0xd4: {  	v6 =	vadd.f32 v13, v6;
	v8 =	vadd.f32 v5, v8;
	v0 =	vmax.f32 v0, v20;
	v5 =	vld [tilespmem:s1+$0xD0]  }
0xd5: {  	v7 =	vadd.f32 v3, v7;
	v9 =	vadd.f32 v11, v9;
	v63 =	vld [tilespmem:s1+$0x40];
	v3 =	vmax.f32 v2, v21  }
0xd6: {  	v6 =	vadd.f32 v0, v6;
	v2 =	vld [tilespmem:s1+$0x50];
	v8 =	vadd.f32 v3, v8;
	v59 =	vmax.f32 v10, v22  }
0xd7: {  	s3 =	sadd.s32 $0xA00, s3;
	v7 =	vadd.f32 v60, v7;
	v9 =	vadd.f32 v16, v9;
	v3 =	vld [tilespmem:s1+$0x60];
	v60 =	vmax.f32 v14, v23  }
0xd8: {  	v0 =	vld [tilespmem:s1+$0x70];
	v6 =	vadd.f32 v61, v6  }
0xd9: {  	v8 =	vadd.f32 v62, v8;
	v10 =	vld [tilespmem:s1+$0xE0]  }
0xda: {  	v12 =	vld [tilespmem:s1+$0xF0];
	v7 =	vadd.f32 v57, v7;
	v6 =	vadd.f32 v55, v6  }
0xdb: {  	v4 =	vmax.f32 v4, v22;
	v13 =	vld [tilespmem:s1+$0x160];
	v9 =	vadd.f32 v58, v9;
	v8 =	vadd.f32 v56, v8  }
0xdc: {  	v11 =	vmax.f32 v63, v22;
	v52 =	vadd.f32 v52, v7;
	v7 =	vld [tilespmem:s1+$0x170];
	v47 =	vadd.f32 v47, v6  }
0xdd: {  	p1 =	seq.s32 s31, $0x13;
	v3 =	vmax.f32 v3, v24;
	v50 =	vadd.f32 v50, v8;
	v6 =	vadd.f32 v11, v51;
	v8 =	vld [tilespmem:s1+$0x1E0]  }
0xde: {  	s3 =	smul.u32 @!p1 $0xFA00, s31;
	v54 =	vadd.f32 v54, v9;
	v3 =	vadd.f32 v3, v48;
	v9 =	vmax.f32 v10, v24;
	v10 =	vld [tilespmem:s1+$0x1F0]  }
0xdf: {  	v4 =	vadd.f32 v4, v6;
	v6 =	vld [tilespmem:s1+$0x260]  }
0xe0: {  	v3 =	vadd.f32 v9, v3;
	v9 =	vld [tilespmem:s1+$0x270];
	s1 =	sadd.s32 @!p1 s3, s12  }
0xe1: {  	s1 =	sshrl.u32 @!p1 s1, $0x3  }
0xe2: {  	s3 =	simm.s32 @!p1 $0x0;
	s1 =	sadd.s32 @!p1 s0, s1  }
0xe3: {  	v2 =	vmax.f32 v2, v23;
	[tilespmem:s3], [sflag:$0x1] =	stream.linear.gather @!p1 [hbm4b:s1+s3], $0x7D00, $0x38;
	[tilespmem:$0x1A280] =	vst v63  }
0xe4: {  	p2 =	seq.s32 @!p1 s31, $0x0;
	v2 =	vadd.f32 v2, v53;
	v0 =	vmax.f32 v0, v27;
	s3 =	smul.u32 $0x7D00, s31  }
0xe5: {  	v5 =	vmax.f32 v5, v23;
	p2 =	por p1, !p2;
	v0 =	vadd.f32 v0, v49  }
0xe6: {  	v2 =	vadd.f32 v5, v2;
	v5 =	vmax.f32 v12, v27;
	_ =	swait.ge @p2 [sflag:s25], $0x7D00;
	s1 =	sadd.s32 s3, s9  }
0xe7: {  	v16 =	vsub.f32 v52, v17;
	v0 =	vadd.f32 v5, v0;
	v5 =	vmax.f32 v13, v24;
	[sflag:s25] =	ssyncset.done @p2 $0x0;
	s1 =	sshrl.u32 s1, $0x3  }
0xe8: {  	v4 =	vadd.f32 v59, v4;
	v2 =	vadd.f32 v60, v2;
	v7 =	vmax.f32 v7, v27;
	s3 =	simm.s32 $0x0;
	[sflag:s25] =	ssyncadd.s32 @p2 $0xFFFF8300;
	s1 =	sadd.s32 s4, s1  }
0xe9: {  	v3 =	vadd.f32 v5, v3;
	v5 =	vmax.f32 v8, v24;
	v0 =	vadd.f32 v7, v0;
	[hbm4b:s1+s3] =	stream.linear.scatter [tilespmem:s23], [sflag:$0x3], $0x7D00, $0x38;
	[tilespmem:$0x1A280] =	vst v63  }
0xea: {  	v4 =	vadd.f32 v45, v4;
	v7 =	vadd.f32 v46, v2;
	v2 =	vmax.f32 v10, v27;
	_ =	swait.ge [sflag:s24], $0x7D00  }
0xeb: {  	v5 =	vadd.f32 v5, v3;
	v6 =	vmax.f32 v6, v24;
	v0 =	vadd.f32 v2, v0;
	[sflag:s24] =	ssyncset.done $0x0  }
0xec: {  	v28 =	vmovc v17;
	v2 =	vadd.f32 v43, v4;
	v3 =	vadd.f32 v44, v7;
	v7 =	vmax.f32 v9, v27;
	s1 =	simm.s32 $0x0;
	v17 =	vld [tilespmem:$0x1FFE0];
	[sflag:s24] =	ssyncadd.s32 $0xFFFF8300  }
0xed: {  	v4 =	vadd.f32 v6, v5;
	v5 =	vadd.f32 v7, v0;
	v0 =	vld [tilespmem:s1+$0x7F00]  }
0xee: {  	v6 =	vld [tilespmem:s1+$0x7F10]  }
0xef: {  	v7 =	vld [tilespmem:s1+$0x7F20]  }
0xf0: {  	v8 =	vld [tilespmem:s1+$0x7F30]  }
0xf1: {  	v9 =	vld [tilespmem:s1+$0x7F40]  }
0xf2: {  	v10 =	vld [tilespmem:s1+$0x7F50]  }
0xf3: {  	v11 =	vld [tilespmem:s1+$0x7E80]  }
0xf4: {  	v12 =	vld [tilespmem:s1+$0x7E90]  }
0xf5: {  	v13 =	vld [tilespmem:s1+$0x7EA0]  }
0xf6: {  	v14 =	vld [tilespmem:s1+$0x7EB0]  }
0xf7: {  	v61 =	vsub.f32 v54, v25;
	v62 =	vsub.f32 v47, v26;
	v15 =	vld [tilespmem:s1+$0x7EC0]  }
0xf8: {  	v42 =	vadd.f32 v16, v42;
	v49 =	vld [tilespmem:s1+$0x7ED0]  }
0xf9: {  	v41 =	vadd.f32 v61, v41;
	v40 =	vadd.f32 v62, v40;
	v16 =	vld [tilespmem:s1+$0x7E10]  }
0xfa: {  	v2 =	vsub.f32 v2, v30;
	v3 =	vsub.f32 v3, v31;
	v52 =	vld [tilespmem:s1+$0x7E20]  }
0xfb: {  	v4 =	vsub.f32 v4, v32;
	v5 =	vsub.f32 v5, v33;
	v59 =	vld [tilespmem:s1+$0x7E30]  }
0xfc: {  	v38 =	vadd.f32 v2, v38;
	v60 =	vld [tilespmem:s1+$0x7D80];
	v63 =	vsub.f32 v50, v17  }
0xfd: {  	v37 =	vadd.f32 v3, v37;
	v36 =	vadd.f32 v4, v36;
	v2 =	vld [tilespmem:s1+$0x7D90]  }
0xfe: {  	v45 =	vimm.f32 $0.0e+00;
	v35 =	vadd.f32 v5, v35;
	v3 =	vld [tilespmem:s1+$0x7D00];
	v39 =	vadd.f32 v63, v39  }
0xff: {  	v4 =	vld [tilespmem:s1+$0x7D10];
	v53 =	vmax.f32 v0, v18;
	v54 =	vmax.f32 v6, v19;
	v48 =	vmax.f32 v7, v20  }
0x100: {  	v5 =	vld [tilespmem:s1+$0x7D30];
	v51 =	vmax.f32 v8, v21;
	v43 =	vmax.f32 v9, v22;
	v44 =	vmax.f32 v10, v23  }
0x101: {  	v50 =	vld [tilespmem:s1+$0x7E00];
	v57 =	vmax.f32 v11, v18;
	v58 =	vmax.f32 v12, v19;
	v55 =	vmax.f32 v13, v20  }
0x102: {  	v0 =	vld [tilespmem:s1+$0x7D20];
	v56 =	vmax.f32 v14, v21;
	v46 =	vmax.f32 v15, v22;
	v47 =	vmax.f32 v49, v23  }
0x103: {  	v6 =	vld [tilespmem:s1+$0x7DA0];
	v9 =	vmax.f32 v16, v19;
	v61 =	vmax.f32 v52, v20;
	v10 =	vmax.f32 v60, v18  }
0x104: {  	v7 =	vld [tilespmem:s1+$0x7DB0];
	v2 =	vmax.f32 v2, v19;
	v62 =	vmax.f32 v59, v21;
	v3 =	vmax.f32 v3, v18  }
0x105: {  	v11 =	vld [tilespmem:s1+$0x7E40];
	v4 =	vmax.f32 v4, v19;
	v5 =	vmax.f32 v5, v21;
	v3 =	vadd.f32 v3, v45  }
0x106: {  	v52 =	vld [tilespmem:s1+$0x7E50];
	v49 =	vimm.f32 $0.0e+00;
	v60 =	vadd.f32 v4, v45;
	v63 =	vadd.f32 v5, v45  }
0x107: {  	v4 =	vld [tilespmem:s1+$0x7DC0];
	v8 =	vmax.f32 v50, v18;
	v10 =	vadd.f32 v10, v3;
	v0 =	vmax.f32 v0, v20  }
0x108: {  	v5 =	vld [tilespmem:s1+$0x7DD0];
	v13 =	vadd.f32 v2, v60;
	v50 =	vimm.f32 $0.0e+00;
	v0 =	vadd.f32 v0, v45  }
0x109: {  	v2 =	vld [tilespmem:s1+$0x7D40];
	v6 =	vmax.f32 v6, v20;
	v3 =	vmax.f32 v7, v21;
	v8 =	vadd.f32 v8, v10  }
0x10a: {  	v59 =	vmax.f32 v11, v22;
	v7 =	vadd.f32 v3, v63;
	v3 =	vld [tilespmem:s1+$0x7D50];
	v6 =	vadd.f32 v6, v0  }
0x10b: {  	v34 =	vmovc v25;
	v29 =	vmovc v26;
	s3 =	simm.s32 $0xA00;
	v9 =	vadd.f32 v9, v13;
	v60 =	vmax.f32 v52, v23;
	v52 =	vimm.f32 $0.0e+00;
	v63 =	vld [tilespmem:s1+$0x7D60]  }
.LBB2_9:
0x10c: {  	p2 =	sne.s32 s3, $0x1EA00;
	v0 =	vld [tilespmem:s1+$0x7D70];
	v4 =	vmax.f32 v4, v22;
	v6 =	vadd.f32 v61, v6;
	v7 =	vadd.f32 v62, v7  }
0x10d: {  	v5 =	vmax.f32 v5, v23;
	v10 =	vld [tilespmem:s1+$0x7DE0];
	v8 =	vadd.f32 v57, v8;
	v9 =	vadd.f32 v58, v9  }
0x10e: {  	v2 =	vmax.f32 v2, v22;
	v11 =	vld [tilespmem:s1+$0x7DF0];
	v6 =	vadd.f32 v55, v6;
	v7 =	vadd.f32 v56, v7  }
0x10f: {  	v3 =	vmax.f32 v3, v23;
	v12 =	vld [tilespmem:s1+$0x7E60];
	v8 =	vadd.f32 v53, v8;
	v9 =	vadd.f32 v54, v9  }
0x110: {  	v13 =	vmax.f32 v63, v24;
	v14 =	vld [tilespmem:s1+$0x7E70];
	v6 =	vadd.f32 v48, v6;
	v7 =	vadd.f32 v51, v7  }
0x111: {  	v2 =	vadd.f32 v2, v45;
	v3 =	vadd.f32 v3, v52;
	v0 =	vmax.f32 v0, v27;
	v15 =	vld [tilespmem:s1+$0x7EE0]  }
0x112: {  	v13 =	vadd.f32 v13, v49;
	v0 =	vadd.f32 v0, v50;
	v10 =	vmax.f32 v10, v24;
	v16 =	vld [tilespmem:s1+$0x7EF0]  }
0x113: {  	v2 =	vadd.f32 v4, v2;
	v3 =	vadd.f32 v5, v3;
	v4 =	vmax.f32 v11, v27;
	v5 =	vld [tilespmem:s1+$0x7F60]  }
0x114: {  	v10 =	vadd.f32 v10, v13;
	v0 =	vadd.f32 v4, v0;
	v4 =	vmax.f32 v12, v24;
	v11 =	vld [tilespmem:s1+$0x7F70];
	s1 =	sshra.s32 s3, $0x2  }
0x115: {  	v2 =	vadd.f32 v59, v2;
	v3 =	vadd.f32 v60, v3;
	v12 =	vld [tilespmem:s1+$0x7F00];
	v13 =	vmax.f32 v14, v27  }
0x116: {  	v4 =	vadd.f32 v4, v10;
	v14 =	vld [tilespmem:s1+$0x7F10];
	v0 =	vadd.f32 v13, v0;
	v10 =	vmax.f32 v15, v24  }
0x117: {  	v2 =	vadd.f32 v46, v2;
	v3 =	vadd.f32 v47, v3;
	v13 =	vld [tilespmem:s1+$0x7F20];
	v15 =	vmax.f32 v16, v27  }
0x118: {  	v4 =	vadd.f32 v10, v4;
	v16 =	vld [tilespmem:s1+$0x7F30];
	v0 =	vadd.f32 v15, v0;
	v5 =	vmax.f32 v5, v24  }
0x119: {  	v45 =	vadd.f32 v43, v2;
	v52 =	vadd.f32 v44, v3;
	v10 =	vld [tilespmem:s1+$0x7F40];
	v2 =	vmax.f32 v11, v27  }
0x11a: {  	v49 =	vadd.f32 v5, v4;
	v3 =	vld [tilespmem:s1+$0x7F50];
	v50 =	vadd.f32 v2, v0  }
0x11b: {  	v0 =	vld [tilespmem:s1+$0x7E80]  }
0x11c: {  	v2 =	vld [tilespmem:s1+$0x7E90]  }
0x11d: {  	v4 =	vld [tilespmem:s1+$0x7EA0]  }
0x11e: {  	v5 =	vld [tilespmem:s1+$0x7EB0]  }
0x11f: {  	v11 =	vld [tilespmem:s1+$0x7EC0]  }
0x120: {  	v15 =	vld [tilespmem:s1+$0x7ED0]  }
0x121: {  	v59 =	vld [tilespmem:s1+$0x7E00]  }
0x122: {  	v60 =	vld [tilespmem:s1+$0x7E10]  }
0x123: {  	v61 =	vld [tilespmem:s1+$0x7E20]  }
0x124: {  	v62 =	vld [tilespmem:s1+$0x7E30]  }
0x125: {  	v63 =	vld [tilespmem:s1+$0x7D80]  }
0x126: {  	v17 =	vld [tilespmem:s1+$0x7D90]  }
0x127: {  	v25 =	vld [tilespmem:s1+$0x7D00]  }
0x128: {  	v53 =	vmax.f32 v12, v18;
	v54 =	vmax.f32 v14, v19;
	v48 =	vmax.f32 v13, v20;
	v26 =	vld [tilespmem:s1+$0x7D10]  }
0x129: {  	v51 =	vmax.f32 v16, v21;
	v43 =	vmax.f32 v10, v22;
	v44 =	vmax.f32 v3, v23;
	v12 =	vld [tilespmem:s1+$0x7D20]  }
0x12a: {  	v57 =	vmax.f32 v0, v18;
	v58 =	vmax.f32 v2, v19;
	v55 =	vmax.f32 v4, v20;
	v3 =	vld [tilespmem:s1+$0x7D30]  }
0x12b: {  	v56 =	vmax.f32 v5, v21;
	v46 =	vmax.f32 v11, v22;
	v47 =	vmax.f32 v15, v23;
	v0 =	vld [tilespmem:s1+$0x7DA0]  }
0x12c: {  	v11 =	vmax.f32 v59, v18;
	v13 =	vmax.f32 v60, v19;
	v61 =	vmax.f32 v61, v20;
	v10 =	vld [tilespmem:s1+$0x7DB0]  }
0x12d: {  	v62 =	vmax.f32 v62, v21;
	v14 =	vmax.f32 v63, v18;
	v15 =	vmax.f32 v17, v19;
	v16 =	vld [tilespmem:s1+$0x7E40]  }
0x12e: {  	v2 =	vmax.f32 v25, v18;
	v4 =	vmax.f32 v26, v19;
	v5 =	vmax.f32 v12, v20;
	v12 =	vld [tilespmem:s1+$0x7E50]  }
.Ltmp6:
0x12f: {  	v8 =	vadd.f32 v2, v8;
	v9 =	vadd.f32 v4, v9;
	v2 =	vmax.f32 v3, v21;
	v4 =	vld [tilespmem:s1+$0x7DC0];
	(pc) =	sbr.rel @p2 .LBB2_9-.Ltmp6, $4  }
0x130: {  	v6 =	vadd.f32 v5, v6;
	v7 =	vadd.f32 v2, v7;
	v0 =	vmax.f32 v0, v20;
	v5 =	vld [tilespmem:s1+$0x7DD0]  }
0x131: {  	v8 =	vadd.f32 v14, v8;
	v9 =	vadd.f32 v15, v9;
	v2 =	vld [tilespmem:s1+$0x7D40];
	v10 =	vmax.f32 v10, v21  }
0x132: {  	v6 =	vadd.f32 v0, v6;
	v3 =	vld [tilespmem:s1+$0x7D50];
	v7 =	vadd.f32 v10, v7;
	v59 =	vmax.f32 v16, v22  }
0x133: {  	s3 =	sadd.s32 $0xA00, s3;
	v8 =	vadd.f32 v11, v8;
	v9 =	vadd.f32 v13, v9;
	v63 =	vld [tilespmem:s1+$0x7D60];
	v60 =	vmax.f32 v12, v23  }
0x134: {  	v6 =	vadd.f32 v61, v6;
	v7 =	vadd.f32 v62, v7  }
0x135: {  	v8 =	vadd.f32 v57, v8;
	v9 =	vadd.f32 v58, v9  }
0x136: {  	v0 =	vld [tilespmem:s1+$0x7D70];
	v4 =	vmax.f32 v4, v22;
	v6 =	vadd.f32 v55, v6;
	v7 =	vadd.f32 v56, v7  }
0x137: {  	v10 =	vld [tilespmem:s1+$0x7DE0];
	v2 =	vmax.f32 v2, v22;
	v8 =	vadd.f32 v53, v8;
	v9 =	vadd.f32 v54, v9  }
0x138: {  	v3 =	vmax.f32 v3, v23;
	v2 =	vadd.f32 v2, v45;
	v6 =	vadd.f32 v48, v6  }
0x139: {  	v11 =	vld [tilespmem:s1+$0x7DF0];
	v13 =	vmax.f32 v63, v24;
	v7 =	vadd.f32 v51, v7;
	v3 =	vadd.f32 v3, v52  }
0x13a: {  	v12 =	vld [tilespmem:s1+$0x7E60];
	v5 =	vmax.f32 v5, v23;
	v13 =	vadd.f32 v13, v49;
	v2 =	vadd.f32 v4, v2  }
0x13b: {  	v14 =	vld [tilespmem:s1+$0x7E70];
	v0 =	vmax.f32 v0, v27;
	v61 =	vsub.f32 v8, v28;
	v62 =	vsub.f32 v9, v34  }
0x13c: {  	v15 =	vld [tilespmem:s1+$0x7EE0];
	v10 =	vmax.f32 v10, v24;
	v0 =	vadd.f32 v0, v50;
	v3 =	vadd.f32 v5, v3  }
0x13d: {  	v63 =	vld [tilespmem:$0x1FFE0];
	v6 =	vsub.f32 v6, v29;
	v10 =	vadd.f32 v10, v13  }
0x13e: {  	v16 =	vld [tilespmem:s1+$0x7EF0];
	v53 =	vmax.f32 v11, v27;
	v2 =	vadd.f32 v59, v2;
	v42 =	vadd.f32 v61, v42  }
0x13f: {  	v54 =	vld [tilespmem:s1+$0x7F60];
	v41 =	vadd.f32 v62, v41;
	v0 =	vadd.f32 v53, v0  }
0x140: {  	v56 =	vld [tilespmem:s1+$0x7F70];
	v55 =	vmax.f32 v12, v24;
	v3 =	vadd.f32 v60, v3;
	v40 =	vadd.f32 v6, v40  }
0x141: {  	v57 =	vmax.f32 v14, v27;
	v4 =	vadd.f32 v55, v10;
	v2 =	vadd.f32 v46, v2  }
0x142: {  	v58 =	vmax.f32 v15, v24;
	v7 =	vsub.f32 v7, v63;
	v0 =	vadd.f32 v57, v0  }
0x143: {  	v59 =	vmax.f32 v16, v27;
	v3 =	vadd.f32 v47, v3;
	v4 =	vadd.f32 v58, v4  }
0x144: {  	v5 =	vmax.f32 v54, v24;
	v2 =	vadd.f32 v43, v2;
	v0 =	vadd.f32 v59, v0  }
0x145: {  	v60 =	vmax.f32 v56, v27;
	v39 =	vadd.f32 v7, v39;
	v3 =	vadd.f32 v44, v3  }
.Ltmp7:
0x146: {  	v4 =	vadd.f32 v5, v4;
	v0 =	vadd.f32 v60, v0;
	(pc) =	sbr.rel @p1 .LBB2_12-.Ltmp7, $4  }
0x147: {  	v2 =	vsub.f32 v2, v30;
	v3 =	vsub.f32 v3, v31  }
0x148: {  	v4 =	vsub.f32 v4, v32;
	v0 =	vsub.f32 v0, v33  }
0x149: {  	v38 =	vadd.f32 v2, v38;
	v37 =	vadd.f32 v3, v37  }
0x14a: {  	v36 =	vadd.f32 v4, v36;
	v35 =	vadd.f32 v0, v35  }
0x14b: {  	s1 =	smul.u32 $0xFA00, s31  }
.Ltmp8:
0x14c: {  	_ = 	snop;
	(pc) =	sbr.rel .LBB2_6-.Ltmp8, $4  }
0x14d: {  	s1 =	sadd.s32 s1, s13  }
0x14e: {  	s1 =	sshrl.u32 s1, $0x3  }
0x14f: {  	s31 =	sadd.s32 $0x1, s31;
	s1 =	sadd.s32 s0, s1  }
0x150: {  	v17 =	vmov v28;
	v25 =	vmov v34;
	v26 =	vmov v29;
	[tilespmem:s17], [sflag:$0x2] =	stream.linear.gather [hbm4b:s1+s6], $0x7D00, $0x38;
	[tilespmem:$0x1A280] =	vst v63  }
.LBB2_13:
0x151: {  	[tilespmem:s28], [sflag:$0x4] =	stream.linear.gather [spmem:s5], $0x800, $0x38;
	[tilespmem:$0x1A280] =	vst v63  }
0x152: {  	_ =	swait.ge [sflag:s19], $0x800  }
0x153: {  	[sflag:s19] =	ssyncset.done $0x0  }
0x154: {  	[sflag:s19] =	ssyncadd.s32 $0xFFFFF800  }
0x155: {  	s1 =	simm.s32 $0x0;
	s3 =	rddreg [dreg:$0x3]  }
0x156: {  	[tilespmem:s29], [sflag:$0x4] =	stream.linear.gather [hbm4b:s3+s1], $0x200, $0x38;
	[tilespmem:$0x1A280] =	vst v63  }
0x157: {  	_ =	swait.ge [sflag:s19], $0x200  }
0x158: {  	[sflag:s19] =	ssyncset.done $0x0  }
0x159: {  	s31 =	simm.s32 $0x0;
	[sflag:s19] =	ssyncadd.s32 $0xFFFFFE00  }
0x15a: {  	v0 =	vld [tilespmem:s31+$0x19870]  }
0x15b: {  	v2 =	vld [tilespmem:s31+$0x19800]  }
0x15c: {  	v3 =	vld [tilespmem:s31+$0x19810]  }
0x15d: {  	v23 =	vld [tilespmem:s31+$0x19820]  }
0x15e: {  	v24 =	vld [tilespmem:s31+$0x19830]  }
0x15f: {  	v21 =	vimm.f32 $0.0e+00;
	v22 =	vimm.f32 $0.0e+00;
	v25 =	vld [tilespmem:s31+$0x19840]  }
0x160: {  	v28 =	vimm.f32 $0.0e+00;
	v26 =	vimm.f32 $0.0e+00;
	v29 =	vld [tilespmem:s31+$0x19850];
	v18 =	vadd.f32 v0, v21  }
0x161: {  	v27 =	vimm.f32 $0.0e+00;
	s1 =	simm.s32 $0x80;
	s3 =	simm.s32 $0x400;
	v19 =	vadd.f32 v2, v21;
	v20 =	vadd.f32 v3, v21;
	v2 =	vld [tilespmem:s31+$0x19860]  }
.LBB2_14:
0x162: {  	p1 =	sne.s32 s3, $0x1E00;
	v0 =	vld [tilespmem:s1+$0x19870];
	v21 =	vadd.f32 v23, v21  }
0x163: {  	v3 =	vld [tilespmem:s1+$0x19800];
	v22 =	vadd.f32 v24, v22  }
0x164: {  	v4 =	vld [tilespmem:s1+$0x19810];
	v28 =	vadd.f32 v25, v28  }
.Ltmp9:
0x165: {  	v23 =	vld [tilespmem:s1+$0x19820];
	v26 =	vadd.f32 v29, v26;
	(pc) =	sbr.rel @p1 .LBB2_14-.Ltmp9, $4  }
0x166: {  	v24 =	vld [tilespmem:s1+$0x19830];
	v27 =	vadd.f32 v2, v27  }
0x167: {  	v25 =	vld [tilespmem:s1+$0x19840];
	v18 =	vadd.f32 v0, v18  }
0x168: {  	v19 =	vadd.f32 v3, v19;
	v29 =	vld [tilespmem:s1+$0x19850]  }
0x169: {  	v20 =	vadd.f32 v4, v20;
	v2 =	vld [tilespmem:s1+$0x19860];
	s1 =	sshra.s32 s3, $0x2;
	s3 =	sadd.s32 $0x200, s3  }
0x16a: {  	v0 =	vld [tilespmem:s1+$0x19870]  }
0x16b: {  	v3 =	vld [tilespmem:s1+$0x19800]  }
0x16c: {  	v4 =	vld [tilespmem:s1+$0x19810]  }
0x16d: {  	v5 =	vld [tilespmem:s1+$0x19820]  }
0x16e: {  	v6 =	vld [tilespmem:s1+$0x19830]  }
0x16f: {  	v7 =	vld [tilespmem:s1+$0x19840]  }
0x170: {  	v8 =	vld [tilespmem:s1+$0x19850]  }
0x171: {  	v9 =	vld [tilespmem:s1+$0x19860]  }
0x172: {  	v10 =	vld [tilespmem:$0x1A000]  }
0x173: {  	v11 =	vld [tilespmem:$0x1A080]  }
0x174: {  	v12 =	vld [tilespmem:$0x1A100]  }
0x175: {  	v13 =	vld [tilespmem:$0x1A180]  }
0x176: {  	v14 =	vld [tilespmem:$0x1A010]  }
0x177: {  	v15 =	vld [tilespmem:$0x1A090]  }
0x178: {  	v16 =	vld [tilespmem:$0x1A110]  }
0x179: {  	v17 =	vld [tilespmem:$0x1A190]  }
0x17a: {  	v30 =	vld [tilespmem:$0x1A020]  }
0x17b: {  	v31 =	vld [tilespmem:$0x1A0A0]  }
0x17c: {  	v45 =	vld [tilespmem:$0x1A120]  }
0x17d: {  	v47 =	vld [tilespmem:$0x1A1A0]  }
0x17e: {  	v48 =	vld [tilespmem:$0x1A030]  }
0x17f: {  	v49 =	vld [tilespmem:$0x1A0B0]  }
0x180: {  	v50 =	vld [tilespmem:$0x1A130]  }
0x181: {  	v51 =	vld [tilespmem:$0x1FEF0]  }
0x182: {  	v52 =	vld [tilespmem:$0x1FEE0]  }
0x183: {  	v53 =	vld [tilespmem:$0x1A1B0]  }
0x184: {  	v54 =	vld [tilespmem:$0x1FF10]  }
0x185: {  	v55 =	vld [tilespmem:$0x1A040]  }
0x186: {  	v56 =	vld [tilespmem:$0x1FF00]  }
0x187: {  	v57 =	vld [tilespmem:$0x1A0C0]  }
0x188: {  	v59 =	vld [tilespmem:$0x1FF30]  }
0x189: {  	v60 =	vld [tilespmem:$0x1A140]  }
0x18a: {  	v62 =	vld [tilespmem:$0x1FF50]  }
0x18b: {  	v63 =	vld [tilespmem:$0x1A050]  }
0x18c: {  	v32 =	vld [tilespmem:$0x1FFF0]  }
0x18d: {  	v35 =	vld [tilespmem:$0x1A0E0]  }
0x18e: {  	v37 =	vld [tilespmem:$0x1A070]  }
0x18f: {  	v21 =	vadd.f32 v23, v21;
	v39 =	vld [tilespmem:$0x1A0F0];
	v22 =	vadd.f32 v24, v22  }
0x190: {  	v41 =	vld [tilespmem:$0x1FF70];
	v46 =	vadd.f32 v25, v28;
	v26 =	vadd.f32 v29, v26  }
0x191: {  	v42 =	vld [tilespmem:$0x1A160];
	v2 =	vadd.f32 v2, v27;
	v0 =	vadd.f32 v0, v18;
	v11 =	vmul.f32 v11, v51  }
0x192: {  	v43 =	vld [tilespmem:$0x1FF60];
	v3 =	vadd.f32 v3, v19;
	v12 =	vmul.f32 v12, v52;
	v10 =	vmul.f32 $3.200000000e+05, v10  }
0x193: {  	v28 =	vld [tilespmem:$0x1A0D0];
	v4 =	vadd.f32 v4, v20;
	v15 =	vmul.f32 v15, v54;
	v14 =	vmul.f32 $3.200000000e+05, v14  }
0x194: {  	v29 =	vld [tilespmem:$0x1FF40];
	v5 =	vadd.f32 v5, v21;
	v16 =	vmul.f32 v16, v56;
	v58 =	vmul.f32 $3.200000000e+05, v30  }
0x195: {  	v6 =	vadd.f32 v6, v22;
	v24 =	vmul.f32 v31, v59;
	v61 =	vmul.f32 $3.200000000e+05, v48;
	v30 =	vld [tilespmem:$0x1A150]  }
0x196: {  	v8 =	vadd.f32 v8, v26;
	v18 =	vmul.f32 v49, v62;
	v40 =	vmul.f32 $3.200000000e+05, v55;
	v48 =	vld [tilespmem:$0x1FF80]  }
0x197: {  	v44 =	vmul.f32 $3.200000000e+05, v63;
	v49 =	vld [tilespmem:$0x1A1D0];
	v2 =	vadd.f32 v9, v2;
	v10 =	vadd.f32 v11, v10  }
0x198: {  	v52 =	vld [tilespmem:$0x1FFD0];
	v9 =	vmul.f32 v60, v43;
	v14 =	vadd.f32 v15, v14;
	v11 =	vadd.f32 v24, v58  }
0x199: {  	v24 =	vld [tilespmem:$0x1FF20];
	v15 =	vadd.f32 v18, v61;
	v3 =	vmul.f32 v13, v3;
	v4 =	vmul.f32 v17, v4  }
0x19a: {  	v5 =	vmul.f32 v47, v5;
	v6 =	vmul.f32 v53, v6;
	v47 =	vld [tilespmem:$0x1FF90];
	v10 =	vadd.f32 v12, v10  }
0x19b: {  	v31 =	vld [tilespmem:$0x1A060];
	v14 =	vadd.f32 v16, v14;
	v16 =	vmul.f32 v50, v29;
	v18 =	vmul.f32 v30, v48  }
0x19c: {  	v50 =	vld [tilespmem:$0x1FFB0];
	v59 =	vmul.f32 v49, v8;
	v10 =	vmul.f32 v10, v32  }
0x19d: {  	v56 =	vld [tilespmem:$0x1FFC0];
	v33 =	vmul.f32 v14, v32;
	v34 =	vadd.f32 v16, v15;
	v16 =	vmul.f32 v57, v41  }
0x19e: {  	v7 =	vadd.f32 v7, v46;
	v53 =	vld [tilespmem:$0x1FFA0];
	v14 =	vmul.f32 v39, v52;
	v12 =	vmul.f32 v45, v24  }
0x19f: {  	v45 =	vld [tilespmem:$0x1A170];
	v21 =	vmul.f32 v28, v47;
	v3 =	vadd.f32 v10, v3;
	v4 =	vadd.f32 v33, v4  }
0x1a0: {  	v46 =	vld [tilespmem:$0x1A1C0];
	v38 =	vmul.f32 v34, v32;
	v13 =	vadd.f32 v16, v40;
	v11 =	vadd.f32 v12, v11  }
0x1a1: {  	v12 =	vmul.f32 $3.200000000e+05, v31;
	v15 =	vmul.f32 v35, v50;
	v19 =	vadd.f32 v21, v44  }
0x1a2: {  	v51 =	vld [tilespmem:$0x1A1E0];
	v6 =	vadd.f32 v38, v6;
	v36 =	vmul.f32 v11, v32;
	v11 =	vmul.f32 $3.200000000e+05, v37  }
0x1a3: {  	v54 =	vld [tilespmem:$0x1A1F0];
	v9 =	vadd.f32 v9, v13;
	v13 =	vmul.f32 v42, v53;
	v12 =	vadd.f32 v15, v12  }
0x1a4: {  	v55 =	vadd.f32 v18, v19;
	v11 =	vadd.f32 v14, v11;
	v14 =	vmul.f32 v45, v56  }
0x1a5: {  	[tilespmem:$0x11A80] =	vst v3;
	v3 =	vmul.f32 v46, v7;
	v57 =	vmul.f32 v9, v32;
	v58 =	vadd.f32 v13, v12  }
0x1a6: {  	[tilespmem:$0x11A90] =	vst v4;
	v5 =	vadd.f32 v36, v5;
	v60 =	vmul.f32 v55, v32;
	v61 =	vadd.f32 v14, v11  }
0x1a7: {  	v2 =	vmul.f32 v51, v2;
	[tilespmem:$0x11AB0] =	vst v6;
	v3 =	vadd.f32 v57, v3;
	v62 =	vmul.f32 v58, v32  }
0x1a8: {  	v0 =	vmul.f32 v54, v0;
	[tilespmem:$0x11AA0] =	vst v5;
	v4 =	vadd.f32 v60, v59;
	v63 =	vmul.f32 v61, v32  }
0x1a9: {  	[tilespmem:$0x11AC0] =	vst v3;
	v2 =	vadd.f32 v62, v2  }
0x1aa: {  	[tilespmem:$0x11AD0] =	vst v4;
	v0 =	vadd.f32 v63, v0  }
0x1ab: {  	[tilespmem:$0x11AE0] =	vst v2  }
.Ltmp10:
0x1ac: {  	[tilespmem:$0x11AF0] =	vst v0;
	(pc) =	sbr.rel .LBB2_16-.Ltmp10, $4  }
0x1ad: {  	[hbm4b:s15+s6] =	stream.linear.scatter [tilespmem:s26], [sflag:$0x4], $0x80, $0x38;
	[tilespmem:$0x1A280] =	vst v63  }
0x1ae: {  	_ =	swait.ge [sflag:s19], $0x80  }
0x1af: {  	[sflag:s19] =	ssyncset.done $0x0  }
0x1b0: {  	[sflag:s19] =	ssyncadd.s32 $0xFFFFFF80  }
.LBB2_17:
0x1b1: {  	_ =	sfence.sel $0x180000  }
0x1b2: {  	[bflag:$0x0] =	sbarrier.arrive $0xFFFF  }
0x1b3: {  	_ =	strace $0x9000004A  }
0x1b4: {  	[bflag:$0x2] =	sbarrier.arrive $0xFFFF  }
0x1b5: {  	s0 =	rddreg [dreg:$0x6]  }
0x1b6: {  	s0 =	sadd.s32 @!p0 $0x100000, s0  }
0x1b7: {  	[sflag:s0] =	ssyncadd.tile.s32 @!p0 $0x1;
	_ =	shalt  }
.Lfunc_end2:
_tile_overlayer_lowered:
.L_overlay_start_2:
0x1b8: {  	(tag) =	ssettag $0x2  }
0x1b9: {  	s0 =	rddreg [dreg:$0x0];
	s2 =	stileid.u32  }
0x1ba: {  	s1 =	rddreg [dreg:$0x1];
	p0 =	sne.s32 s2, $0x0  }
0x1bb: {  	s3 =	rddreg [dreg:$0x2];
	[bflag:$0x3] =	sbarrier.arrive $0xFFFF;
	s2 =	simm.s32 @!p0 $0x1C04  }
0x1bc: {  	[timem:s3], [sflag:s2] =	dma.local @!p0 [hbm:s0], s1  }
0x1bd: {  	s0 =	simm.s32 @!p0 $0x4  }
0x1be: {  	_ =	swait.ge @!p0 [sflag:s0], s1  }
0x1bf: {  	s1 =	ssub.s32 @!p0 $0x0, s1;
	[sflag:s0] =	ssyncset.done @!p0 $0x0  }
0x1c0: {  	[sflag:s0] =	ssyncadd.s32 @!p0 s1  }
0x1c1: {  	[bflag:$0x3] =	sbarrier.arrive $0xFFFF  }
0x1c2: {  	_ =	shalt  }

</sc_bundles>
